<compile_context>
chip_gen: v7x
topology: tpu7x:2x2x1
jax: 0.10.2.dev20260603
libtpu: 0.0.44.dev20260713+nightly
codegen_flags: <defaults>
</compile_context>

<pallas_src>
import jax
import jax.numpy as jnp
from jax import lax
from jax.experimental import pallas as pl
from jax.experimental.pallas import tpu as pltpu
from jax.experimental.pallas import tpu_sc as plsc

B, K, D = 1024, 50, 32
N = 1000000
KPI = 56
KPA = 64
NC, NS = 2, 16
NW = NC * NS
BPW = B // NW
HALF = D // 2


def _dis_loss_body(emb_hbm, table_hbm, attr_hbm, idx_hbm, out_hbm,
                   embb_v, attr_v, idx_v, rows_v, o_v, sem):
    wid = lax.axis_index("s") * NC + lax.axis_index("c")
    pltpu.sync_copy(emb_hbm.at[pl.ds(wid * (BPW * D), BPW * D)], embb_v)
    pltpu.sync_copy(attr_hbm.at[pl.ds(wid * (BPW * KPA), BPW * KPA)], attr_v)
    pltpu.sync_copy(idx_hbm.at[pl.ds(wid * (BPW * KPI), BPW * KPI)], idx_v)

    for b in range(BPW):
        pltpu.async_copy(table_hbm.at[idx_v.at[pl.ds(b * KPI, KPI)]],
                         rows_v.at[b], sem)
    for b in range(BPW):
        pltpu.make_async_copy(
            table_hbm.at[idx_v.at[pl.ds(b * KPI, KPI)]],
            rows_v.at[b], sem).wait()

    def b_loop(b, carry):
        acc_lo, acc_hi = carry
        x_lo = embb_v[pl.ds(b * D, HALF)]
        x_hi = embb_v[pl.ds(b * D + HALF, HALF)]
        for g2 in range(KPA // HALF):
            av = attr_v[pl.ds(b * KPA + g2 * HALF, HALF)]
            for kk in range(HALF):
                k = g2 * HALF + kk
                if k >= KPI:
                    break
                a = av[kk]
                d_lo = rows_v[b, k, 0:HALF] - x_lo
                d_hi = rows_v[b, k, HALF:D] - x_hi
                acc_lo = acc_lo + a * (d_lo * d_lo)
                acc_hi = acc_hi + a * (d_hi * d_hi)
        return (acc_lo, acc_hi)

    z = jnp.zeros((HALF,), jnp.float32)
    acc_lo, acc_hi = lax.fori_loop(0, BPW, b_loop, (z, z))
    o_v[...] = acc_lo + acc_hi
    pltpu.sync_copy(o_v, out_hbm.at[pl.ds(wid * HALF, HALF)])


def kernel(emb_batch, embedding, attr_sim, indices, beta):
    del beta
    idx_p = jnp.pad(indices, ((0, 0), (0, KPI - K))).reshape(-1)
    attr_p = jnp.pad(attr_sim, ((0, 0), (0, KPA - K))).reshape(-1)
    emb_flat = emb_batch.reshape(-1)
    mesh = plsc.VectorSubcoreMesh(core_axis_name="c", subcore_axis_name="s")
    out = pl.kernel(
        _dis_loss_body,
        out_type=jax.ShapeDtypeStruct((NW * HALF,), jnp.float32),
        mesh=mesh,
        compiler_params=pltpu.CompilerParams(use_tc_tiling_on_sc=False),
        scratch_types=[
            pltpu.VMEM((BPW * D,), jnp.float32),
            pltpu.VMEM((BPW * KPA,), jnp.float32),
            pltpu.VMEM((BPW * KPI,), jnp.int32),
            pltpu.VMEM((BPW, KPI, D), jnp.float32),
            pltpu.VMEM((HALF,), jnp.float32),
            pltpu.SemaphoreType.DMA,
        ],
    )(emb_flat, embedding, attr_p, idx_p)
    return jnp.sum(out) / jnp.float32(B)

# --- scband reference (transcript-rebuilt; emitter-appended) ---
"""Pipeline reference for scband-dis-loss-70222715290003 (READ-ONLY COPY).

The authoritative reference and input builder live on the scoring server;
editing this copy changes nothing except your own understanding.
"""

import jax, jax.numpy as jnp
import numpy as np


def setup_inputs(seed: int = 0) -> dict:
    key = jax.random.key(seed)
    k1, k2, k3, k4 = jax.random.split(key, 4)
    B, K, N, d = 1024, 50, 1000000, 32
    emb_batch = jax.random.normal(k1, (B, d), dtype=jnp.float32)
    embedding = jax.random.normal(k2, (N, d), dtype=jnp.float32)
    attr_sim = jax.random.uniform(k3, (B, K), dtype=jnp.float32)
    indices = jax.random.randint(k4, (B, K), 0, N, dtype=jnp.int32)
    beta = 1
    return {
        "emb_batch": emb_batch,
        "embedding": embedding,
        "attr_sim": attr_sim,
        "indices": indices,
        "beta": beta,
    }


def reference(emb_batch, embedding, attr_sim, indices, beta):
    # Original loop:
    #   for i: loss += dot( sum((embedding[indices[i]] - emb_i)^2, -1), attr_sim[i] )
    #   return loss / B
    # Vectorized (same math):
    gathered = jnp.take(embedding, indices, axis=0)              # [B, K, d]
    diff = gathered - emb_batch[:, None, :]                      # [B, K, d]
    b = jnp.sum(diff * diff, axis=-1)                            # [B, K]
    per_sample = jnp.sum(b * attr_sim, axis=-1)                  # [B] (1-D matmul == dot)
    loss = jnp.sum(per_sample) / emb_batch.shape[0]
    return loss

if __name__ == "__main__":
    import jax
    _d = setup_inputs()
    print(jax.jit(kernel)(*tuple(_d.values())))

</pallas_src>

<mosaic_0001>
#map = affine_map<(d0, d1) -> (0)>
#map1 = affine_map<(d0, d1) -> (0, 0)>
module attributes {stable_mosaic.version = 14 : i64} {
  func.func @_dis_loss_body(%arg0: i32, %arg1: i32, %arg2: memref<32768xf32, #tpu.memory_space<hbm>>, %arg3: memref<1000000x32xf32, #tpu.memory_space<hbm>>, %arg4: memref<65536xf32, #tpu.memory_space<hbm>>, %arg5: memref<57344xi32, #tpu.memory_space<hbm>>, %arg6: memref<512xf32, #tpu.memory_space<hbm>>, %arg7: memref<1024xf32, #tpu.memory_space<vmem>>, %arg8: memref<2048xf32, #tpu.memory_space<vmem>>, %arg9: memref<1792xi32, #tpu.memory_space<vmem>>, %arg10: memref<32x56x32xf32, #tpu.memory_space<vmem>>, %arg11: memref<16xf32, #tpu.memory_space<vmem>>, %arg12: memref<!tpu.dma_semaphore, #tpu.memory_space<semaphore_mem>>) attributes {dimension_semantics = [#tpu.dimension_semantics<core_parallel>, #tpu.dimension_semantics<subcore_parallel>], iteration_bounds = array<i64: 2, 16>, scalar_prefetch = 0 : i64, scratch_operands = 6 : i64, tpu.core_type = #tpu.core_type<sc_vector_subcore>, window_params = [{transform_indices = #map}, {transform_indices = #map1}, {transform_indices = #map}, {transform_indices = #map}, {transform_indices = #map}]} {
    %mul3A = arith.constant 2 : i32
    %mul3A_0 = arith.muli %arg1, %mul3A : i32
    %add3A = arith.addi %mul3A_0, %arg0 : i32
    %mul3A_1 = arith.constant 1024 : i32
    %mul3A_2 = arith.muli %add3A, %mul3A_1 : i32
    "tpu.region"() ({
      %run_scoped3A = tpu.sem_alloc : memref<!tpu.dma_semaphore, #tpu.memory_space<semaphore_mem>>
      %dma_start3A_657 = tpu.memref_slice %arg2[%mul3A_2] : memref<32768xf32, #tpu.memory_space<hbm>> -> memref<1024xf32, #tpu.memory_space<hbm>>
      %dma_start3A_658 = tpu.memref_slice %arg2[%mul3A_2] : memref<32768xf32, #tpu.memory_space<hbm>> -> memref<1024xf32, #tpu.memory_space<hbm>>
      tpu.enqueue_dma source(%dma_start3A_658 : memref<1024xf32, #tpu.memory_space<hbm>>) target(%arg7 : memref<1024xf32, #tpu.memory_space<vmem>>) target_semaphore(%run_scoped3A : memref<!tpu.dma_semaphore, #tpu.memory_space<semaphore_mem>>)
      %dma_wait3A_659 = tpu.memref_slice %arg2[%mul3A_2] : memref<32768xf32, #tpu.memory_space<hbm>> -> memref<1024xf32, #tpu.memory_space<hbm>>
      %dma_wait3A_660 = tpu.memref_slice %arg2[%mul3A_2] : memref<32768xf32, #tpu.memory_space<hbm>> -> memref<1024xf32, #tpu.memory_space<hbm>>
      tpu.wait_dma2 semaphore(%run_scoped3A : memref<!tpu.dma_semaphore, #tpu.memory_space<semaphore_mem>>) src(%dma_wait3A_660 : memref<1024xf32, #tpu.memory_space<hbm>>) dst(%arg7 : memref<1024xf32, #tpu.memory_space<vmem>>)
      tpu.yield
    }) : () -> ()
    %mul3A_3 = arith.constant 2048 : i32
    %mul3A_4 = arith.muli %add3A, %mul3A_3 : i32
    "tpu.region"() ({
      %run_scoped3A = tpu.sem_alloc : memref<!tpu.dma_semaphore, #tpu.memory_space<semaphore_mem>>
      %dma_start3A_657 = tpu.memref_slice %arg4[%mul3A_4] : memref<65536xf32, #tpu.memory_space<hbm>> -> memref<2048xf32, #tpu.memory_space<hbm>>
      %dma_start3A_658 = tpu.memref_slice %arg4[%mul3A_4] : memref<65536xf32, #tpu.memory_space<hbm>> -> memref<2048xf32, #tpu.memory_space<hbm>>
      tpu.enqueue_dma source(%dma_start3A_658 : memref<2048xf32, #tpu.memory_space<hbm>>) target(%arg8 : memref<2048xf32, #tpu.memory_space<vmem>>) target_semaphore(%run_scoped3A : memref<!tpu.dma_semaphore, #tpu.memory_space<semaphore_mem>>)
      %dma_wait3A_659 = tpu.memref_slice %arg4[%mul3A_4] : memref<65536xf32, #tpu.memory_space<hbm>> -> memref<2048xf32, #tpu.memory_space<hbm>>
      %dma_wait3A_660 = tpu.memref_slice %arg4[%mul3A_4] : memref<65536xf32, #tpu.memory_space<hbm>> -> memref<2048xf32, #tpu.memory_space<hbm>>
      tpu.wait_dma2 semaphore(%run_scoped3A : memref<!tpu.dma_semaphore, #tpu.memory_space<semaphore_mem>>) src(%dma_wait3A_660 : memref<2048xf32, #tpu.memory_space<hbm>>) dst(%arg8 : memref<2048xf32, #tpu.memory_space<vmem>>)
      tpu.yield
    }) : () -> ()
    %mul3A_5 = arith.constant 1792 : i32
    %mul3A_6 = arith.muli %add3A, %mul3A_5 : i32
    "tpu.region"() ({
      %run_scoped3A = tpu.sem_alloc : memref<!tpu.dma_semaphore, #tpu.memory_space<semaphore_mem>>
      %dma_start3A_657 = tpu.memref_slice %arg5[%mul3A_6] : memref<57344xi32, #tpu.memory_space<hbm>> -> memref<1792xi32, #tpu.memory_space<hbm>>
      %dma_start3A_658 = tpu.memref_slice %arg5[%mul3A_6] : memref<57344xi32, #tpu.memory_space<hbm>> -> memref<1792xi32, #tpu.memory_space<hbm>>
      tpu.enqueue_dma source(%dma_start3A_658 : memref<1792xi32, #tpu.memory_space<hbm>>) target(%arg9 : memref<1792xi32, #tpu.memory_space<vmem>>) target_semaphore(%run_scoped3A : memref<!tpu.dma_semaphore, #tpu.memory_space<semaphore_mem>>)
      %dma_wait3A_659 = tpu.memref_slice %arg5[%mul3A_6] : memref<57344xi32, #tpu.memory_space<hbm>> -> memref<1792xi32, #tpu.memory_space<hbm>>
      %dma_wait3A_660 = tpu.memref_slice %arg5[%mul3A_6] : memref<57344xi32, #tpu.memory_space<hbm>> -> memref<1792xi32, #tpu.memory_space<hbm>>
      tpu.wait_dma2 semaphore(%run_scoped3A : memref<!tpu.dma_semaphore, #tpu.memory_space<semaphore_mem>>) src(%dma_wait3A_660 : memref<1792xi32, #tpu.memory_space<hbm>>) dst(%arg9 : memref<1792xi32, #tpu.memory_space<vmem>>)
      tpu.yield
    }) : () -> ()
    %dma_start3A = arith.constant 0 : i32
    %dma_start3A_7 = arith.constant 0 : i32
    %dma_start3A_8 = arith.constant 0 : i32
    %dma_start3A_9 = tpu.memref_slice %arg10[%dma_start3A, %dma_start3A_7, %dma_start3A_8] : memref<32x56x32xf32, #tpu.memory_space<vmem>> -> memref<1x56x32xf32, #tpu.memory_space<vmem>>
    %dma_start3A_10 = tpu.memref_squeeze %dma_start3A_9 : memref<1x56x32xf32, #tpu.memory_space<vmem>> -> memref<56x32xf32, #tpu.memory_space<vmem>>
    %dma_start3A_11 = arith.constant 0 : i32
    %dma_start3A_12 = tpu.memref_slice %arg9[%dma_start3A_11] : memref<1792xi32, #tpu.memory_space<vmem>> -> memref<56xi32, #tpu.memory_space<vmem>>
    %dma_start3A_13 = arith.constant 0 : i32
    %dma_start3A_14 = arith.constant 0 : i32
    %dma_start3A_15 = tpu.memref_slice %arg3[%dma_start3A_13, %dma_start3A_14] : memref<1000000x32xf32, #tpu.memory_space<hbm>> -> memref<1000000x32xf32, #tpu.memory_space<hbm>>
    tpu.enqueue_indirect_dma source(%dma_start3A_15 : memref<1000000x32xf32, #tpu.memory_space<hbm>>) target(%dma_start3A_10 : memref<56x32xf32, #tpu.memory_space<vmem>>) offsets(%dma_start3A_12 : memref<56xi32, #tpu.memory_space<vmem>>) semaphore(%arg12 : memref<!tpu.dma_semaphore, #tpu.memory_space<semaphore_mem>>)
    %dma_start3A_16 = arith.constant 1 : i32
    %dma_start3A_17 = arith.constant 0 : i32
    %dma_start3A_18 = arith.constant 0 : i32
    %dma_start3A_19 = tpu.memref_slice %arg10[%dma_start3A_16, %dma_start3A_17, %dma_start3A_18] : memref<32x56x32xf32, #tpu.memory_space<vmem>> -> memref<1x56x32xf32, #tpu.memory_space<vmem>>
    %dma_start3A_20 = tpu.memref_squeeze %dma_start3A_19 : memref<1x56x32xf32, #tpu.memory_space<vmem>> -> memref<56x32xf32, #tpu.memory_space<vmem>>
    %dma_start3A_21 = arith.constant 56 : i32
    %dma_start3A_22 = tpu.memref_slice %arg9[%dma_start3A_21] : memref<1792xi32, #tpu.memory_space<vmem>> -> memref<56xi32, #tpu.memory_space<vmem>>
    %dma_start3A_23 = arith.constant 0 : i32
    %dma_start3A_24 = arith.constant 0 : i32
    %dma_start3A_25 = tpu.memref_slice %arg3[%dma_start3A_23, %dma_start3A_24] : memref<1000000x32xf32, #tpu.memory_space<hbm>> -> memref<1000000x32xf32, #tpu.memory_space<hbm>>
    tpu.enqueue_indirect_dma source(%dma_start3A_25 : memref<1000000x32xf32, #tpu.memory_space<hbm>>) target(%dma_start3A_20 : memref<56x32xf32, #tpu.memory_space<vmem>>) offsets(%dma_start3A_22 : memref<56xi32, #tpu.memory_space<vmem>>) semaphore(%arg12 : memref<!tpu.dma_semaphore, #tpu.memory_space<semaphore_mem>>)
    %dma_start3A_26 = arith.constant 2 : i32
    %dma_start3A_27 = arith.constant 0 : i32
    %dma_start3A_28 = arith.constant 0 : i32
    %dma_start3A_29 = tpu.memref_slice %arg10[%dma_start3A_26, %dma_start3A_27, %dma_start3A_28] : memref<32x56x32xf32, #tpu.memory_space<vmem>> -> memref<1x56x32xf32, #tpu.memory_space<vmem>>
    %dma_start3A_30 = tpu.memref_squeeze %dma_start3A_29 : memref<1x56x32xf32, #tpu.memory_space<vmem>> -> memref<56x32xf32, #tpu.memory_space<vmem>>
    %dma_start3A_31 = arith.constant 112 : i32
    %dma_start3A_32 = tpu.memref_slice %arg9[%dma_start3A_31] : memref<1792xi32, #tpu.memory_space<vmem>> -> memref<56xi32, #tpu.memory_space<vmem>>
    %dma_start3A_33 = arith.constant 0 : i32
    %dma_start3A_34 = arith.constant 0 : i32
    %dma_start3A_35 = tpu.memref_slice %arg3[%dma_start3A_33, %dma_start3A_34] : memref<1000000x32xf32, #tpu.memory_space<hbm>> -> memref<1000000x32xf32, #tpu.memory_space<hbm>>
    tpu.enqueue_indirect_dma source(%dma_start3A_35 : memref<1000000x32xf32, #tpu.memory_space<hbm>>) target(%dma_start3A_30 : memref<56x32xf32, #tpu.memory_space<vmem>>) offsets(%dma_start3A_32 : memref<56xi32, #tpu.memory_space<vmem>>) semaphore(%arg12 : memref<!tpu.dma_semaphore, #tpu.memory_space<semaphore_mem>>)
    %dma_start3A_36 = arith.constant 3 : i32
    %dma_start3A_37 = arith.constant 0 : i32
    %dma_start3A_38 = arith.constant 0 : i32
    %dma_start3A_39 = tpu.memref_slice %arg10[%dma_start3A_36, %dma_start3A_37, %dma_start3A_38] : memref<32x56x32xf32, #tpu.memory_space<vmem>> -> memref<1x56x32xf32, #tpu.memory_space<vmem>>
    %dma_start3A_40 = tpu.memref_squeeze %dma_start3A_39 : memref<1x56x32xf32, #tpu.memory_space<vmem>> -> memref<56x32xf32, #tpu.memory_space<vmem>>
    %dma_start3A_41 = arith.constant 168 : i32
    %dma_start3A_42 = tpu.memref_slice %arg9[%dma_start3A_41] : memref<1792xi32, #tpu.memory_space<vmem>> -> memref<56xi32, #tpu.memory_space<vmem>>
    %dma_start3A_43 = arith.constant 0 : i32
    %dma_start3A_44 = arith.constant 0 : i32
    %dma_start3A_45 = tpu.memref_slice %arg3[%dma_start3A_43, %dma_start3A_44] : memref<1000000x32xf32, #tpu.memory_space<hbm>> -> memref<1000000x32xf32, #tpu.memory_space<hbm>>
    tpu.enqueue_indirect_dma source(%dma_start3A_45 : memref<1000000x32xf32, #tpu.memory_space<hbm>>) target(%dma_start3A_40 : memref<56x32xf32, #tpu.memory_space<vmem>>) offsets(%dma_start3A_42 : memref<56xi32, #tpu.memory_space<vmem>>) semaphore(%arg12 : memref<!tpu.dma_semaphore, #tpu.memory_space<semaphore_mem>>)
    %dma_start3A_46 = arith.constant 4 : i32
    %dma_start3A_47 = arith.constant 0 : i32
    %dma_start3A_48 = arith.constant 0 : i32
    %dma_start3A_49 = tpu.memref_slice %arg10[%dma_start3A_46, %dma_start3A_47, %dma_start3A_48] : memref<32x56x32xf32, #tpu.memory_space<vmem>> -> memref<1x56x32xf32, #tpu.memory_space<vmem>>
    %dma_start3A_50 = tpu.memref_squeeze %dma_start3A_49 : memref<1x56x32xf32, #tpu.memory_space<vmem>> -> memref<56x32xf32, #tpu.memory_space<vmem>>
    %dma_start3A_51 = arith.constant 224 : i32
    %dma_start3A_52 = tpu.memref_slice %arg9[%dma_start3A_51] : memref<1792xi32, #tpu.memory_space<vmem>> -> memref<56xi32, #tpu.memory_space<vmem>>
    %dma_start3A_53 = arith.constant 0 : i32
    %dma_start3A_54 = arith.constant 0 : i32
    %dma_start3A_55 = tpu.memref_slice %arg3[%dma_start3A_53, %dma_start3A_54] : memref<1000000x32xf32, #tpu.memory_space<hbm>> -> memref<1000000x32xf32, #tpu.memory_space<hbm>>
    tpu.enqueue_indirect_dma source(%dma_start3A_55 : memref<1000000x32xf32, #tpu.memory_space<hbm>>) target(%dma_start3A_50 : memref<56x32xf32, #tpu.memory_space<vmem>>) offsets(%dma_start3A_52 : memref<56xi32, #tpu.memory_space<vmem>>) semaphore(%arg12 : memref<!tpu.dma_semaphore, #tpu.memory_space<semaphore_mem>>)
    %dma_start3A_56 = arith.constant 5 : i32
    %dma_start3A_57 = arith.constant 0 : i32
    %dma_start3A_58 = arith.constant 0 : i32
    %dma_start3A_59 = tpu.memref_slice %arg10[%dma_start3A_56, %dma_start3A_57, %dma_start3A_58] : memref<32x56x32xf32, #tpu.memory_space<vmem>> -> memref<1x56x32xf32, #tpu.memory_space<vmem>>
    %dma_start3A_60 = tpu.memref_squeeze %dma_start3A_59 : memref<1x56x32xf32, #tpu.memory_space<vmem>> -> memref<56x32xf32, #tpu.memory_space<vmem>>
    %dma_start3A_61 = arith.constant 280 : i32
    %dma_start3A_62 = tpu.memref_slice %arg9[%dma_start3A_61] : memref<1792xi32, #tpu.memory_space<vmem>> -> memref<56xi32, #tpu.memory_space<vmem>>
    %dma_start3A_63 = arith.constant 0 : i32
    %dma_start3A_64 = arith.constant 0 : i32
    %dma_start3A_65 = tpu.memref_slice %arg3[%dma_start3A_63, %dma_start3A_64] : memref<1000000x32xf32, #tpu.memory_space<hbm>> -> memref<1000000x32xf32, #tpu.memory_space<hbm>>
    tpu.enqueue_indirect_dma source(%dma_start3A_65 : memref<1000000x32xf32, #tpu.memory_space<hbm>>) target(%dma_start3A_60 : memref<56x32xf32, #tpu.memory_space<vmem>>) offsets(%dma_start3A_62 : memref<56xi32, #tpu.memory_space<vmem>>) semaphore(%arg12 : memref<!tpu.dma_semaphore, #tpu.memory_space<semaphore_mem>>)
    %dma_start3A_66 = arith.constant 6 : i32
    %dma_start3A_67 = arith.constant 0 : i32
    %dma_start3A_68 = arith.constant 0 : i32
    %dma_start3A_69 = tpu.memref_slice %arg10[%dma_start3A_66, %dma_start3A_67, %dma_start3A_68] : memref<32x56x32xf32, #tpu.memory_space<vmem>> -> memref<1x56x32xf32, #tpu.memory_space<vmem>>
    %dma_start3A_70 = tpu.memref_squeeze %dma_start3A_69 : memref<1x56x32xf32, #tpu.memory_space<vmem>> -> memref<56x32xf32, #tpu.memory_space<vmem>>
    %dma_start3A_71 = arith.constant 336 : i32
    %dma_start3A_72 = tpu.memref_slice %arg9[%dma_start3A_71] : memref<1792xi32, #tpu.memory_space<vmem>> -> memref<56xi32, #tpu.memory_space<vmem>>
    %dma_start3A_73 = arith.constant 0 : i32
    %dma_start3A_74 = arith.constant 0 : i32
    %dma_start3A_75 = tpu.memref_slice %arg3[%dma_start3A_73, %dma_start3A_74] : memref<1000000x32xf32, #tpu.memory_space<hbm>> -> memref<1000000x32xf32, #tpu.memory_space<hbm>>
    tpu.enqueue_indirect_dma source(%dma_start3A_75 : memref<1000000x32xf32, #tpu.memory_space<hbm>>) target(%dma_start3A_70 : memref<56x32xf32, #tpu.memory_space<vmem>>) offsets(%dma_start3A_72 : memref<56xi32, #tpu.memory_space<vmem>>) semaphore(%arg12 : memref<!tpu.dma_semaphore, #tpu.memory_space<semaphore_mem>>)
    %dma_start3A_76 = arith.constant 7 : i32
    %dma_start3A_77 = arith.constant 0 : i32
    %dma_start3A_78 = arith.constant 0 : i32
    %dma_start3A_79 = tpu.memref_slice %arg10[%dma_start3A_76, %dma_start3A_77, %dma_start3A_78] : memref<32x56x32xf32, #tpu.memory_space<vmem>> -> memref<1x56x32xf32, #tpu.memory_space<vmem>>
    %dma_start3A_80 = tpu.memref_squeeze %dma_start3A_79 : memref<1x56x32xf32, #tpu.memory_space<vmem>> -> memref<56x32xf32, #tpu.memory_space<vmem>>
    %dma_start3A_81 = arith.constant 392 : i32
    %dma_start3A_82 = tpu.memref_slice %arg9[%dma_start3A_81] : memref<1792xi32, #tpu.memory_space<vmem>> -> memref<56xi32, #tpu.memory_space<vmem>>
    %dma_start3A_83 = arith.constant 0 : i32
    %dma_start3A_84 = arith.constant 0 : i32
    %dma_start3A_85 = tpu.memref_slice %arg3[%dma_start3A_83, %dma_start3A_84] : memref<1000000x32xf32, #tpu.memory_space<hbm>> -> memref<1000000x32xf32, #tpu.memory_space<hbm>>
    tpu.enqueue_indirect_dma source(%dma_start3A_85 : memref<1000000x32xf32, #tpu.memory_space<hbm>>) target(%dma_start3A_80 : memref<56x32xf32, #tpu.memory_space<vmem>>) offsets(%dma_start3A_82 : memref<56xi32, #tpu.memory_space<vmem>>) semaphore(%arg12 : memref<!tpu.dma_semaphore, #tpu.memory_space<semaphore_mem>>)
    %dma_start3A_86 = arith.constant 8 : i32
    %dma_start3A_87 = arith.constant 0 : i32
    %dma_start3A_88 = arith.constant 0 : i32
    %dma_start3A_89 = tpu.memref_slice %arg10[%dma_start3A_86, %dma_start3A_87, %dma_start3A_88] : memref<32x56x32xf32, #tpu.memory_space<vmem>> -> memref<1x56x32xf32, #tpu.memory_space<vmem>>
    %dma_start3A_90 = tpu.memref_squeeze %dma_start3A_89 : memref<1x56x32xf32, #tpu.memory_space<vmem>> -> memref<56x32xf32, #tpu.memory_space<vmem>>
    %dma_start3A_91 = arith.constant 448 : i32
    %dma_start3A_92 = tpu.memref_slice %arg9[%dma_start3A_91] : memref<1792xi32, #tpu.memory_space<vmem>> -> memref<56xi32, #tpu.memory_space<vmem>>
    %dma_start3A_93 = arith.constant 0 : i32
    %dma_start3A_94 = arith.constant 0 : i32
    %dma_start3A_95 = tpu.memref_slice %arg3[%dma_start3A_93, %dma_start3A_94] : memref<1000000x32xf32, #tpu.memory_space<hbm>> -> memref<1000000x32xf32, #tpu.memory_space<hbm>>
    tpu.enqueue_indirect_dma source(%dma_start3A_95 : memref<1000000x32xf32, #tpu.memory_space<hbm>>) target(%dma_start3A_90 : memref<56x32xf32, #tpu.memory_space<vmem>>) offsets(%dma_start3A_92 : memref<56xi32, #tpu.memory_space<vmem>>) semaphore(%arg12 : memref<!tpu.dma_semaphore, #tpu.memory_space<semaphore_mem>>)
    %dma_start3A_96 = arith.constant 9 : i32
    %dma_start3A_97 = arith.constant 0 : i32
    %dma_start3A_98 = arith.constant 0 : i32
    %dma_start3A_99 = tpu.memref_slice %arg10[%dma_start3A_96, %dma_start3A_97, %dma_start3A_98] : memref<32x56x32xf32, #tpu.memory_space<vmem>> -> memref<1x56x32xf32, #tpu.memory_space<vmem>>
    %dma_start3A_100 = tpu.memref_squeeze %dma_start3A_99 : memref<1x56x32xf32, #tpu.memory_space<vmem>> -> memref<56x32xf32, #tpu.memory_space<vmem>>
    %dma_start3A_101 = arith.constant 504 : i32
    %dma_start3A_102 = tpu.memref_slice %arg9[%dma_start3A_101] : memref<1792xi32, #tpu.memory_space<vmem>> -> memref<56xi32, #tpu.memory_space<vmem>>
    %dma_start3A_103 = arith.constant 0 : i32
    %dma_start3A_104 = arith.constant 0 : i32
    %dma_start3A_105 = tpu.memref_slice %arg3[%dma_start3A_103, %dma_start3A_104] : memref<1000000x32xf32, #tpu.memory_space<hbm>> -> memref<1000000x32xf32, #tpu.memory_space<hbm>>
    tpu.enqueue_indirect_dma source(%dma_start3A_105 : memref<1000000x32xf32, #tpu.memory_space<hbm>>) target(%dma_start3A_100 : memref<56x32xf32, #tpu.memory_space<vmem>>) offsets(%dma_start3A_102 : memref<56xi32, #tpu.memory_space<vmem>>) semaphore(%arg12 : memref<!tpu.dma_semaphore, #tpu.memory_space<semaphore_mem>>)
    %dma_start3A_106 = arith.constant 10 : i32
    %dma_start3A_107 = arith.constant 0 : i32
    %dma_start3A_108 = arith.constant 0 : i32
    %dma_start3A_109 = tpu.memref_slice %arg10[%dma_start3A_106, %dma_start3A_107, %dma_start3A_108] : memref<32x56x32xf32, #tpu.memory_space<vmem>> -> memref<1x56x32xf32, #tpu.memory_space<vmem>>
    %dma_start3A_110 = tpu.memref_squeeze %dma_start3A_109 : memref<1x56x32xf32, #tpu.memory_space<vmem>> -> memref<56x32xf32, #tpu.memory_space<vmem>>
    %dma_start3A_111 = arith.constant 560 : i32
    %dma_start3A_112 = tpu.memref_slice %arg9[%dma_start3A_111] : memref<1792xi32, #tpu.memory_space<vmem>> -> memref<56xi32, #tpu.memory_space<vmem>>
    %dma_start3A_113 = arith.constant 0 : i32
    %dma_start3A_114 = arith.constant 0 : i32
    %dma_start3A_115 = tpu.memref_slice %arg3[%dma_start3A_113, %dma_start3A_114] : memref<1000000x32xf32, #tpu.memory_space<hbm>> -> memref<1000000x32xf32, #tpu.memory_space<hbm>>
    tpu.enqueue_indirect_dma source(%dma_start3A_115 : memref<1000000x32xf32, #tpu.memory_space<hbm>>) target(%dma_start3A_110 : memref<56x32xf32, #tpu.memory_space<vmem>>) offsets(%dma_start3A_112 : memref<56xi32, #tpu.memory_space<vmem>>) semaphore(%arg12 : memref<!tpu.dma_semaphore, #tpu.memory_space<semaphore_mem>>)
    %dma_start3A_116 = arith.constant 11 : i32
    %dma_start3A_117 = arith.constant 0 : i32
    %dma_start3A_118 = arith.constant 0 : i32
    %dma_start3A_119 = tpu.memref_slice %arg10[%dma_start3A_116, %dma_start3A_117, %dma_start3A_118] : memref<32x56x32xf32, #tpu.memory_space<vmem>> -> memref<1x56x32xf32, #tpu.memory_space<vmem>>
    %dma_start3A_120 = tpu.memref_squeeze %dma_start3A_119 : memref<1x56x32xf32, #tpu.memory_space<vmem>> -> memref<56x32xf32, #tpu.memory_space<vmem>>
    %dma_start3A_121 = arith.constant 616 : i32
    %dma_start3A_122 = tpu.memref_slice %arg9[%dma_start3A_121] : memref<1792xi32, #tpu.memory_space<vmem>> -> memref<56xi32, #tpu.memory_space<vmem>>
    %dma_start3A_123 = arith.constant 0 : i32
    %dma_start3A_124 = arith.constant 0 : i32
    %dma_start3A_125 = tpu.memref_slice %arg3[%dma_start3A_123, %dma_start3A_124] : memref<1000000x32xf32, #tpu.memory_space<hbm>> -> memref<1000000x32xf32, #tpu.memory_space<hbm>>
    tpu.enqueue_indirect_dma source(%dma_start3A_125 : memref<1000000x32xf32, #tpu.memory_space<hbm>>) target(%dma_start3A_120 : memref<56x32xf32, #tpu.memory_space<vmem>>) offsets(%dma_start3A_122 : memref<56xi32, #tpu.memory_space<vmem>>) semaphore(%arg12 : memref<!tpu.dma_semaphore, #tpu.memory_space<semaphore_mem>>)
    %dma_start3A_126 = arith.constant 12 : i32
    %dma_start3A_127 = arith.constant 0 : i32
    %dma_start3A_128 = arith.constant 0 : i32
    %dma_start3A_129 = tpu.memref_slice %arg10[%dma_start3A_126, %dma_start3A_127, %dma_start3A_128] : memref<32x56x32xf32, #tpu.memory_space<vmem>> -> memref<1x56x32xf32, #tpu.memory_space<vmem>>
    %dma_start3A_130 = tpu.memref_squeeze %dma_start3A_129 : memref<1x56x32xf32, #tpu.memory_space<vmem>> -> memref<56x32xf32, #tpu.memory_space<vmem>>
    %dma_start3A_131 = arith.constant 672 : i32
    %dma_start3A_132 = tpu.memref_slice %arg9[%dma_start3A_131] : memref<1792xi32, #tpu.memory_space<vmem>> -> memref<56xi32, #tpu.memory_space<vmem>>
    %dma_start3A_133 = arith.constant 0 : i32
    %dma_start3A_134 = arith.constant 0 : i32
    %dma_start3A_135 = tpu.memref_slice %arg3[%dma_start3A_133, %dma_start3A_134] : memref<1000000x32xf32, #tpu.memory_space<hbm>> -> memref<1000000x32xf32, #tpu.memory_space<hbm>>
    tpu.enqueue_indirect_dma source(%dma_start3A_135 : memref<1000000x32xf32, #tpu.memory_space<hbm>>) target(%dma_start3A_130 : memref<56x32xf32, #tpu.memory_space<vmem>>) offsets(%dma_start3A_132 : memref<56xi32, #tpu.memory_space<vmem>>) semaphore(%arg12 : memref<!tpu.dma_semaphore, #tpu.memory_space<semaphore_mem>>)
    %dma_start3A_136 = arith.constant 13 : i32
    %dma_start3A_137 = arith.constant 0 : i32
    %dma_start3A_138 = arith.constant 0 : i32
    %dma_start3A_139 = tpu.memref_slice %arg10[%dma_start3A_136, %dma_start3A_137, %dma_start3A_138] : memref<32x56x32xf32, #tpu.memory_space<vmem>> -> memref<1x56x32xf32, #tpu.memory_space<vmem>>
    %dma_start3A_140 = tpu.memref_squeeze %dma_start3A_139 : memref<1x56x32xf32, #tpu.memory_space<vmem>> -> memref<56x32xf32, #tpu.memory_space<vmem>>
    %dma_start3A_141 = arith.constant 728 : i32
    %dma_start3A_142 = tpu.memref_slice %arg9[%dma_start3A_141] : memref<1792xi32, #tpu.memory_space<vmem>> -> memref<56xi32, #tpu.memory_space<vmem>>
    %dma_start3A_143 = arith.constant 0 : i32
    %dma_start3A_144 = arith.constant 0 : i32
    %dma_start3A_145 = tpu.memref_slice %arg3[%dma_start3A_143, %dma_start3A_144] : memref<1000000x32xf32, #tpu.memory_space<hbm>> -> memref<1000000x32xf32, #tpu.memory_space<hbm>>
    tpu.enqueue_indirect_dma source(%dma_start3A_145 : memref<1000000x32xf32, #tpu.memory_space<hbm>>) target(%dma_start3A_140 : memref<56x32xf32, #tpu.memory_space<vmem>>) offsets(%dma_start3A_142 : memref<56xi32, #tpu.memory_space<vmem>>) semaphore(%arg12 : memref<!tpu.dma_semaphore, #tpu.memory_space<semaphore_mem>>)
    %dma_start3A_146 = arith.constant 14 : i32
    %dma_start3A_147 = arith.constant 0 : i32
    %dma_start3A_148 = arith.constant 0 : i32
    %dma_start3A_149 = tpu.memref_slice %arg10[%dma_start3A_146, %dma_start3A_147, %dma_start3A_148] : memref<32x56x32xf32, #tpu.memory_space<vmem>> -> memref<1x56x32xf32, #tpu.memory_space<vmem>>
    %dma_start3A_150 = tpu.memref_squeeze %dma_start3A_149 : memref<1x56x32xf32, #tpu.memory_space<vmem>> -> memref<56x32xf32, #tpu.memory_space<vmem>>
    %dma_start3A_151 = arith.constant 784 : i32
    %dma_start3A_152 = tpu.memref_slice %arg9[%dma_start3A_151] : memref<1792xi32, #tpu.memory_space<vmem>> -> memref<56xi32, #tpu.memory_space<vmem>>
    %dma_start3A_153 = arith.constant 0 : i32
    %dma_start3A_154 = arith.constant 0 : i32
    %dma_start3A_155 = tpu.memref_slice %arg3[%dma_start3A_153, %dma_start3A_154] : memref<1000000x32xf32, #tpu.memory_space<hbm>> -> memref<1000000x32xf32, #tpu.memory_space<hbm>>
    tpu.enqueue_indirect_dma source(%dma_start3A_155 : memref<1000000x32xf32, #tpu.memory_space<hbm>>) target(%dma_start3A_150 : memref<56x32xf32, #tpu.memory_space<vmem>>) offsets(%dma_start3A_152 : memref<56xi32, #tpu.memory_space<vmem>>) semaphore(%arg12 : memref<!tpu.dma_semaphore, #tpu.memory_space<semaphore_mem>>)
    %dma_start3A_156 = arith.constant 15 : i32
    %dma_start3A_157 = arith.constant 0 : i32
    %dma_start3A_158 = arith.constant 0 : i32
    %dma_start3A_159 = tpu.memref_slice %arg10[%dma_start3A_156, %dma_start3A_157, %dma_start3A_158] : memref<32x56x32xf32, #tpu.memory_space<vmem>> -> memref<1x56x32xf32, #tpu.memory_space<vmem>>
    %dma_start3A_160 = tpu.memref_squeeze %dma_start3A_159 : memref<1x56x32xf32, #tpu.memory_space<vmem>> -> memref<56x32xf32, #tpu.memory_space<vmem>>
    %dma_start3A_161 = arith.constant 840 : i32
    %dma_start3A_162 = tpu.memref_slice %arg9[%dma_start3A_161] : memref<1792xi32, #tpu.memory_space<vmem>> -> memref<56xi32, #tpu.memory_space<vmem>>
    %dma_start3A_163 = arith.constant 0 : i32
    %dma_start3A_164 = arith.constant 0 : i32
    %dma_start3A_165 = tpu.memref_slice %arg3[%dma_start3A_163, %dma_start3A_164] : memref<1000000x32xf32, #tpu.memory_space<hbm>> -> memref<1000000x32xf32, #tpu.memory_space<hbm>>
    tpu.enqueue_indirect_dma source(%dma_start3A_165 : memref<1000000x32xf32, #tpu.memory_space<hbm>>) target(%dma_start3A_160 : memref<56x32xf32, #tpu.memory_space<vmem>>) offsets(%dma_start3A_162 : memref<56xi32, #tpu.memory_space<vmem>>) semaphore(%arg12 : memref<!tpu.dma_semaphore, #tpu.memory_space<semaphore_mem>>)
    %dma_start3A_166 = arith.constant 16 : i32
    %dma_start3A_167 = arith.constant 0 : i32
    %dma_start3A_168 = arith.constant 0 : i32
    %dma_start3A_169 = tpu.memref_slice %arg10[%dma_start3A_166, %dma_start3A_167, %dma_start3A_168] : memref<32x56x32xf32, #tpu.memory_space<vmem>> -> memref<1x56x32xf32, #tpu.memory_space<vmem>>
    %dma_start3A_170 = tpu.memref_squeeze %dma_start3A_169 : memref<1x56x32xf32, #tpu.memory_space<vmem>> -> memref<56x32xf32, #tpu.memory_space<vmem>>
    %dma_start3A_171 = arith.constant 896 : i32
    %dma_start3A_172 = tpu.memref_slice %arg9[%dma_start3A_171] : memref<1792xi32, #tpu.memory_space<vmem>> -> memref<56xi32, #tpu.memory_space<vmem>>
    %dma_start3A_173 = arith.constant 0 : i32
    %dma_start3A_174 = arith.constant 0 : i32
    %dma_start3A_175 = tpu.memref_slice %arg3[%dma_start3A_173, %dma_start3A_174] : memref<1000000x32xf32, #tpu.memory_space<hbm>> -> memref<1000000x32xf32, #tpu.memory_space<hbm>>
    tpu.enqueue_indirect_dma source(%dma_start3A_175 : memref<1000000x32xf32, #tpu.memory_space<hbm>>) target(%dma_start3A_170 : memref<56x32xf32, #tpu.memory_space<vmem>>) offsets(%dma_start3A_172 : memref<56xi32, #tpu.memory_space<vmem>>) semaphore(%arg12 : memref<!tpu.dma_semaphore, #tpu.memory_space<semaphore_mem>>)
    %dma_start3A_176 = arith.constant 17 : i32
    %dma_start3A_177 = arith.constant 0 : i32
    %dma_start3A_178 = arith.constant 0 : i32
    %dma_start3A_179 = tpu.memref_slice %arg10[%dma_start3A_176, %dma_start3A_177, %dma_start3A_178] : memref<32x56x32xf32, #tpu.memory_space<vmem>> -> memref<1x56x32xf32, #tpu.memory_space<vmem>>
    %dma_start3A_180 = tpu.memref_squeeze %dma_start3A_179 : memref<1x56x32xf32, #tpu.memory_space<vmem>> -> memref<56x32xf32, #tpu.memory_space<vmem>>
    %dma_start3A_181 = arith.constant 952 : i32
    %dma_start3A_182 = tpu.memref_slice %arg9[%dma_start3A_181] : memref<1792xi32, #tpu.memory_space<vmem>> -> memref<56xi32, #tpu.memory_space<vmem>>
    %dma_start3A_183 = arith.constant 0 : i32
    %dma_start3A_184 = arith.constant 0 : i32
    %dma_start3A_185 = tpu.memref_slice %arg3[%dma_start3A_183, %dma_start3A_184] : memref<1000000x32xf32, #tpu.memory_space<hbm>> -> memref<1000000x32xf32, #tpu.memory_space<hbm>>
    tpu.enqueue_indirect_dma source(%dma_start3A_185 : memref<1000000x32xf32, #tpu.memory_space<hbm>>) target(%dma_start3A_180 : memref<56x32xf32, #tpu.memory_space<vmem>>) offsets(%dma_start3A_182 : memref<56xi32, #tpu.memory_space<vmem>>) semaphore(%arg12 : memref<!tpu.dma_semaphore, #tpu.memory_space<semaphore_mem>>)
    %dma_start3A_186 = arith.constant 18 : i32
    %dma_start3A_187 = arith.constant 0 : i32
    %dma_start3A_188 = arith.constant 0 : i32
    %dma_start3A_189 = tpu.memref_slice %arg10[%dma_start3A_186, %dma_start3A_187, %dma_start3A_188] : memref<32x56x32xf32, #tpu.memory_space<vmem>> -> memref<1x56x32xf32, #tpu.memory_space<vmem>>
    %dma_start3A_190 = tpu.memref_squeeze %dma_start3A_189 : memref<1x56x32xf32, #tpu.memory_space<vmem>> -> memref<56x32xf32, #tpu.memory_space<vmem>>
    %dma_start3A_191 = arith.constant 1008 : i32
    %dma_start3A_192 = tpu.memref_slice %arg9[%dma_start3A_191] : memref<1792xi32, #tpu.memory_space<vmem>> -> memref<56xi32, #tpu.memory_space<vmem>>
    %dma_start3A_193 = arith.constant 0 : i32
    %dma_start3A_194 = arith.constant 0 : i32
    %dma_start3A_195 = tpu.memref_slice %arg3[%dma_start3A_193, %dma_start3A_194] : memref<1000000x32xf32, #tpu.memory_space<hbm>> -> memref<1000000x32xf32, #tpu.memory_space<hbm>>
    tpu.enqueue_indirect_dma source(%dma_start3A_195 : memref<1000000x32xf32, #tpu.memory_space<hbm>>) target(%dma_start3A_190 : memref<56x32xf32, #tpu.memory_space<vmem>>) offsets(%dma_start3A_192 : memref<56xi32, #tpu.memory_space<vmem>>) semaphore(%arg12 : memref<!tpu.dma_semaphore, #tpu.memory_space<semaphore_mem>>)
    %dma_start3A_196 = arith.constant 19 : i32
    %dma_start3A_197 = arith.constant 0 : i32
    %dma_start3A_198 = arith.constant 0 : i32
    %dma_start3A_199 = tpu.memref_slice %arg10[%dma_start3A_196, %dma_start3A_197, %dma_start3A_198] : memref<32x56x32xf32, #tpu.memory_space<vmem>> -> memref<1x56x32xf32, #tpu.memory_space<vmem>>
    %dma_start3A_200 = tpu.memref_squeeze %dma_start3A_199 : memref<1x56x32xf32, #tpu.memory_space<vmem>> -> memref<56x32xf32, #tpu.memory_space<vmem>>
    %dma_start3A_201 = arith.constant 1064 : i32
    %dma_start3A_202 = tpu.memref_slice %arg9[%dma_start3A_201] : memref<1792xi32, #tpu.memory_space<vmem>> -> memref<56xi32, #tpu.memory_space<vmem>>
    %dma_start3A_203 = arith.constant 0 : i32
    %dma_start3A_204 = arith.constant 0 : i32
    %dma_start3A_205 = tpu.memref_slice %arg3[%dma_start3A_203, %dma_start3A_204] : memref<1000000x32xf32, #tpu.memory_space<hbm>> -> memref<1000000x32xf32, #tpu.memory_space<hbm>>
    tpu.enqueue_indirect_dma source(%dma_start3A_205 : memref<1000000x32xf32, #tpu.memory_space<hbm>>) target(%dma_start3A_200 : memref<56x32xf32, #tpu.memory_space<vmem>>) offsets(%dma_start3A_202 : memref<56xi32, #tpu.memory_space<vmem>>) semaphore(%arg12 : memref<!tpu.dma_semaphore, #tpu.memory_space<semaphore_mem>>)
    %dma_start3A_206 = arith.constant 20 : i32
    %dma_start3A_207 = arith.constant 0 : i32
    %dma_start3A_208 = arith.constant 0 : i32
    %dma_start3A_209 = tpu.memref_slice %arg10[%dma_start3A_206, %dma_start3A_207, %dma_start3A_208] : memref<32x56x32xf32, #tpu.memory_space<vmem>> -> memref<1x56x32xf32, #tpu.memory_space<vmem>>
    %dma_start3A_210 = tpu.memref_squeeze %dma_start3A_209 : memref<1x56x32xf32, #tpu.memory_space<vmem>> -> memref<56x32xf32, #tpu.memory_space<vmem>>
    %dma_start3A_211 = arith.constant 1120 : i32
    %dma_start3A_212 = tpu.memref_slice %arg9[%dma_start3A_211] : memref<1792xi32, #tpu.memory_space<vmem>> -> memref<56xi32, #tpu.memory_space<vmem>>
    %dma_start3A_213 = arith.constant 0 : i32
    %dma_start3A_214 = arith.constant 0 : i32
    %dma_start3A_215 = tpu.memref_slice %arg3[%dma_start3A_213, %dma_start3A_214] : memref<1000000x32xf32, #tpu.memory_space<hbm>> -> memref<1000000x32xf32, #tpu.memory_space<hbm>>
    tpu.enqueue_indirect_dma source(%dma_start3A_215 : memref<1000000x32xf32, #tpu.memory_space<hbm>>) target(%dma_start3A_210 : memref<56x32xf32, #tpu.memory_space<vmem>>) offsets(%dma_start3A_212 : memref<56xi32, #tpu.memory_space<vmem>>) semaphore(%arg12 : memref<!tpu.dma_semaphore, #tpu.memory_space<semaphore_mem>>)
    %dma_start3A_216 = arith.constant 21 : i32
    %dma_start3A_217 = arith.constant 0 : i32
    %dma_start3A_218 = arith.constant 0 : i32
    %dma_start3A_219 = tpu.memref_slice %arg10[%dma_start3A_216, %dma_start3A_217, %dma_start3A_218] : memref<32x56x32xf32, #tpu.memory_space<vmem>> -> memref<1x56x32xf32, #tpu.memory_space<vmem>>
    %dma_start3A_220 = tpu.memref_squeeze %dma_start3A_219 : memref<1x56x32xf32, #tpu.memory_space<vmem>> -> memref<56x32xf32, #tpu.memory_space<vmem>>
    %dma_start3A_221 = arith.constant 1176 : i32
    %dma_start3A_222 = tpu.memref_slice %arg9[%dma_start3A_221] : memref<1792xi32, #tpu.memory_space<vmem>> -> memref<56xi32, #tpu.memory_space<vmem>>
    %dma_start3A_223 = arith.constant 0 : i32
    %dma_start3A_224 = arith.constant 0 : i32
    %dma_start3A_225 = tpu.memref_slice %arg3[%dma_start3A_223, %dma_start3A_224] : memref<1000000x32xf32, #tpu.memory_space<hbm>> -> memref<1000000x32xf32, #tpu.memory_space<hbm>>
    tpu.enqueue_indirect_dma source(%dma_start3A_225 : memref<1000000x32xf32, #tpu.memory_space<hbm>>) target(%dma_start3A_220 : memref<56x32xf32, #tpu.memory_space<vmem>>) offsets(%dma_start3A_222 : memref<56xi32, #tpu.memory_space<vmem>>) semaphore(%arg12 : memref<!tpu.dma_semaphore, #tpu.memory_space<semaphore_mem>>)
    %dma_start3A_226 = arith.constant 22 : i32
    %dma_start3A_227 = arith.constant 0 : i32
    %dma_start3A_228 = arith.constant 0 : i32
    %dma_start3A_229 = tpu.memref_slice %arg10[%dma_start3A_226, %dma_start3A_227, %dma_start3A_228] : memref<32x56x32xf32, #tpu.memory_space<vmem>> -> memref<1x56x32xf32, #tpu.memory_space<vmem>>
    %dma_start3A_230 = tpu.memref_squeeze %dma_start3A_229 : memref<1x56x32xf32, #tpu.memory_space<vmem>> -> memref<56x32xf32, #tpu.memory_space<vmem>>
    %dma_start3A_231 = arith.constant 1232 : i32
    %dma_start3A_232 = tpu.memref_slice %arg9[%dma_start3A_231] : memref<1792xi32, #tpu.memory_space<vmem>> -> memref<56xi32, #tpu.memory_space<vmem>>
    %dma_start3A_233 = arith.constant 0 : i32
    %dma_start3A_234 = arith.constant 0 : i32
    %dma_start3A_235 = tpu.memref_slice %arg3[%dma_start3A_233, %dma_start3A_234] : memref<1000000x32xf32, #tpu.memory_space<hbm>> -> memref<1000000x32xf32, #tpu.memory_space<hbm>>
    tpu.enqueue_indirect_dma source(%dma_start3A_235 : memref<1000000x32xf32, #tpu.memory_space<hbm>>) target(%dma_start3A_230 : memref<56x32xf32, #tpu.memory_space<vmem>>) offsets(%dma_start3A_232 : memref<56xi32, #tpu.memory_space<vmem>>) semaphore(%arg12 : memref<!tpu.dma_semaphore, #tpu.memory_space<semaphore_mem>>)
    %dma_start3A_236 = arith.constant 23 : i32
    %dma_start3A_237 = arith.constant 0 : i32
    %dma_start3A_238 = arith.constant 0 : i32
    %dma_start3A_239 = tpu.memref_slice %arg10[%dma_start3A_236, %dma_start3A_237, %dma_start3A_238] : memref<32x56x32xf32, #tpu.memory_space<vmem>> -> memref<1x56x32xf32, #tpu.memory_space<vmem>>
    %dma_start3A_240 = tpu.memref_squeeze %dma_start3A_239 : memref<1x56x32xf32, #tpu.memory_space<vmem>> -> memref<56x32xf32, #tpu.memory_space<vmem>>
    %dma_start3A_241 = arith.constant 1288 : i32
    %dma_start3A_242 = tpu.memref_slice %arg9[%dma_start3A_241] : memref<1792xi32, #tpu.memory_space<vmem>> -> memref<56xi32, #tpu.memory_space<vmem>>
    %dma_start3A_243 = arith.constant 0 : i32
    %dma_start3A_244 = arith.constant 0 : i32
    %dma_start3A_245 = tpu.memref_slice %arg3[%dma_start3A_243, %dma_start3A_244] : memref<1000000x32xf32, #tpu.memory_space<hbm>> -> memref<1000000x32xf32, #tpu.memory_space<hbm>>
    tpu.enqueue_indirect_dma source(%dma_start3A_245 : memref<1000000x32xf32, #tpu.memory_space<hbm>>) target(%dma_start3A_240 : memref<56x32xf32, #tpu.memory_space<vmem>>) offsets(%dma_start3A_242 : memref<56xi32, #tpu.memory_space<vmem>>) semaphore(%arg12 : memref<!tpu.dma_semaphore, #tpu.memory_space<semaphore_mem>>)
    %dma_start3A_246 = arith.constant 24 : i32
    %dma_start3A_247 = arith.constant 0 : i32
    %dma_start3A_248 = arith.constant 0 : i32
    %dma_start3A_249 = tpu.memref_slice %arg10[%dma_start3A_246, %dma_start3A_247, %dma_start3A_248] : memref<32x56x32xf32, #tpu.memory_space<vmem>> -> memref<1x56x32xf32, #tpu.memory_space<vmem>>
    %dma_start3A_250 = tpu.memref_squeeze %dma_start3A_249 : memref<1x56x32xf32, #tpu.memory_space<vmem>> -> memref<56x32xf32, #tpu.memory_space<vmem>>
    %dma_start3A_251 = arith.constant 1344 : i32
    %dma_start3A_252 = tpu.memref_slice %arg9[%dma_start3A_251] : memref<1792xi32, #tpu.memory_space<vmem>> -> memref<56xi32, #tpu.memory_space<vmem>>
    %dma_start3A_253 = arith.constant 0 : i32
    %dma_start3A_254 = arith.constant 0 : i32
    %dma_start3A_255 = tpu.memref_slice %arg3[%dma_start3A_253, %dma_start3A_254] : memref<1000000x32xf32, #tpu.memory_space<hbm>> -> memref<1000000x32xf32, #tpu.memory_space<hbm>>
    tpu.enqueue_indirect_dma source(%dma_start3A_255 : memref<1000000x32xf32, #tpu.memory_space<hbm>>) target(%dma_start3A_250 : memref<56x32xf32, #tpu.memory_space<vmem>>) offsets(%dma_start3A_252 : memref<56xi32, #tpu.memory_space<vmem>>) semaphore(%arg12 : memref<!tpu.dma_semaphore, #tpu.memory_space<semaphore_mem>>)
    %dma_start3A_256 = arith.constant 25 : i32
    %dma_start3A_257 = arith.constant 0 : i32
    %dma_start3A_258 = arith.constant 0 : i32
    %dma_start3A_259 = tpu.memref_slice %arg10[%dma_start3A_256, %dma_start3A_257, %dma_start3A_258] : memref<32x56x32xf32, #tpu.memory_space<vmem>> -> memref<1x56x32xf32, #tpu.memory_space<vmem>>
    %dma_start3A_260 = tpu.memref_squeeze %dma_start3A_259 : memref<1x56x32xf32, #tpu.memory_space<vmem>> -> memref<56x32xf32, #tpu.memory_space<vmem>>
    %dma_start3A_261 = arith.constant 1400 : i32
    %dma_start3A_262 = tpu.memref_slice %arg9[%dma_start3A_261] : memref<1792xi32, #tpu.memory_space<vmem>> -> memref<56xi32, #tpu.memory_space<vmem>>
    %dma_start3A_263 = arith.constant 0 : i32
    %dma_start3A_264 = arith.constant 0 : i32
    %dma_start3A_265 = tpu.memref_slice %arg3[%dma_start3A_263, %dma_start3A_264] : memref<1000000x32xf32, #tpu.memory_space<hbm>> -> memref<1000000x32xf32, #tpu.memory_space<hbm>>
    tpu.enqueue_indirect_dma source(%dma_start3A_265 : memref<1000000x32xf32, #tpu.memory_space<hbm>>) target(%dma_start3A_260 : memref<56x32xf32, #tpu.memory_space<vmem>>) offsets(%dma_start3A_262 : memref<56xi32, #tpu.memory_space<vmem>>) semaphore(%arg12 : memref<!tpu.dma_semaphore, #tpu.memory_space<semaphore_mem>>)
    %dma_start3A_266 = arith.constant 26 : i32
    %dma_start3A_267 = arith.constant 0 : i32
    %dma_start3A_268 = arith.constant 0 : i32
    %dma_start3A_269 = tpu.memref_slice %arg10[%dma_start3A_266, %dma_start3A_267, %dma_start3A_268] : memref<32x56x32xf32, #tpu.memory_space<vmem>> -> memref<1x56x32xf32, #tpu.memory_space<vmem>>
    %dma_start3A_270 = tpu.memref_squeeze %dma_start3A_269 : memref<1x56x32xf32, #tpu.memory_space<vmem>> -> memref<56x32xf32, #tpu.memory_space<vmem>>
    %dma_start3A_271 = arith.constant 1456 : i32
    %dma_start3A_272 = tpu.memref_slice %arg9[%dma_start3A_271] : memref<1792xi32, #tpu.memory_space<vmem>> -> memref<56xi32, #tpu.memory_space<vmem>>
    %dma_start3A_273 = arith.constant 0 : i32
    %dma_start3A_274 = arith.constant 0 : i32
    %dma_start3A_275 = tpu.memref_slice %arg3[%dma_start3A_273, %dma_start3A_274] : memref<1000000x32xf32, #tpu.memory_space<hbm>> -> memref<1000000x32xf32, #tpu.memory_space<hbm>>
    tpu.enqueue_indirect_dma source(%dma_start3A_275 : memref<1000000x32xf32, #tpu.memory_space<hbm>>) target(%dma_start3A_270 : memref<56x32xf32, #tpu.memory_space<vmem>>) offsets(%dma_start3A_272 : memref<56xi32, #tpu.memory_space<vmem>>) semaphore(%arg12 : memref<!tpu.dma_semaphore, #tpu.memory_space<semaphore_mem>>)
    %dma_start3A_276 = arith.constant 27 : i32
    %dma_start3A_277 = arith.constant 0 : i32
    %dma_start3A_278 = arith.constant 0 : i32
    %dma_start3A_279 = tpu.memref_slice %arg10[%dma_start3A_276, %dma_start3A_277, %dma_start3A_278] : memref<32x56x32xf32, #tpu.memory_space<vmem>> -> memref<1x56x32xf32, #tpu.memory_space<vmem>>
    %dma_start3A_280 = tpu.memref_squeeze %dma_start3A_279 : memref<1x56x32xf32, #tpu.memory_space<vmem>> -> memref<56x32xf32, #tpu.memory_space<vmem>>
    %dma_start3A_281 = arith.constant 1512 : i32
    %dma_start3A_282 = tpu.memref_slice %arg9[%dma_start3A_281] : memref<1792xi32, #tpu.memory_space<vmem>> -> memref<56xi32, #tpu.memory_space<vmem>>
    %dma_start3A_283 = arith.constant 0 : i32
    %dma_start3A_284 = arith.constant 0 : i32
    %dma_start3A_285 = tpu.memref_slice %arg3[%dma_start3A_283, %dma_start3A_284] : memref<1000000x32xf32, #tpu.memory_space<hbm>> -> memref<1000000x32xf32, #tpu.memory_space<hbm>>
    tpu.enqueue_indirect_dma source(%dma_start3A_285 : memref<1000000x32xf32, #tpu.memory_space<hbm>>) target(%dma_start3A_280 : memref<56x32xf32, #tpu.memory_space<vmem>>) offsets(%dma_start3A_282 : memref<56xi32, #tpu.memory_space<vmem>>) semaphore(%arg12 : memref<!tpu.dma_semaphore, #tpu.memory_space<semaphore_mem>>)
    %dma_start3A_286 = arith.constant 28 : i32
    %dma_start3A_287 = arith.constant 0 : i32
    %dma_start3A_288 = arith.constant 0 : i32
    %dma_start3A_289 = tpu.memref_slice %arg10[%dma_start3A_286, %dma_start3A_287, %dma_start3A_288] : memref<32x56x32xf32, #tpu.memory_space<vmem>> -> memref<1x56x32xf32, #tpu.memory_space<vmem>>
    %dma_start3A_290 = tpu.memref_squeeze %dma_start3A_289 : memref<1x56x32xf32, #tpu.memory_space<vmem>> -> memref<56x32xf32, #tpu.memory_space<vmem>>
    %dma_start3A_291 = arith.constant 1568 : i32
    %dma_start3A_292 = tpu.memref_slice %arg9[%dma_start3A_291] : memref<1792xi32, #tpu.memory_space<vmem>> -> memref<56xi32, #tpu.memory_space<vmem>>
    %dma_start3A_293 = arith.constant 0 : i32
    %dma_start3A_294 = arith.constant 0 : i32
    %dma_start3A_295 = tpu.memref_slice %arg3[%dma_start3A_293, %dma_start3A_294] : memref<1000000x32xf32, #tpu.memory_space<hbm>> -> memref<1000000x32xf32, #tpu.memory_space<hbm>>
    tpu.enqueue_indirect_dma source(%dma_start3A_295 : memref<1000000x32xf32, #tpu.memory_space<hbm>>) target(%dma_start3A_290 : memref<56x32xf32, #tpu.memory_space<vmem>>) offsets(%dma_start3A_292 : memref<56xi32, #tpu.memory_space<vmem>>) semaphore(%arg12 : memref<!tpu.dma_semaphore, #tpu.memory_space<semaphore_mem>>)
    %dma_start3A_296 = arith.constant 29 : i32
    %dma_start3A_297 = arith.constant 0 : i32
    %dma_start3A_298 = arith.constant 0 : i32
    %dma_start3A_299 = tpu.memref_slice %arg10[%dma_start3A_296, %dma_start3A_297, %dma_start3A_298] : memref<32x56x32xf32, #tpu.memory_space<vmem>> -> memref<1x56x32xf32, #tpu.memory_space<vmem>>
    %dma_start3A_300 = tpu.memref_squeeze %dma_start3A_299 : memref<1x56x32xf32, #tpu.memory_space<vmem>> -> memref<56x32xf32, #tpu.memory_space<vmem>>
    %dma_start3A_301 = arith.constant 1624 : i32
    %dma_start3A_302 = tpu.memref_slice %arg9[%dma_start3A_301] : memref<1792xi32, #tpu.memory_space<vmem>> -> memref<56xi32, #tpu.memory_space<vmem>>
    %dma_start3A_303 = arith.constant 0 : i32
    %dma_start3A_304 = arith.constant 0 : i32
    %dma_start3A_305 = tpu.memref_slice %arg3[%dma_start3A_303, %dma_start3A_304] : memref<1000000x32xf32, #tpu.memory_space<hbm>> -> memref<1000000x32xf32, #tpu.memory_space<hbm>>
    tpu.enqueue_indirect_dma source(%dma_start3A_305 : memref<1000000x32xf32, #tpu.memory_space<hbm>>) target(%dma_start3A_300 : memref<56x32xf32, #tpu.memory_space<vmem>>) offsets(%dma_start3A_302 : memref<56xi32, #tpu.memory_space<vmem>>) semaphore(%arg12 : memref<!tpu.dma_semaphore, #tpu.memory_space<semaphore_mem>>)
    %dma_start3A_306 = arith.constant 30 : i32
    %dma_start3A_307 = arith.constant 0 : i32
    %dma_start3A_308 = arith.constant 0 : i32
    %dma_start3A_309 = tpu.memref_slice %arg10[%dma_start3A_306, %dma_start3A_307, %dma_start3A_308] : memref<32x56x32xf32, #tpu.memory_space<vmem>> -> memref<1x56x32xf32, #tpu.memory_space<vmem>>
    %dma_start3A_310 = tpu.memref_squeeze %dma_start3A_309 : memref<1x56x32xf32, #tpu.memory_space<vmem>> -> memref<56x32xf32, #tpu.memory_space<vmem>>
    %dma_start3A_311 = arith.constant 1680 : i32
    %dma_start3A_312 = tpu.memref_slice %arg9[%dma_start3A_311] : memref<1792xi32, #tpu.memory_space<vmem>> -> memref<56xi32, #tpu.memory_space<vmem>>
    %dma_start3A_313 = arith.constant 0 : i32
    %dma_start3A_314 = arith.constant 0 : i32
    %dma_start3A_315 = tpu.memref_slice %arg3[%dma_start3A_313, %dma_start3A_314] : memref<1000000x32xf32, #tpu.memory_space<hbm>> -> memref<1000000x32xf32, #tpu.memory_space<hbm>>
    tpu.enqueue_indirect_dma source(%dma_start3A_315 : memref<1000000x32xf32, #tpu.memory_space<hbm>>) target(%dma_start3A_310 : memref<56x32xf32, #tpu.memory_space<vmem>>) offsets(%dma_start3A_312 : memref<56xi32, #tpu.memory_space<vmem>>) semaphore(%arg12 : memref<!tpu.dma_semaphore, #tpu.memory_space<semaphore_mem>>)
    %dma_start3A_316 = arith.constant 31 : i32
    %dma_start3A_317 = arith.constant 0 : i32
    %dma_start3A_318 = arith.constant 0 : i32
    %dma_start3A_319 = tpu.memref_slice %arg10[%dma_start3A_316, %dma_start3A_317, %dma_start3A_318] : memref<32x56x32xf32, #tpu.memory_space<vmem>> -> memref<1x56x32xf32, #tpu.memory_space<vmem>>
    %dma_start3A_320 = tpu.memref_squeeze %dma_start3A_319 : memref<1x56x32xf32, #tpu.memory_space<vmem>> -> memref<56x32xf32, #tpu.memory_space<vmem>>
    %dma_start3A_321 = arith.constant 1736 : i32
    %dma_start3A_322 = tpu.memref_slice %arg9[%dma_start3A_321] : memref<1792xi32, #tpu.memory_space<vmem>> -> memref<56xi32, #tpu.memory_space<vmem>>
    %dma_start3A_323 = arith.constant 0 : i32
    %dma_start3A_324 = arith.constant 0 : i32
    %dma_start3A_325 = tpu.memref_slice %arg3[%dma_start3A_323, %dma_start3A_324] : memref<1000000x32xf32, #tpu.memory_space<hbm>> -> memref<1000000x32xf32, #tpu.memory_space<hbm>>
    tpu.enqueue_indirect_dma source(%dma_start3A_325 : memref<1000000x32xf32, #tpu.memory_space<hbm>>) target(%dma_start3A_320 : memref<56x32xf32, #tpu.memory_space<vmem>>) offsets(%dma_start3A_322 : memref<56xi32, #tpu.memory_space<vmem>>) semaphore(%arg12 : memref<!tpu.dma_semaphore, #tpu.memory_space<semaphore_mem>>)
    %dma_wait3A = arith.constant 0 : i32
    %dma_wait3A_326 = arith.constant 0 : i32
    %dma_wait3A_327 = arith.constant 0 : i32
    %dma_wait3A_328 = tpu.memref_slice %arg10[%dma_wait3A, %dma_wait3A_326, %dma_wait3A_327] : memref<32x56x32xf32, #tpu.memory_space<vmem>> -> memref<1x56x32xf32, #tpu.memory_space<vmem>>
    %dma_wait3A_329 = tpu.memref_squeeze %dma_wait3A_328 : memref<1x56x32xf32, #tpu.memory_space<vmem>> -> memref<56x32xf32, #tpu.memory_space<vmem>>
    %dma_wait3A_330 = arith.constant 0 : i32
    %dma_wait3A_331 = tpu.memref_slice %arg9[%dma_wait3A_330] : memref<1792xi32, #tpu.memory_space<vmem>> -> memref<56xi32, #tpu.memory_space<vmem>>
    %dma_wait3A_332 = arith.constant 0 : i32
    %dma_wait3A_333 = arith.constant 0 : i32
    %dma_wait3A_334 = tpu.memref_slice %arg3[%dma_wait3A_332, %dma_wait3A_333] : memref<1000000x32xf32, #tpu.memory_space<hbm>> -> memref<1000000x32xf32, #tpu.memory_space<hbm>>
    tpu.wait_indirect_dma semaphore(%arg12 : memref<!tpu.dma_semaphore, #tpu.memory_space<semaphore_mem>>) src(%dma_wait3A_334 : memref<1000000x32xf32, #tpu.memory_space<hbm>>) dst(%dma_wait3A_329 : memref<56x32xf32, #tpu.memory_space<vmem>>)
    %dma_wait3A_335 = arith.constant 1 : i32
    %dma_wait3A_336 = arith.constant 0 : i32
    %dma_wait3A_337 = arith.constant 0 : i32
    %dma_wait3A_338 = tpu.memref_slice %arg10[%dma_wait3A_335, %dma_wait3A_336, %dma_wait3A_337] : memref<32x56x32xf32, #tpu.memory_space<vmem>> -> memref<1x56x32xf32, #tpu.memory_space<vmem>>
    %dma_wait3A_339 = tpu.memref_squeeze %dma_wait3A_338 : memref<1x56x32xf32, #tpu.memory_space<vmem>> -> memref<56x32xf32, #tpu.memory_space<vmem>>
    %dma_wait3A_340 = arith.constant 56 : i32
    %dma_wait3A_341 = tpu.memref_slice %arg9[%dma_wait3A_340] : memref<1792xi32, #tpu.memory_space<vmem>> -> memref<56xi32, #tpu.memory_space<vmem>>
    %dma_wait3A_342 = arith.constant 0 : i32
    %dma_wait3A_343 = arith.constant 0 : i32
    %dma_wait3A_344 = tpu.memref_slice %arg3[%dma_wait3A_342, %dma_wait3A_343] : memref<1000000x32xf32, #tpu.memory_space<hbm>> -> memref<1000000x32xf32, #tpu.memory_space<hbm>>
    tpu.wait_indirect_dma semaphore(%arg12 : memref<!tpu.dma_semaphore, #tpu.memory_space<semaphore_mem>>) src(%dma_wait3A_344 : memref<1000000x32xf32, #tpu.memory_space<hbm>>) dst(%dma_wait3A_339 : memref<56x32xf32, #tpu.memory_space<vmem>>)
    %dma_wait3A_345 = arith.constant 2 : i32
    %dma_wait3A_346 = arith.constant 0 : i32
    %dma_wait3A_347 = arith.constant 0 : i32
    %dma_wait3A_348 = tpu.memref_slice %arg10[%dma_wait3A_345, %dma_wait3A_346, %dma_wait3A_347] : memref<32x56x32xf32, #tpu.memory_space<vmem>> -> memref<1x56x32xf32, #tpu.memory_space<vmem>>
    %dma_wait3A_349 = tpu.memref_squeeze %dma_wait3A_348 : memref<1x56x32xf32, #tpu.memory_space<vmem>> -> memref<56x32xf32, #tpu.memory_space<vmem>>
    %dma_wait3A_350 = arith.constant 112 : i32
    %dma_wait3A_351 = tpu.memref_slice %arg9[%dma_wait3A_350] : memref<1792xi32, #tpu.memory_space<vmem>> -> memref<56xi32, #tpu.memory_space<vmem>>
    %dma_wait3A_352 = arith.constant 0 : i32
    %dma_wait3A_353 = arith.constant 0 : i32
    %dma_wait3A_354 = tpu.memref_slice %arg3[%dma_wait3A_352, %dma_wait3A_353] : memref<1000000x32xf32, #tpu.memory_space<hbm>> -> memref<1000000x32xf32, #tpu.memory_space<hbm>>
    tpu.wait_indirect_dma semaphore(%arg12 : memref<!tpu.dma_semaphore, #tpu.memory_space<semaphore_mem>>) src(%dma_wait3A_354 : memref<1000000x32xf32, #tpu.memory_space<hbm>>) dst(%dma_wait3A_349 : memref<56x32xf32, #tpu.memory_space<vmem>>)
    %dma_wait3A_355 = arith.constant 3 : i32
    %dma_wait3A_356 = arith.constant 0 : i32
    %dma_wait3A_357 = arith.constant 0 : i32
    %dma_wait3A_358 = tpu.memref_slice %arg10[%dma_wait3A_355, %dma_wait3A_356, %dma_wait3A_357] : memref<32x56x32xf32, #tpu.memory_space<vmem>> -> memref<1x56x32xf32, #tpu.memory_space<vmem>>
    %dma_wait3A_359 = tpu.memref_squeeze %dma_wait3A_358 : memref<1x56x32xf32, #tpu.memory_space<vmem>> -> memref<56x32xf32, #tpu.memory_space<vmem>>
    %dma_wait3A_360 = arith.constant 168 : i32
    %dma_wait3A_361 = tpu.memref_slice %arg9[%dma_wait3A_360] : memref<1792xi32, #tpu.memory_space<vmem>> -> memref<56xi32, #tpu.memory_space<vmem>>
    %dma_wait3A_362 = arith.constant 0 : i32
    %dma_wait3A_363 = arith.constant 0 : i32
    %dma_wait3A_364 = tpu.memref_slice %arg3[%dma_wait3A_362, %dma_wait3A_363] : memref<1000000x32xf32, #tpu.memory_space<hbm>> -> memref<1000000x32xf32, #tpu.memory_space<hbm>>
    tpu.wait_indirect_dma semaphore(%arg12 : memref<!tpu.dma_semaphore, #tpu.memory_space<semaphore_mem>>) src(%dma_wait3A_364 : memref<1000000x32xf32, #tpu.memory_space<hbm>>) dst(%dma_wait3A_359 : memref<56x32xf32, #tpu.memory_space<vmem>>)
    %dma_wait3A_365 = arith.constant 4 : i32
    %dma_wait3A_366 = arith.constant 0 : i32
    %dma_wait3A_367 = arith.constant 0 : i32
    %dma_wait3A_368 = tpu.memref_slice %arg10[%dma_wait3A_365, %dma_wait3A_366, %dma_wait3A_367] : memref<32x56x32xf32, #tpu.memory_space<vmem>> -> memref<1x56x32xf32, #tpu.memory_space<vmem>>
    %dma_wait3A_369 = tpu.memref_squeeze %dma_wait3A_368 : memref<1x56x32xf32, #tpu.memory_space<vmem>> -> memref<56x32xf32, #tpu.memory_space<vmem>>
    %dma_wait3A_370 = arith.constant 224 : i32
    %dma_wait3A_371 = tpu.memref_slice %arg9[%dma_wait3A_370] : memref<1792xi32, #tpu.memory_space<vmem>> -> memref<56xi32, #tpu.memory_space<vmem>>
    %dma_wait3A_372 = arith.constant 0 : i32
    %dma_wait3A_373 = arith.constant 0 : i32
    %dma_wait3A_374 = tpu.memref_slice %arg3[%dma_wait3A_372, %dma_wait3A_373] : memref<1000000x32xf32, #tpu.memory_space<hbm>> -> memref<1000000x32xf32, #tpu.memory_space<hbm>>
    tpu.wait_indirect_dma semaphore(%arg12 : memref<!tpu.dma_semaphore, #tpu.memory_space<semaphore_mem>>) src(%dma_wait3A_374 : memref<1000000x32xf32, #tpu.memory_space<hbm>>) dst(%dma_wait3A_369 : memref<56x32xf32, #tpu.memory_space<vmem>>)
    %dma_wait3A_375 = arith.constant 5 : i32
    %dma_wait3A_376 = arith.constant 0 : i32
    %dma_wait3A_377 = arith.constant 0 : i32
    %dma_wait3A_378 = tpu.memref_slice %arg10[%dma_wait3A_375, %dma_wait3A_376, %dma_wait3A_377] : memref<32x56x32xf32, #tpu.memory_space<vmem>> -> memref<1x56x32xf32, #tpu.memory_space<vmem>>
    %dma_wait3A_379 = tpu.memref_squeeze %dma_wait3A_378 : memref<1x56x32xf32, #tpu.memory_space<vmem>> -> memref<56x32xf32, #tpu.memory_space<vmem>>
    %dma_wait3A_380 = arith.constant 280 : i32
    %dma_wait3A_381 = tpu.memref_slice %arg9[%dma_wait3A_380] : memref<1792xi32, #tpu.memory_space<vmem>> -> memref<56xi32, #tpu.memory_space<vmem>>
    %dma_wait3A_382 = arith.constant 0 : i32
    %dma_wait3A_383 = arith.constant 0 : i32
    %dma_wait3A_384 = tpu.memref_slice %arg3[%dma_wait3A_382, %dma_wait3A_383] : memref<1000000x32xf32, #tpu.memory_space<hbm>> -> memref<1000000x32xf32, #tpu.memory_space<hbm>>
    tpu.wait_indirect_dma semaphore(%arg12 : memref<!tpu.dma_semaphore, #tpu.memory_space<semaphore_mem>>) src(%dma_wait3A_384 : memref<1000000x32xf32, #tpu.memory_space<hbm>>) dst(%dma_wait3A_379 : memref<56x32xf32, #tpu.memory_space<vmem>>)
    %dma_wait3A_385 = arith.constant 6 : i32
    %dma_wait3A_386 = arith.constant 0 : i32
    %dma_wait3A_387 = arith.constant 0 : i32
    %dma_wait3A_388 = tpu.memref_slice %arg10[%dma_wait3A_385, %dma_wait3A_386, %dma_wait3A_387] : memref<32x56x32xf32, #tpu.memory_space<vmem>> -> memref<1x56x32xf32, #tpu.memory_space<vmem>>
    %dma_wait3A_389 = tpu.memref_squeeze %dma_wait3A_388 : memref<1x56x32xf32, #tpu.memory_space<vmem>> -> memref<56x32xf32, #tpu.memory_space<vmem>>
    %dma_wait3A_390 = arith.constant 336 : i32
    %dma_wait3A_391 = tpu.memref_slice %arg9[%dma_wait3A_390] : memref<1792xi32, #tpu.memory_space<vmem>> -> memref<56xi32, #tpu.memory_space<vmem>>
    %dma_wait3A_392 = arith.constant 0 : i32
    %dma_wait3A_393 = arith.constant 0 : i32
    %dma_wait3A_394 = tpu.memref_slice %arg3[%dma_wait3A_392, %dma_wait3A_393] : memref<1000000x32xf32, #tpu.memory_space<hbm>> -> memref<1000000x32xf32, #tpu.memory_space<hbm>>
    tpu.wait_indirect_dma semaphore(%arg12 : memref<!tpu.dma_semaphore, #tpu.memory_space<semaphore_mem>>) src(%dma_wait3A_394 : memref<1000000x32xf32, #tpu.memory_space<hbm>>) dst(%dma_wait3A_389 : memref<56x32xf32, #tpu.memory_space<vmem>>)
    %dma_wait3A_395 = arith.constant 7 : i32
    %dma_wait3A_396 = arith.constant 0 : i32
    %dma_wait3A_397 = arith.constant 0 : i32
    %dma_wait3A_398 = tpu.memref_slice %arg10[%dma_wait3A_395, %dma_wait3A_396, %dma_wait3A_397] : memref<32x56x32xf32, #tpu.memory_space<vmem>> -> memref<1x56x32xf32, #tpu.memory_space<vmem>>
    %dma_wait3A_399 = tpu.memref_squeeze %dma_wait3A_398 : memref<1x56x32xf32, #tpu.memory_space<vmem>> -> memref<56x32xf32, #tpu.memory_space<vmem>>
    %dma_wait3A_400 = arith.constant 392 : i32
    %dma_wait3A_401 = tpu.memref_slice %arg9[%dma_wait3A_400] : memref<1792xi32, #tpu.memory_space<vmem>> -> memref<56xi32, #tpu.memory_space<vmem>>
    %dma_wait3A_402 = arith.constant 0 : i32
    %dma_wait3A_403 = arith.constant 0 : i32
    %dma_wait3A_404 = tpu.memref_slice %arg3[%dma_wait3A_402, %dma_wait3A_403] : memref<1000000x32xf32, #tpu.memory_space<hbm>> -> memref<1000000x32xf32, #tpu.memory_space<hbm>>
    tpu.wait_indirect_dma semaphore(%arg12 : memref<!tpu.dma_semaphore, #tpu.memory_space<semaphore_mem>>) src(%dma_wait3A_404 : memref<1000000x32xf32, #tpu.memory_space<hbm>>) dst(%dma_wait3A_399 : memref<56x32xf32, #tpu.memory_space<vmem>>)
    %dma_wait3A_405 = arith.constant 8 : i32
    %dma_wait3A_406 = arith.constant 0 : i32
    %dma_wait3A_407 = arith.constant 0 : i32
    %dma_wait3A_408 = tpu.memref_slice %arg10[%dma_wait3A_405, %dma_wait3A_406, %dma_wait3A_407] : memref<32x56x32xf32, #tpu.memory_space<vmem>> -> memref<1x56x32xf32, #tpu.memory_space<vmem>>
    %dma_wait3A_409 = tpu.memref_squeeze %dma_wait3A_408 : memref<1x56x32xf32, #tpu.memory_space<vmem>> -> memref<56x32xf32, #tpu.memory_space<vmem>>
    %dma_wait3A_410 = arith.constant 448 : i32
    %dma_wait3A_411 = tpu.memref_slice %arg9[%dma_wait3A_410] : memref<1792xi32, #tpu.memory_space<vmem>> -> memref<56xi32, #tpu.memory_space<vmem>>
    %dma_wait3A_412 = arith.constant 0 : i32
    %dma_wait3A_413 = arith.constant 0 : i32
    %dma_wait3A_414 = tpu.memref_slice %arg3[%dma_wait3A_412, %dma_wait3A_413] : memref<1000000x32xf32, #tpu.memory_space<hbm>> -> memref<1000000x32xf32, #tpu.memory_space<hbm>>
    tpu.wait_indirect_dma semaphore(%arg12 : memref<!tpu.dma_semaphore, #tpu.memory_space<semaphore_mem>>) src(%dma_wait3A_414 : memref<1000000x32xf32, #tpu.memory_space<hbm>>) dst(%dma_wait3A_409 : memref<56x32xf32, #tpu.memory_space<vmem>>)
    %dma_wait3A_415 = arith.constant 9 : i32
    %dma_wait3A_416 = arith.constant 0 : i32
    %dma_wait3A_417 = arith.constant 0 : i32
    %dma_wait3A_418 = tpu.memref_slice %arg10[%dma_wait3A_415, %dma_wait3A_416, %dma_wait3A_417] : memref<32x56x32xf32, #tpu.memory_space<vmem>> -> memref<1x56x32xf32, #tpu.memory_space<vmem>>
    %dma_wait3A_419 = tpu.memref_squeeze %dma_wait3A_418 : memref<1x56x32xf32, #tpu.memory_space<vmem>> -> memref<56x32xf32, #tpu.memory_space<vmem>>
    %dma_wait3A_420 = arith.constant 504 : i32
    %dma_wait3A_421 = tpu.memref_slice %arg9[%dma_wait3A_420] : memref<1792xi32, #tpu.memory_space<vmem>> -> memref<56xi32, #tpu.memory_space<vmem>>
    %dma_wait3A_422 = arith.constant 0 : i32
    %dma_wait3A_423 = arith.constant 0 : i32
    %dma_wait3A_424 = tpu.memref_slice %arg3[%dma_wait3A_422, %dma_wait3A_423] : memref<1000000x32xf32, #tpu.memory_space<hbm>> -> memref<1000000x32xf32, #tpu.memory_space<hbm>>
    tpu.wait_indirect_dma semaphore(%arg12 : memref<!tpu.dma_semaphore, #tpu.memory_space<semaphore_mem>>) src(%dma_wait3A_424 : memref<1000000x32xf32, #tpu.memory_space<hbm>>) dst(%dma_wait3A_419 : memref<56x32xf32, #tpu.memory_space<vmem>>)
    %dma_wait3A_425 = arith.constant 10 : i32
    %dma_wait3A_426 = arith.constant 0 : i32
    %dma_wait3A_427 = arith.constant 0 : i32
    %dma_wait3A_428 = tpu.memref_slice %arg10[%dma_wait3A_425, %dma_wait3A_426, %dma_wait3A_427] : memref<32x56x32xf32, #tpu.memory_space<vmem>> -> memref<1x56x32xf32, #tpu.memory_space<vmem>>
    %dma_wait3A_429 = tpu.memref_squeeze %dma_wait3A_428 : memref<1x56x32xf32, #tpu.memory_space<vmem>> -> memref<56x32xf32, #tpu.memory_space<vmem>>
    %dma_wait3A_430 = arith.constant 560 : i32
    %dma_wait3A_431 = tpu.memref_slice %arg9[%dma_wait3A_430] : memref<1792xi32, #tpu.memory_space<vmem>> -> memref<56xi32, #tpu.memory_space<vmem>>
    %dma_wait3A_432 = arith.constant 0 : i32
    %dma_wait3A_433 = arith.constant 0 : i32
    %dma_wait3A_434 = tpu.memref_slice %arg3[%dma_wait3A_432, %dma_wait3A_433] : memref<1000000x32xf32, #tpu.memory_space<hbm>> -> memref<1000000x32xf32, #tpu.memory_space<hbm>>
    tpu.wait_indirect_dma semaphore(%arg12 : memref<!tpu.dma_semaphore, #tpu.memory_space<semaphore_mem>>) src(%dma_wait3A_434 : memref<1000000x32xf32, #tpu.memory_space<hbm>>) dst(%dma_wait3A_429 : memref<56x32xf32, #tpu.memory_space<vmem>>)
    %dma_wait3A_435 = arith.constant 11 : i32
    %dma_wait3A_436 = arith.constant 0 : i32
    %dma_wait3A_437 = arith.constant 0 : i32
    %dma_wait3A_438 = tpu.memref_slice %arg10[%dma_wait3A_435, %dma_wait3A_436, %dma_wait3A_437] : memref<32x56x32xf32, #tpu.memory_space<vmem>> -> memref<1x56x32xf32, #tpu.memory_space<vmem>>
    %dma_wait3A_439 = tpu.memref_squeeze %dma_wait3A_438 : memref<1x56x32xf32, #tpu.memory_space<vmem>> -> memref<56x32xf32, #tpu.memory_space<vmem>>
    %dma_wait3A_440 = arith.constant 616 : i32
    %dma_wait3A_441 = tpu.memref_slice %arg9[%dma_wait3A_440] : memref<1792xi32, #tpu.memory_space<vmem>> -> memref<56xi32, #tpu.memory_space<vmem>>
    %dma_wait3A_442 = arith.constant 0 : i32
    %dma_wait3A_443 = arith.constant 0 : i32
    %dma_wait3A_444 = tpu.memref_slice %arg3[%dma_wait3A_442, %dma_wait3A_443] : memref<1000000x32xf32, #tpu.memory_space<hbm>> -> memref<1000000x32xf32, #tpu.memory_space<hbm>>
    tpu.wait_indirect_dma semaphore(%arg12 : memref<!tpu.dma_semaphore, #tpu.memory_space<semaphore_mem>>) src(%dma_wait3A_444 : memref<1000000x32xf32, #tpu.memory_space<hbm>>) dst(%dma_wait3A_439 : memref<56x32xf32, #tpu.memory_space<vmem>>)
    %dma_wait3A_445 = arith.constant 12 : i32
    %dma_wait3A_446 = arith.constant 0 : i32
    %dma_wait3A_447 = arith.constant 0 : i32
    %dma_wait3A_448 = tpu.memref_slice %arg10[%dma_wait3A_445, %dma_wait3A_446, %dma_wait3A_447] : memref<32x56x32xf32, #tpu.memory_space<vmem>> -> memref<1x56x32xf32, #tpu.memory_space<vmem>>
    %dma_wait3A_449 = tpu.memref_squeeze %dma_wait3A_448 : memref<1x56x32xf32, #tpu.memory_space<vmem>> -> memref<56x32xf32, #tpu.memory_space<vmem>>
    %dma_wait3A_450 = arith.constant 672 : i32
    %dma_wait3A_451 = tpu.memref_slice %arg9[%dma_wait3A_450] : memref<1792xi32, #tpu.memory_space<vmem>> -> memref<56xi32, #tpu.memory_space<vmem>>
    %dma_wait3A_452 = arith.constant 0 : i32
    %dma_wait3A_453 = arith.constant 0 : i32
    %dma_wait3A_454 = tpu.memref_slice %arg3[%dma_wait3A_452, %dma_wait3A_453] : memref<1000000x32xf32, #tpu.memory_space<hbm>> -> memref<1000000x32xf32, #tpu.memory_space<hbm>>
    tpu.wait_indirect_dma semaphore(%arg12 : memref<!tpu.dma_semaphore, #tpu.memory_space<semaphore_mem>>) src(%dma_wait3A_454 : memref<1000000x32xf32, #tpu.memory_space<hbm>>) dst(%dma_wait3A_449 : memref<56x32xf32, #tpu.memory_space<vmem>>)
    %dma_wait3A_455 = arith.constant 13 : i32
    %dma_wait3A_456 = arith.constant 0 : i32
    %dma_wait3A_457 = arith.constant 0 : i32
    %dma_wait3A_458 = tpu.memref_slice %arg10[%dma_wait3A_455, %dma_wait3A_456, %dma_wait3A_457] : memref<32x56x32xf32, #tpu.memory_space<vmem>> -> memref<1x56x32xf32, #tpu.memory_space<vmem>>
    %dma_wait3A_459 = tpu.memref_squeeze %dma_wait3A_458 : memref<1x56x32xf32, #tpu.memory_space<vmem>> -> memref<56x32xf32, #tpu.memory_space<vmem>>
    %dma_wait3A_460 = arith.constant 728 : i32
    %dma_wait3A_461 = tpu.memref_slice %arg9[%dma_wait3A_460] : memref<1792xi32, #tpu.memory_space<vmem>> -> memref<56xi32, #tpu.memory_space<vmem>>
    %dma_wait3A_462 = arith.constant 0 : i32
    %dma_wait3A_463 = arith.constant 0 : i32
    %dma_wait3A_464 = tpu.memref_slice %arg3[%dma_wait3A_462, %dma_wait3A_463] : memref<1000000x32xf32, #tpu.memory_space<hbm>> -> memref<1000000x32xf32, #tpu.memory_space<hbm>>
    tpu.wait_indirect_dma semaphore(%arg12 : memref<!tpu.dma_semaphore, #tpu.memory_space<semaphore_mem>>) src(%dma_wait3A_464 : memref<1000000x32xf32, #tpu.memory_space<hbm>>) dst(%dma_wait3A_459 : memref<56x32xf32, #tpu.memory_space<vmem>>)
    %dma_wait3A_465 = arith.constant 14 : i32
    %dma_wait3A_466 = arith.constant 0 : i32
    %dma_wait3A_467 = arith.constant 0 : i32
    %dma_wait3A_468 = tpu.memref_slice %arg10[%dma_wait3A_465, %dma_wait3A_466, %dma_wait3A_467] : memref<32x56x32xf32, #tpu.memory_space<vmem>> -> memref<1x56x32xf32, #tpu.memory_space<vmem>>
    %dma_wait3A_469 = tpu.memref_squeeze %dma_wait3A_468 : memref<1x56x32xf32, #tpu.memory_space<vmem>> -> memref<56x32xf32, #tpu.memory_space<vmem>>
    %dma_wait3A_470 = arith.constant 784 : i32
    %dma_wait3A_471 = tpu.memref_slice %arg9[%dma_wait3A_470] : memref<1792xi32, #tpu.memory_space<vmem>> -> memref<56xi32, #tpu.memory_space<vmem>>
    %dma_wait3A_472 = arith.constant 0 : i32
    %dma_wait3A_473 = arith.constant 0 : i32
    %dma_wait3A_474 = tpu.memref_slice %arg3[%dma_wait3A_472, %dma_wait3A_473] : memref<1000000x32xf32, #tpu.memory_space<hbm>> -> memref<1000000x32xf32, #tpu.memory_space<hbm>>
    tpu.wait_indirect_dma semaphore(%arg12 : memref<!tpu.dma_semaphore, #tpu.memory_space<semaphore_mem>>) src(%dma_wait3A_474 : memref<1000000x32xf32, #tpu.memory_space<hbm>>) dst(%dma_wait3A_469 : memref<56x32xf32, #tpu.memory_space<vmem>>)
    %dma_wait3A_475 = arith.constant 15 : i32
    %dma_wait3A_476 = arith.constant 0 : i32
    %dma_wait3A_477 = arith.constant 0 : i32
    %dma_wait3A_478 = tpu.memref_slice %arg10[%dma_wait3A_475, %dma_wait3A_476, %dma_wait3A_477] : memref<32x56x32xf32, #tpu.memory_space<vmem>> -> memref<1x56x32xf32, #tpu.memory_space<vmem>>
    %dma_wait3A_479 = tpu.memref_squeeze %dma_wait3A_478 : memref<1x56x32xf32, #tpu.memory_space<vmem>> -> memref<56x32xf32, #tpu.memory_space<vmem>>
    %dma_wait3A_480 = arith.constant 840 : i32
    %dma_wait3A_481 = tpu.memref_slice %arg9[%dma_wait3A_480] : memref<1792xi32, #tpu.memory_space<vmem>> -> memref<56xi32, #tpu.memory_space<vmem>>
    %dma_wait3A_482 = arith.constant 0 : i32
    %dma_wait3A_483 = arith.constant 0 : i32
    %dma_wait3A_484 = tpu.memref_slice %arg3[%dma_wait3A_482, %dma_wait3A_483] : memref<1000000x32xf32, #tpu.memory_space<hbm>> -> memref<1000000x32xf32, #tpu.memory_space<hbm>>
    tpu.wait_indirect_dma semaphore(%arg12 : memref<!tpu.dma_semaphore, #tpu.memory_space<semaphore_mem>>) src(%dma_wait3A_484 : memref<1000000x32xf32, #tpu.memory_space<hbm>>) dst(%dma_wait3A_479 : memref<56x32xf32, #tpu.memory_space<vmem>>)
    %dma_wait3A_485 = arith.constant 16 : i32
    %dma_wait3A_486 = arith.constant 0 : i32
    %dma_wait3A_487 = arith.constant 0 : i32
    %dma_wait3A_488 = tpu.memref_slice %arg10[%dma_wait3A_485, %dma_wait3A_486, %dma_wait3A_487] : memref<32x56x32xf32, #tpu.memory_space<vmem>> -> memref<1x56x32xf32, #tpu.memory_space<vmem>>
    %dma_wait3A_489 = tpu.memref_squeeze %dma_wait3A_488 : memref<1x56x32xf32, #tpu.memory_space<vmem>> -> memref<56x32xf32, #tpu.memory_space<vmem>>
    %dma_wait3A_490 = arith.constant 896 : i32
    %dma_wait3A_491 = tpu.memref_slice %arg9[%dma_wait3A_490] : memref<1792xi32, #tpu.memory_space<vmem>> -> memref<56xi32, #tpu.memory_space<vmem>>
    %dma_wait3A_492 = arith.constant 0 : i32
    %dma_wait3A_493 = arith.constant 0 : i32
    %dma_wait3A_494 = tpu.memref_slice %arg3[%dma_wait3A_492, %dma_wait3A_493] : memref<1000000x32xf32, #tpu.memory_space<hbm>> -> memref<1000000x32xf32, #tpu.memory_space<hbm>>
    tpu.wait_indirect_dma semaphore(%arg12 : memref<!tpu.dma_semaphore, #tpu.memory_space<semaphore_mem>>) src(%dma_wait3A_494 : memref<1000000x32xf32, #tpu.memory_space<hbm>>) dst(%dma_wait3A_489 : memref<56x32xf32, #tpu.memory_space<vmem>>)
    %dma_wait3A_495 = arith.constant 17 : i32
    %dma_wait3A_496 = arith.constant 0 : i32
    %dma_wait3A_497 = arith.constant 0 : i32
    %dma_wait3A_498 = tpu.memref_slice %arg10[%dma_wait3A_495, %dma_wait3A_496, %dma_wait3A_497] : memref<32x56x32xf32, #tpu.memory_space<vmem>> -> memref<1x56x32xf32, #tpu.memory_space<vmem>>
    %dma_wait3A_499 = tpu.memref_squeeze %dma_wait3A_498 : memref<1x56x32xf32, #tpu.memory_space<vmem>> -> memref<56x32xf32, #tpu.memory_space<vmem>>
    %dma_wait3A_500 = arith.constant 952 : i32
    %dma_wait3A_501 = tpu.memref_slice %arg9[%dma_wait3A_500] : memref<1792xi32, #tpu.memory_space<vmem>> -> memref<56xi32, #tpu.memory_space<vmem>>
    %dma_wait3A_502 = arith.constant 0 : i32
    %dma_wait3A_503 = arith.constant 0 : i32
    %dma_wait3A_504 = tpu.memref_slice %arg3[%dma_wait3A_502, %dma_wait3A_503] : memref<1000000x32xf32, #tpu.memory_space<hbm>> -> memref<1000000x32xf32, #tpu.memory_space<hbm>>
    tpu.wait_indirect_dma semaphore(%arg12 : memref<!tpu.dma_semaphore, #tpu.memory_space<semaphore_mem>>) src(%dma_wait3A_504 : memref<1000000x32xf32, #tpu.memory_space<hbm>>) dst(%dma_wait3A_499 : memref<56x32xf32, #tpu.memory_space<vmem>>)
    %dma_wait3A_505 = arith.constant 18 : i32
    %dma_wait3A_506 = arith.constant 0 : i32
    %dma_wait3A_507 = arith.constant 0 : i32
    %dma_wait3A_508 = tpu.memref_slice %arg10[%dma_wait3A_505, %dma_wait3A_506, %dma_wait3A_507] : memref<32x56x32xf32, #tpu.memory_space<vmem>> -> memref<1x56x32xf32, #tpu.memory_space<vmem>>
    %dma_wait3A_509 = tpu.memref_squeeze %dma_wait3A_508 : memref<1x56x32xf32, #tpu.memory_space<vmem>> -> memref<56x32xf32, #tpu.memory_space<vmem>>
    %dma_wait3A_510 = arith.constant 1008 : i32
    %dma_wait3A_511 = tpu.memref_slice %arg9[%dma_wait3A_510] : memref<1792xi32, #tpu.memory_space<vmem>> -> memref<56xi32, #tpu.memory_space<vmem>>
    %dma_wait3A_512 = arith.constant 0 : i32
    %dma_wait3A_513 = arith.constant 0 : i32
    %dma_wait3A_514 = tpu.memref_slice %arg3[%dma_wait3A_512, %dma_wait3A_513] : memref<1000000x32xf32, #tpu.memory_space<hbm>> -> memref<1000000x32xf32, #tpu.memory_space<hbm>>
    tpu.wait_indirect_dma semaphore(%arg12 : memref<!tpu.dma_semaphore, #tpu.memory_space<semaphore_mem>>) src(%dma_wait3A_514 : memref<1000000x32xf32, #tpu.memory_space<hbm>>) dst(%dma_wait3A_509 : memref<56x32xf32, #tpu.memory_space<vmem>>)
    %dma_wait3A_515 = arith.constant 19 : i32
    %dma_wait3A_516 = arith.constant 0 : i32
    %dma_wait3A_517 = arith.constant 0 : i32
    %dma_wait3A_518 = tpu.memref_slice %arg10[%dma_wait3A_515, %dma_wait3A_516, %dma_wait3A_517] : memref<32x56x32xf32, #tpu.memory_space<vmem>> -> memref<1x56x32xf32, #tpu.memory_space<vmem>>
    %dma_wait3A_519 = tpu.memref_squeeze %dma_wait3A_518 : memref<1x56x32xf32, #tpu.memory_space<vmem>> -> memref<56x32xf32, #tpu.memory_space<vmem>>
    %dma_wait3A_520 = arith.constant 1064 : i32
    %dma_wait3A_521 = tpu.memref_slice %arg9[%dma_wait3A_520] : memref<1792xi32, #tpu.memory_space<vmem>> -> memref<56xi32, #tpu.memory_space<vmem>>
    %dma_wait3A_522 = arith.constant 0 : i32
    %dma_wait3A_523 = arith.constant 0 : i32
    %dma_wait3A_524 = tpu.memref_slice %arg3[%dma_wait3A_522, %dma_wait3A_523] : memref<1000000x32xf32, #tpu.memory_space<hbm>> -> memref<1000000x32xf32, #tpu.memory_space<hbm>>
    tpu.wait_indirect_dma semaphore(%arg12 : memref<!tpu.dma_semaphore, #tpu.memory_space<semaphore_mem>>) src(%dma_wait3A_524 : memref<1000000x32xf32, #tpu.memory_space<hbm>>) dst(%dma_wait3A_519 : memref<56x32xf32, #tpu.memory_space<vmem>>)
    %dma_wait3A_525 = arith.constant 20 : i32
    %dma_wait3A_526 = arith.constant 0 : i32
    %dma_wait3A_527 = arith.constant 0 : i32
    %dma_wait3A_528 = tpu.memref_slice %arg10[%dma_wait3A_525, %dma_wait3A_526, %dma_wait3A_527] : memref<32x56x32xf32, #tpu.memory_space<vmem>> -> memref<1x56x32xf32, #tpu.memory_space<vmem>>
    %dma_wait3A_529 = tpu.memref_squeeze %dma_wait3A_528 : memref<1x56x32xf32, #tpu.memory_space<vmem>> -> memref<56x32xf32, #tpu.memory_space<vmem>>
    %dma_wait3A_530 = arith.constant 1120 : i32
    %dma_wait3A_531 = tpu.memref_slice %arg9[%dma_wait3A_530] : memref<1792xi32, #tpu.memory_space<vmem>> -> memref<56xi32, #tpu.memory_space<vmem>>
    %dma_wait3A_532 = arith.constant 0 : i32
    %dma_wait3A_533 = arith.constant 0 : i32
    %dma_wait3A_534 = tpu.memref_slice %arg3[%dma_wait3A_532, %dma_wait3A_533] : memref<1000000x32xf32, #tpu.memory_space<hbm>> -> memref<1000000x32xf32, #tpu.memory_space<hbm>>
    tpu.wait_indirect_dma semaphore(%arg12 : memref<!tpu.dma_semaphore, #tpu.memory_space<semaphore_mem>>) src(%dma_wait3A_534 : memref<1000000x32xf32, #tpu.memory_space<hbm>>) dst(%dma_wait3A_529 : memref<56x32xf32, #tpu.memory_space<vmem>>)
    %dma_wait3A_535 = arith.constant 21 : i32
    %dma_wait3A_536 = arith.constant 0 : i32
    %dma_wait3A_537 = arith.constant 0 : i32
    %dma_wait3A_538 = tpu.memref_slice %arg10[%dma_wait3A_535, %dma_wait3A_536, %dma_wait3A_537] : memref<32x56x32xf32, #tpu.memory_space<vmem>> -> memref<1x56x32xf32, #tpu.memory_space<vmem>>
    %dma_wait3A_539 = tpu.memref_squeeze %dma_wait3A_538 : memref<1x56x32xf32, #tpu.memory_space<vmem>> -> memref<56x32xf32, #tpu.memory_space<vmem>>
    %dma_wait3A_540 = arith.constant 1176 : i32
    %dma_wait3A_541 = tpu.memref_slice %arg9[%dma_wait3A_540] : memref<1792xi32, #tpu.memory_space<vmem>> -> memref<56xi32, #tpu.memory_space<vmem>>
    %dma_wait3A_542 = arith.constant 0 : i32
    %dma_wait3A_543 = arith.constant 0 : i32
    %dma_wait3A_544 = tpu.memref_slice %arg3[%dma_wait3A_542, %dma_wait3A_543] : memref<1000000x32xf32, #tpu.memory_space<hbm>> -> memref<1000000x32xf32, #tpu.memory_space<hbm>>
    tpu.wait_indirect_dma semaphore(%arg12 : memref<!tpu.dma_semaphore, #tpu.memory_space<semaphore_mem>>) src(%dma_wait3A_544 : memref<1000000x32xf32, #tpu.memory_space<hbm>>) dst(%dma_wait3A_539 : memref<56x32xf32, #tpu.memory_space<vmem>>)
    %dma_wait3A_545 = arith.constant 22 : i32
    %dma_wait3A_546 = arith.constant 0 : i32
    %dma_wait3A_547 = arith.constant 0 : i32
    %dma_wait3A_548 = tpu.memref_slice %arg10[%dma_wait3A_545, %dma_wait3A_546, %dma_wait3A_547] : memref<32x56x32xf32, #tpu.memory_space<vmem>> -> memref<1x56x32xf32, #tpu.memory_space<vmem>>
    %dma_wait3A_549 = tpu.memref_squeeze %dma_wait3A_548 : memref<1x56x32xf32, #tpu.memory_space<vmem>> -> memref<56x32xf32, #tpu.memory_space<vmem>>
    %dma_wait3A_550 = arith.constant 1232 : i32
    %dma_wait3A_551 = tpu.memref_slice %arg9[%dma_wait3A_550] : memref<1792xi32, #tpu.memory_space<vmem>> -> memref<56xi32, #tpu.memory_space<vmem>>
    %dma_wait3A_552 = arith.constant 0 : i32
    %dma_wait3A_553 = arith.constant 0 : i32
    %dma_wait3A_554 = tpu.memref_slice %arg3[%dma_wait3A_552, %dma_wait3A_553] : memref<1000000x32xf32, #tpu.memory_space<hbm>> -> memref<1000000x32xf32, #tpu.memory_space<hbm>>
    tpu.wait_indirect_dma semaphore(%arg12 : memref<!tpu.dma_semaphore, #tpu.memory_space<semaphore_mem>>) src(%dma_wait3A_554 : memref<1000000x32xf32, #tpu.memory_space<hbm>>) dst(%dma_wait3A_549 : memref<56x32xf32, #tpu.memory_space<vmem>>)
    %dma_wait3A_555 = arith.constant 23 : i32
    %dma_wait3A_556 = arith.constant 0 : i32
    %dma_wait3A_557 = arith.constant 0 : i32
    %dma_wait3A_558 = tpu.memref_slice %arg10[%dma_wait3A_555, %dma_wait3A_556, %dma_wait3A_557] : memref<32x56x32xf32, #tpu.memory_space<vmem>> -> memref<1x56x32xf32, #tpu.memory_space<vmem>>
    %dma_wait3A_559 = tpu.memref_squeeze %dma_wait3A_558 : memref<1x56x32xf32, #tpu.memory_space<vmem>> -> memref<56x32xf32, #tpu.memory_space<vmem>>
    %dma_wait3A_560 = arith.constant 1288 : i32
    %dma_wait3A_561 = tpu.memref_slice %arg9[%dma_wait3A_560] : memref<1792xi32, #tpu.memory_space<vmem>> -> memref<56xi32, #tpu.memory_space<vmem>>
    %dma_wait3A_562 = arith.constant 0 : i32
    %dma_wait3A_563 = arith.constant 0 : i32
    %dma_wait3A_564 = tpu.memref_slice %arg3[%dma_wait3A_562, %dma_wait3A_563] : memref<1000000x32xf32, #tpu.memory_space<hbm>> -> memref<1000000x32xf32, #tpu.memory_space<hbm>>
    tpu.wait_indirect_dma semaphore(%arg12 : memref<!tpu.dma_semaphore, #tpu.memory_space<semaphore_mem>>) src(%dma_wait3A_564 : memref<1000000x32xf32, #tpu.memory_space<hbm>>) dst(%dma_wait3A_559 : memref<56x32xf32, #tpu.memory_space<vmem>>)
    %dma_wait3A_565 = arith.constant 24 : i32
    %dma_wait3A_566 = arith.constant 0 : i32
    %dma_wait3A_567 = arith.constant 0 : i32
    %dma_wait3A_568 = tpu.memref_slice %arg10[%dma_wait3A_565, %dma_wait3A_566, %dma_wait3A_567] : memref<32x56x32xf32, #tpu.memory_space<vmem>> -> memref<1x56x32xf32, #tpu.memory_space<vmem>>
    %dma_wait3A_569 = tpu.memref_squeeze %dma_wait3A_568 : memref<1x56x32xf32, #tpu.memory_space<vmem>> -> memref<56x32xf32, #tpu.memory_space<vmem>>
    %dma_wait3A_570 = arith.constant 1344 : i32
    %dma_wait3A_571 = tpu.memref_slice %arg9[%dma_wait3A_570] : memref<1792xi32, #tpu.memory_space<vmem>> -> memref<56xi32, #tpu.memory_space<vmem>>
    %dma_wait3A_572 = arith.constant 0 : i32
    %dma_wait3A_573 = arith.constant 0 : i32
    %dma_wait3A_574 = tpu.memref_slice %arg3[%dma_wait3A_572, %dma_wait3A_573] : memref<1000000x32xf32, #tpu.memory_space<hbm>> -> memref<1000000x32xf32, #tpu.memory_space<hbm>>
    tpu.wait_indirect_dma semaphore(%arg12 : memref<!tpu.dma_semaphore, #tpu.memory_space<semaphore_mem>>) src(%dma_wait3A_574 : memref<1000000x32xf32, #tpu.memory_space<hbm>>) dst(%dma_wait3A_569 : memref<56x32xf32, #tpu.memory_space<vmem>>)
    %dma_wait3A_575 = arith.constant 25 : i32
    %dma_wait3A_576 = arith.constant 0 : i32
    %dma_wait3A_577 = arith.constant 0 : i32
    %dma_wait3A_578 = tpu.memref_slice %arg10[%dma_wait3A_575, %dma_wait3A_576, %dma_wait3A_577] : memref<32x56x32xf32, #tpu.memory_space<vmem>> -> memref<1x56x32xf32, #tpu.memory_space<vmem>>
    %dma_wait3A_579 = tpu.memref_squeeze %dma_wait3A_578 : memref<1x56x32xf32, #tpu.memory_space<vmem>> -> memref<56x32xf32, #tpu.memory_space<vmem>>
    %dma_wait3A_580 = arith.constant 1400 : i32
    %dma_wait3A_581 = tpu.memref_slice %arg9[%dma_wait3A_580] : memref<1792xi32, #tpu.memory_space<vmem>> -> memref<56xi32, #tpu.memory_space<vmem>>
    %dma_wait3A_582 = arith.constant 0 : i32
    %dma_wait3A_583 = arith.constant 0 : i32
    %dma_wait3A_584 = tpu.memref_slice %arg3[%dma_wait3A_582, %dma_wait3A_583] : memref<1000000x32xf32, #tpu.memory_space<hbm>> -> memref<1000000x32xf32, #tpu.memory_space<hbm>>
    tpu.wait_indirect_dma semaphore(%arg12 : memref<!tpu.dma_semaphore, #tpu.memory_space<semaphore_mem>>) src(%dma_wait3A_584 : memref<1000000x32xf32, #tpu.memory_space<hbm>>) dst(%dma_wait3A_579 : memref<56x32xf32, #tpu.memory_space<vmem>>)
    %dma_wait3A_585 = arith.constant 26 : i32
    %dma_wait3A_586 = arith.constant 0 : i32
    %dma_wait3A_587 = arith.constant 0 : i32
    %dma_wait3A_588 = tpu.memref_slice %arg10[%dma_wait3A_585, %dma_wait3A_586, %dma_wait3A_587] : memref<32x56x32xf32, #tpu.memory_space<vmem>> -> memref<1x56x32xf32, #tpu.memory_space<vmem>>
    %dma_wait3A_589 = tpu.memref_squeeze %dma_wait3A_588 : memref<1x56x32xf32, #tpu.memory_space<vmem>> -> memref<56x32xf32, #tpu.memory_space<vmem>>
    %dma_wait3A_590 = arith.constant 1456 : i32
    %dma_wait3A_591 = tpu.memref_slice %arg9[%dma_wait3A_590] : memref<1792xi32, #tpu.memory_space<vmem>> -> memref<56xi32, #tpu.memory_space<vmem>>
    %dma_wait3A_592 = arith.constant 0 : i32
    %dma_wait3A_593 = arith.constant 0 : i32
    %dma_wait3A_594 = tpu.memref_slice %arg3[%dma_wait3A_592, %dma_wait3A_593] : memref<1000000x32xf32, #tpu.memory_space<hbm>> -> memref<1000000x32xf32, #tpu.memory_space<hbm>>
    tpu.wait_indirect_dma semaphore(%arg12 : memref<!tpu.dma_semaphore, #tpu.memory_space<semaphore_mem>>) src(%dma_wait3A_594 : memref<1000000x32xf32, #tpu.memory_space<hbm>>) dst(%dma_wait3A_589 : memref<56x32xf32, #tpu.memory_space<vmem>>)
    %dma_wait3A_595 = arith.constant 27 : i32
    %dma_wait3A_596 = arith.constant 0 : i32
    %dma_wait3A_597 = arith.constant 0 : i32
    %dma_wait3A_598 = tpu.memref_slice %arg10[%dma_wait3A_595, %dma_wait3A_596, %dma_wait3A_597] : memref<32x56x32xf32, #tpu.memory_space<vmem>> -> memref<1x56x32xf32, #tpu.memory_space<vmem>>
    %dma_wait3A_599 = tpu.memref_squeeze %dma_wait3A_598 : memref<1x56x32xf32, #tpu.memory_space<vmem>> -> memref<56x32xf32, #tpu.memory_space<vmem>>
    %dma_wait3A_600 = arith.constant 1512 : i32
    %dma_wait3A_601 = tpu.memref_slice %arg9[%dma_wait3A_600] : memref<1792xi32, #tpu.memory_space<vmem>> -> memref<56xi32, #tpu.memory_space<vmem>>
    %dma_wait3A_602 = arith.constant 0 : i32
    %dma_wait3A_603 = arith.constant 0 : i32
    %dma_wait3A_604 = tpu.memref_slice %arg3[%dma_wait3A_602, %dma_wait3A_603] : memref<1000000x32xf32, #tpu.memory_space<hbm>> -> memref<1000000x32xf32, #tpu.memory_space<hbm>>
    tpu.wait_indirect_dma semaphore(%arg12 : memref<!tpu.dma_semaphore, #tpu.memory_space<semaphore_mem>>) src(%dma_wait3A_604 : memref<1000000x32xf32, #tpu.memory_space<hbm>>) dst(%dma_wait3A_599 : memref<56x32xf32, #tpu.memory_space<vmem>>)
    %dma_wait3A_605 = arith.constant 28 : i32
    %dma_wait3A_606 = arith.constant 0 : i32
    %dma_wait3A_607 = arith.constant 0 : i32
    %dma_wait3A_608 = tpu.memref_slice %arg10[%dma_wait3A_605, %dma_wait3A_606, %dma_wait3A_607] : memref<32x56x32xf32, #tpu.memory_space<vmem>> -> memref<1x56x32xf32, #tpu.memory_space<vmem>>
    %dma_wait3A_609 = tpu.memref_squeeze %dma_wait3A_608 : memref<1x56x32xf32, #tpu.memory_space<vmem>> -> memref<56x32xf32, #tpu.memory_space<vmem>>
    %dma_wait3A_610 = arith.constant 1568 : i32
    %dma_wait3A_611 = tpu.memref_slice %arg9[%dma_wait3A_610] : memref<1792xi32, #tpu.memory_space<vmem>> -> memref<56xi32, #tpu.memory_space<vmem>>
    %dma_wait3A_612 = arith.constant 0 : i32
    %dma_wait3A_613 = arith.constant 0 : i32
    %dma_wait3A_614 = tpu.memref_slice %arg3[%dma_wait3A_612, %dma_wait3A_613] : memref<1000000x32xf32, #tpu.memory_space<hbm>> -> memref<1000000x32xf32, #tpu.memory_space<hbm>>
    tpu.wait_indirect_dma semaphore(%arg12 : memref<!tpu.dma_semaphore, #tpu.memory_space<semaphore_mem>>) src(%dma_wait3A_614 : memref<1000000x32xf32, #tpu.memory_space<hbm>>) dst(%dma_wait3A_609 : memref<56x32xf32, #tpu.memory_space<vmem>>)
    %dma_wait3A_615 = arith.constant 29 : i32
    %dma_wait3A_616 = arith.constant 0 : i32
    %dma_wait3A_617 = arith.constant 0 : i32
    %dma_wait3A_618 = tpu.memref_slice %arg10[%dma_wait3A_615, %dma_wait3A_616, %dma_wait3A_617] : memref<32x56x32xf32, #tpu.memory_space<vmem>> -> memref<1x56x32xf32, #tpu.memory_space<vmem>>
    %dma_wait3A_619 = tpu.memref_squeeze %dma_wait3A_618 : memref<1x56x32xf32, #tpu.memory_space<vmem>> -> memref<56x32xf32, #tpu.memory_space<vmem>>
    %dma_wait3A_620 = arith.constant 1624 : i32
    %dma_wait3A_621 = tpu.memref_slice %arg9[%dma_wait3A_620] : memref<1792xi32, #tpu.memory_space<vmem>> -> memref<56xi32, #tpu.memory_space<vmem>>
    %dma_wait3A_622 = arith.constant 0 : i32
    %dma_wait3A_623 = arith.constant 0 : i32
    %dma_wait3A_624 = tpu.memref_slice %arg3[%dma_wait3A_622, %dma_wait3A_623] : memref<1000000x32xf32, #tpu.memory_space<hbm>> -> memref<1000000x32xf32, #tpu.memory_space<hbm>>
    tpu.wait_indirect_dma semaphore(%arg12 : memref<!tpu.dma_semaphore, #tpu.memory_space<semaphore_mem>>) src(%dma_wait3A_624 : memref<1000000x32xf32, #tpu.memory_space<hbm>>) dst(%dma_wait3A_619 : memref<56x32xf32, #tpu.memory_space<vmem>>)
    %dma_wait3A_625 = arith.constant 30 : i32
    %dma_wait3A_626 = arith.constant 0 : i32
    %dma_wait3A_627 = arith.constant 0 : i32
    %dma_wait3A_628 = tpu.memref_slice %arg10[%dma_wait3A_625, %dma_wait3A_626, %dma_wait3A_627] : memref<32x56x32xf32, #tpu.memory_space<vmem>> -> memref<1x56x32xf32, #tpu.memory_space<vmem>>
    %dma_wait3A_629 = tpu.memref_squeeze %dma_wait3A_628 : memref<1x56x32xf32, #tpu.memory_space<vmem>> -> memref<56x32xf32, #tpu.memory_space<vmem>>
    %dma_wait3A_630 = arith.constant 1680 : i32
    %dma_wait3A_631 = tpu.memref_slice %arg9[%dma_wait3A_630] : memref<1792xi32, #tpu.memory_space<vmem>> -> memref<56xi32, #tpu.memory_space<vmem>>
    %dma_wait3A_632 = arith.constant 0 : i32
    %dma_wait3A_633 = arith.constant 0 : i32
    %dma_wait3A_634 = tpu.memref_slice %arg3[%dma_wait3A_632, %dma_wait3A_633] : memref<1000000x32xf32, #tpu.memory_space<hbm>> -> memref<1000000x32xf32, #tpu.memory_space<hbm>>
    tpu.wait_indirect_dma semaphore(%arg12 : memref<!tpu.dma_semaphore, #tpu.memory_space<semaphore_mem>>) src(%dma_wait3A_634 : memref<1000000x32xf32, #tpu.memory_space<hbm>>) dst(%dma_wait3A_629 : memref<56x32xf32, #tpu.memory_space<vmem>>)
    %dma_wait3A_635 = arith.constant 31 : i32
    %dma_wait3A_636 = arith.constant 0 : i32
    %dma_wait3A_637 = arith.constant 0 : i32
    %dma_wait3A_638 = tpu.memref_slice %arg10[%dma_wait3A_635, %dma_wait3A_636, %dma_wait3A_637] : memref<32x56x32xf32, #tpu.memory_space<vmem>> -> memref<1x56x32xf32, #tpu.memory_space<vmem>>
    %dma_wait3A_639 = tpu.memref_squeeze %dma_wait3A_638 : memref<1x56x32xf32, #tpu.memory_space<vmem>> -> memref<56x32xf32, #tpu.memory_space<vmem>>
    %dma_wait3A_640 = arith.constant 1736 : i32
    %dma_wait3A_641 = tpu.memref_slice %arg9[%dma_wait3A_640] : memref<1792xi32, #tpu.memory_space<vmem>> -> memref<56xi32, #tpu.memory_space<vmem>>
    %dma_wait3A_642 = arith.constant 0 : i32
    %dma_wait3A_643 = arith.constant 0 : i32
    %dma_wait3A_644 = tpu.memref_slice %arg3[%dma_wait3A_642, %dma_wait3A_643] : memref<1000000x32xf32, #tpu.memory_space<hbm>> -> memref<1000000x32xf32, #tpu.memory_space<hbm>>
    tpu.wait_indirect_dma semaphore(%arg12 : memref<!tpu.dma_semaphore, #tpu.memory_space<semaphore_mem>>) src(%dma_wait3A_644 : memref<1000000x32xf32, #tpu.memory_space<hbm>>) dst(%dma_wait3A_639 : memref<56x32xf32, #tpu.memory_space<vmem>>)
    %broadcast_in_dim3A = arith.constant 0.000000e+00 : f32
    %broadcast_in_dim3A_645 = vector.broadcast %broadcast_in_dim3A : f32 to vector<16xf32>
    %scan3A = arith.constant 0 : i32
    %scan3A_646 = arith.constant 32 : i32
    %scan3A_647 = arith.addi %scan3A, %scan3A_646 : i32
    %scan3A_648 = arith.constant 1 : i32
    %scan3A_649:2 = scf.for %scan3A_657 = %scan3A to %scan3A_647 step %scan3A_648 iter_args(%scan3A_658 = %broadcast_in_dim3A_645, %scan3A_659 = %broadcast_in_dim3A_645) -> (vector<16xf32>, vector<16xf32>)  : i32 {
      %mul3A_660 = arith.constant 32 : i32
      %mul3A_661 = arith.muli %scan3A_657, %mul3A_660 : i32
      %get3A = arith.index_cast %mul3A_661 : i32 to index
      %get3A_662 = tpu.vector_load %arg7[%get3A] {strides = array<i32>} : memref<1024xf32, #tpu.memory_space<vmem>>, vector<16xf32>,
      %get3A_663 = vector.shape_cast %get3A_662 : vector<16xf32> to vector<16xf32>
      %mul3A_664 = arith.constant 32 : i32
      %mul3A_665 = arith.muli %scan3A_657, %mul3A_664 : i32
      %add3A_666 = arith.constant 16 : i32
      %add3A_667 = arith.addi %mul3A_665, %add3A_666 : i32
      %get3A_668 = arith.index_cast %add3A_667 : i32 to index
      %get3A_669 = tpu.vector_load %arg7[%get3A_668] {strides = array<i32>} : memref<1024xf32, #tpu.memory_space<vmem>>, vector<16xf32>,
      %get3A_670 = vector.shape_cast %get3A_669 : vector<16xf32> to vector<16xf32>
      %mul3A_671 = arith.constant 64 : i32
      %mul3A_672 = arith.muli %scan3A_657, %mul3A_671 : i32
      %add3A_673 = arith.constant 0 : i32
      %add3A_674 = arith.addi %mul3A_672, %add3A_673 : i32
      %get3A_675 = arith.index_cast %add3A_674 : i32 to index
      %get3A_676 = tpu.vector_load %arg8[%get3A_675] {strides = array<i32>} : memref<2048xf32, #tpu.memory_space<vmem>>, vector<16xf32>,
      %get3A_677 = vector.shape_cast %get3A_676 : vector<16xf32> to vector<16xf32>
      %slice3A = vector.extract_strided_slice %get3A_677 {offsets = [0], sizes = [1], strides = [1]} : vector<16xf32> to vector<1xf32>
      %squeeze3A = vector.extract %slice3A[0] : f32 from vector<1xf32>
      %get3A_678 = arith.constant 0 : i32
      %get3A_679 = arith.index_cast %scan3A_657 : i32 to index
      %get3A_680 = arith.index_cast %get3A_678 : i32 to index
      %get3A_681 = arith.constant 0 : index
      %get3A_682 = tpu.vector_load %arg10[%get3A_679, %get3A_680, %get3A_681] {strides = array<i32>} : memref<32x56x32xf32, #tpu.memory_space<vmem>>, vector<1x1x16xf32>,
      %get3A_683 = vector.shape_cast %get3A_682 : vector<1x1x16xf32> to vector<16xf32>
      %sub3A = arith.subf %get3A_683, %get3A_663 : vector<16xf32>
      %get3A_684 = arith.constant 0 : i32
      %get3A_685 = arith.index_cast %scan3A_657 : i32 to index
      %get3A_686 = arith.index_cast %get3A_684 : i32 to index
      %get3A_687 = arith.constant 16 : index
      %get3A_688 = tpu.vector_load %arg10[%get3A_685, %get3A_686, %get3A_687] {strides = array<i32>} : memref<32x56x32xf32, #tpu.memory_space<vmem>>, vector<1x1x16xf32>,
      %get3A_689 = vector.shape_cast %get3A_688 : vector<1x1x16xf32> to vector<16xf32>
      %sub3A_690 = arith.subf %get3A_689, %get3A_670 : vector<16xf32>
      %mul3A_691 = arith.mulf %sub3A, %sub3A : vector<16xf32>
      %mul3A_692 = vector.broadcast %squeeze3A : f32 to vector<16xf32>
      %mul3A_693 = arith.mulf %mul3A_692, %mul3A_691 : vector<16xf32>
      %add3A_694 = arith.addf %scan3A_658, %mul3A_693 : vector<16xf32>
      %mul3A_695 = arith.mulf %sub3A_690, %sub3A_690 : vector<16xf32>
      %mul3A_696 = vector.broadcast %squeeze3A : f32 to vector<16xf32>
      %mul3A_697 = arith.mulf %mul3A_696, %mul3A_695 : vector<16xf32>
      %add3A_698 = arith.addf %scan3A_659, %mul3A_697 : vector<16xf32>
      %slice3A_699 = vector.extract_strided_slice %get3A_677 {offsets = [1], sizes = [1], strides = [1]} : vector<16xf32> to vector<1xf32>
      %squeeze3A_700 = vector.extract %slice3A_699[0] : f32 from vector<1xf32>
      %get3A_701 = arith.constant 1 : i32
      %get3A_702 = arith.index_cast %scan3A_657 : i32 to index
      %get3A_703 = arith.index_cast %get3A_701 : i32 to index
      %get3A_704 = arith.constant 0 : index
      %get3A_705 = tpu.vector_load %arg10[%get3A_702, %get3A_703, %get3A_704] {strides = array<i32>} : memref<32x56x32xf32, #tpu.memory_space<vmem>>, vector<1x1x16xf32>,
      %get3A_706 = vector.shape_cast %get3A_705 : vector<1x1x16xf32> to vector<16xf32>
      %sub3A_707 = arith.subf %get3A_706, %get3A_663 : vector<16xf32>
      %get3A_708 = arith.constant 1 : i32
      %get3A_709 = arith.index_cast %scan3A_657 : i32 to index
      %get3A_710 = arith.index_cast %get3A_708 : i32 to index
      %get3A_711 = arith.constant 16 : index
      %get3A_712 = tpu.vector_load %arg10[%get3A_709, %get3A_710, %get3A_711] {strides = array<i32>} : memref<32x56x32xf32, #tpu.memory_space<vmem>>, vector<1x1x16xf32>,
      %get3A_713 = vector.shape_cast %get3A_712 : vector<1x1x16xf32> to vector<16xf32>
      %sub3A_714 = arith.subf %get3A_713, %get3A_670 : vector<16xf32>
      %mul3A_715 = arith.mulf %sub3A_707, %sub3A_707 : vector<16xf32>
      %mul3A_716 = vector.broadcast %squeeze3A_700 : f32 to vector<16xf32>
      %mul3A_717 = arith.mulf %mul3A_716, %mul3A_715 : vector<16xf32>
      %add3A_718 = arith.addf %add3A_694, %mul3A_717 : vector<16xf32>
      %mul3A_719 = arith.mulf %sub3A_714, %sub3A_714 : vector<16xf32>
      %mul3A_720 = vector.broadcast %squeeze3A_700 : f32 to vector<16xf32>
      %mul3A_721 = arith.mulf %mul3A_720, %mul3A_719 : vector<16xf32>
      %add3A_722 = arith.addf %add3A_698, %mul3A_721 : vector<16xf32>
      %slice3A_723 = vector.extract_strided_slice %get3A_677 {offsets = [2], sizes = [1], strides = [1]} : vector<16xf32> to vector<1xf32>
      %squeeze3A_724 = vector.extract %slice3A_723[0] : f32 from vector<1xf32>
      %get3A_725 = arith.constant 2 : i32
      %get3A_726 = arith.index_cast %scan3A_657 : i32 to index
      %get3A_727 = arith.index_cast %get3A_725 : i32 to index
      %get3A_728 = arith.constant 0 : index
      %get3A_729 = tpu.vector_load %arg10[%get3A_726, %get3A_727, %get3A_728] {strides = array<i32>} : memref<32x56x32xf32, #tpu.memory_space<vmem>>, vector<1x1x16xf32>,
      %get3A_730 = vector.shape_cast %get3A_729 : vector<1x1x16xf32> to vector<16xf32>
      %sub3A_731 = arith.subf %get3A_730, %get3A_663 : vector<16xf32>
      %get3A_732 = arith.constant 2 : i32
      %get3A_733 = arith.index_cast %scan3A_657 : i32 to index
      %get3A_734 = arith.index_cast %get3A_732 : i32 to index
      %get3A_735 = arith.constant 16 : index
      %get3A_736 = tpu.vector_load %arg10[%get3A_733, %get3A_734, %get3A_735] {strides = array<i32>} : memref<32x56x32xf32, #tpu.memory_space<vmem>>, vector<1x1x16xf32>,
      %get3A_737 = vector.shape_cast %get3A_736 : vector<1x1x16xf32> to vector<16xf32>
      %sub3A_738 = arith.subf %get3A_737, %get3A_670 : vector<16xf32>
      %mul3A_739 = arith.mulf %sub3A_731, %sub3A_731 : vector<16xf32>
      %mul3A_740 = vector.broadcast %squeeze3A_724 : f32 to vector<16xf32>
      %mul3A_741 = arith.mulf %mul3A_740, %mul3A_739 : vector<16xf32>
      %add3A_742 = arith.addf %add3A_718, %mul3A_741 : vector<16xf32>
      %mul3A_743 = arith.mulf %sub3A_738, %sub3A_738 : vector<16xf32>
      %mul3A_744 = vector.broadcast %squeeze3A_724 : f32 to vector<16xf32>
      %mul3A_745 = arith.mulf %mul3A_744, %mul3A_743 : vector<16xf32>
      %add3A_746 = arith.addf %add3A_722, %mul3A_745 : vector<16xf32>
      %slice3A_747 = vector.extract_strided_slice %get3A_677 {offsets = [3], sizes = [1], strides = [1]} : vector<16xf32> to vector<1xf32>
      %squeeze3A_748 = vector.extract %slice3A_747[0] : f32 from vector<1xf32>
      %get3A_749 = arith.constant 3 : i32
      %get3A_750 = arith.index_cast %scan3A_657 : i32 to index
      %get3A_751 = arith.index_cast %get3A_749 : i32 to index
      %get3A_752 = arith.constant 0 : index
      %get3A_753 = tpu.vector_load %arg10[%get3A_750, %get3A_751, %get3A_752] {strides = array<i32>} : memref<32x56x32xf32, #tpu.memory_space<vmem>>, vector<1x1x16xf32>,
      %get3A_754 = vector.shape_cast %get3A_753 : vector<1x1x16xf32> to vector<16xf32>
      %sub3A_755 = arith.subf %get3A_754, %get3A_663 : vector<16xf32>
      %get3A_756 = arith.constant 3 : i32
      %get3A_757 = arith.index_cast %scan3A_657 : i32 to index
      %get3A_758 = arith.index_cast %get3A_756 : i32 to index
      %get3A_759 = arith.constant 16 : index
      %get3A_760 = tpu.vector_load %arg10[%get3A_757, %get3A_758, %get3A_759] {strides = array<i32>} : memref<32x56x32xf32, #tpu.memory_space<vmem>>, vector<1x1x16xf32>,
      %get3A_761 = vector.shape_cast %get3A_760 : vector<1x1x16xf32> to vector<16xf32>
      %sub3A_762 = arith.subf %get3A_761, %get3A_670 : vector<16xf32>
      %mul3A_763 = arith.mulf %sub3A_755, %sub3A_755 : vector<16xf32>
      %mul3A_764 = vector.broadcast %squeeze3A_748 : f32 to vector<16xf32>
      %mul3A_765 = arith.mulf %mul3A_764, %mul3A_763 : vector<16xf32>
      %add3A_766 = arith.addf %add3A_742, %mul3A_765 : vector<16xf32>
      %mul3A_767 = arith.mulf %sub3A_762, %sub3A_762 : vector<16xf32>
      %mul3A_768 = vector.broadcast %squeeze3A_748 : f32 to vector<16xf32>
      %mul3A_769 = arith.mulf %mul3A_768, %mul3A_767 : vector<16xf32>
      %add3A_770 = arith.addf %add3A_746, %mul3A_769 : vector<16xf32>
      %slice3A_771 = vector.extract_strided_slice %get3A_677 {offsets = [4], sizes = [1], strides = [1]} : vector<16xf32> to vector<1xf32>
      %squeeze3A_772 = vector.extract %slice3A_771[0] : f32 from vector<1xf32>
      %get3A_773 = arith.constant 4 : i32
      %get3A_774 = arith.index_cast %scan3A_657 : i32 to index
      %get3A_775 = arith.index_cast %get3A_773 : i32 to index
      %get3A_776 = arith.constant 0 : index
      %get3A_777 = tpu.vector_load %arg10[%get3A_774, %get3A_775, %get3A_776] {strides = array<i32>} : memref<32x56x32xf32, #tpu.memory_space<vmem>>, vector<1x1x16xf32>,
      %get3A_778 = vector.shape_cast %get3A_777 : vector<1x1x16xf32> to vector<16xf32>
      %sub3A_779 = arith.subf %get3A_778, %get3A_663 : vector<16xf32>
      %get3A_780 = arith.constant 4 : i32
      %get3A_781 = arith.index_cast %scan3A_657 : i32 to index
      %get3A_782 = arith.index_cast %get3A_780 : i32 to index
      %get3A_783 = arith.constant 16 : index
      %get3A_784 = tpu.vector_load %arg10[%get3A_781, %get3A_782, %get3A_783] {strides = array<i32>} : memref<32x56x32xf32, #tpu.memory_space<vmem>>, vector<1x1x16xf32>,
      %get3A_785 = vector.shape_cast %get3A_784 : vector<1x1x16xf32> to vector<16xf32>
      %sub3A_786 = arith.subf %get3A_785, %get3A_670 : vector<16xf32>
      %mul3A_787 = arith.mulf %sub3A_779, %sub3A_779 : vector<16xf32>
      %mul3A_788 = vector.broadcast %squeeze3A_772 : f32 to vector<16xf32>
      %mul3A_789 = arith.mulf %mul3A_788, %mul3A_787 : vector<16xf32>
      %add3A_790 = arith.addf %add3A_766, %mul3A_789 : vector<16xf32>
      %mul3A_791 = arith.mulf %sub3A_786, %sub3A_786 : vector<16xf32>
      %mul3A_792 = vector.broadcast %squeeze3A_772 : f32 to vector<16xf32>
      %mul3A_793 = arith.mulf %mul3A_792, %mul3A_791 : vector<16xf32>
      %add3A_794 = arith.addf %add3A_770, %mul3A_793 : vector<16xf32>
      %slice3A_795 = vector.extract_strided_slice %get3A_677 {offsets = [5], sizes = [1], strides = [1]} : vector<16xf32> to vector<1xf32>
      %squeeze3A_796 = vector.extract %slice3A_795[0] : f32 from vector<1xf32>
      %get3A_797 = arith.constant 5 : i32
      %get3A_798 = arith.index_cast %scan3A_657 : i32 to index
      %get3A_799 = arith.index_cast %get3A_797 : i32 to index
      %get3A_800 = arith.constant 0 : index
      %get3A_801 = tpu.vector_load %arg10[%get3A_798, %get3A_799, %get3A_800] {strides = array<i32>} : memref<32x56x32xf32, #tpu.memory_space<vmem>>, vector<1x1x16xf32>,
      %get3A_802 = vector.shape_cast %get3A_801 : vector<1x1x16xf32> to vector<16xf32>
      %sub3A_803 = arith.subf %get3A_802, %get3A_663 : vector<16xf32>
      %get3A_804 = arith.constant 5 : i32
      %get3A_805 = arith.index_cast %scan3A_657 : i32 to index
      %get3A_806 = arith.index_cast %get3A_804 : i32 to index
      %get3A_807 = arith.constant 16 : index
      %get3A_808 = tpu.vector_load %arg10[%get3A_805, %get3A_806, %get3A_807] {strides = array<i32>} : memref<32x56x32xf32, #tpu.memory_space<vmem>>, vector<1x1x16xf32>,
      %get3A_809 = vector.shape_cast %get3A_808 : vector<1x1x16xf32> to vector<16xf32>
      %sub3A_810 = arith.subf %get3A_809, %get3A_670 : vector<16xf32>
      %mul3A_811 = arith.mulf %sub3A_803, %sub3A_803 : vector<16xf32>
      %mul3A_812 = vector.broadcast %squeeze3A_796 : f32 to vector<16xf32>
      %mul3A_813 = arith.mulf %mul3A_812, %mul3A_811 : vector<16xf32>
      %add3A_814 = arith.addf %add3A_790, %mul3A_813 : vector<16xf32>
      %mul3A_815 = arith.mulf %sub3A_810, %sub3A_810 : vector<16xf32>
      %mul3A_816 = vector.broadcast %squeeze3A_796 : f32 to vector<16xf32>
      %mul3A_817 = arith.mulf %mul3A_816, %mul3A_815 : vector<16xf32>
      %add3A_818 = arith.addf %add3A_794, %mul3A_817 : vector<16xf32>
      %slice3A_819 = vector.extract_strided_slice %get3A_677 {offsets = [6], sizes = [1], strides = [1]} : vector<16xf32> to vector<1xf32>
      %squeeze3A_820 = vector.extract %slice3A_819[0] : f32 from vector<1xf32>
      %get3A_821 = arith.constant 6 : i32
      %get3A_822 = arith.index_cast %scan3A_657 : i32 to index
      %get3A_823 = arith.index_cast %get3A_821 : i32 to index
      %get3A_824 = arith.constant 0 : index
      %get3A_825 = tpu.vector_load %arg10[%get3A_822, %get3A_823, %get3A_824] {strides = array<i32>} : memref<32x56x32xf32, #tpu.memory_space<vmem>>, vector<1x1x16xf32>,
      %get3A_826 = vector.shape_cast %get3A_825 : vector<1x1x16xf32> to vector<16xf32>
      %sub3A_827 = arith.subf %get3A_826, %get3A_663 : vector<16xf32>
      %get3A_828 = arith.constant 6 : i32
      %get3A_829 = arith.index_cast %scan3A_657 : i32 to index
      %get3A_830 = arith.index_cast %get3A_828 : i32 to index
      %get3A_831 = arith.constant 16 : index
      %get3A_832 = tpu.vector_load %arg10[%get3A_829, %get3A_830, %get3A_831] {strides = array<i32>} : memref<32x56x32xf32, #tpu.memory_space<vmem>>, vector<1x1x16xf32>,
      %get3A_833 = vector.shape_cast %get3A_832 : vector<1x1x16xf32> to vector<16xf32>
      %sub3A_834 = arith.subf %get3A_833, %get3A_670 : vector<16xf32>
      %mul3A_835 = arith.mulf %sub3A_827, %sub3A_827 : vector<16xf32>
      %mul3A_836 = vector.broadcast %squeeze3A_820 : f32 to vector<16xf32>
      %mul3A_837 = arith.mulf %mul3A_836, %mul3A_835 : vector<16xf32>
      %add3A_838 = arith.addf %add3A_814, %mul3A_837 : vector<16xf32>
      %mul3A_839 = arith.mulf %sub3A_834, %sub3A_834 : vector<16xf32>
      %mul3A_840 = vector.broadcast %squeeze3A_820 : f32 to vector<16xf32>
      %mul3A_841 = arith.mulf %mul3A_840, %mul3A_839 : vector<16xf32>
      %add3A_842 = arith.addf %add3A_818, %mul3A_841 : vector<16xf32>
      %slice3A_843 = vector.extract_strided_slice %get3A_677 {offsets = [7], sizes = [1], strides = [1]} : vector<16xf32> to vector<1xf32>
      %squeeze3A_844 = vector.extract %slice3A_843[0] : f32 from vector<1xf32>
      %get3A_845 = arith.constant 7 : i32
      %get3A_846 = arith.index_cast %scan3A_657 : i32 to index
      %get3A_847 = arith.index_cast %get3A_845 : i32 to index
      %get3A_848 = arith.constant 0 : index
      %get3A_849 = tpu.vector_load %arg10[%get3A_846, %get3A_847, %get3A_848] {strides = array<i32>} : memref<32x56x32xf32, #tpu.memory_space<vmem>>, vector<1x1x16xf32>,
      %get3A_850 = vector.shape_cast %get3A_849 : vector<1x1x16xf32> to vector<16xf32>
      %sub3A_851 = arith.subf %get3A_850, %get3A_663 : vector<16xf32>
      %get3A_852 = arith.constant 7 : i32
      %get3A_853 = arith.index_cast %scan3A_657 : i32 to index
      %get3A_854 = arith.index_cast %get3A_852 : i32 to index
      %get3A_855 = arith.constant 16 : index
      %get3A_856 = tpu.vector_load %arg10[%get3A_853, %get3A_854, %get3A_855] {strides = array<i32>} : memref<32x56x32xf32, #tpu.memory_space<vmem>>, vector<1x1x16xf32>,
      %get3A_857 = vector.shape_cast %get3A_856 : vector<1x1x16xf32> to vector<16xf32>
      %sub3A_858 = arith.subf %get3A_857, %get3A_670 : vector<16xf32>
      %mul3A_859 = arith.mulf %sub3A_851, %sub3A_851 : vector<16xf32>
      %mul3A_860 = vector.broadcast %squeeze3A_844 : f32 to vector<16xf32>
      %mul3A_861 = arith.mulf %mul3A_860, %mul3A_859 : vector<16xf32>
      %add3A_862 = arith.addf %add3A_838, %mul3A_861 : vector<16xf32>
      %mul3A_863 = arith.mulf %sub3A_858, %sub3A_858 : vector<16xf32>
      %mul3A_864 = vector.broadcast %squeeze3A_844 : f32 to vector<16xf32>
      %mul3A_865 = arith.mulf %mul3A_864, %mul3A_863 : vector<16xf32>
      %add3A_866 = arith.addf %add3A_842, %mul3A_865 : vector<16xf32>
      %slice3A_867 = vector.extract_strided_slice %get3A_677 {offsets = [8], sizes = [1], strides = [1]} : vector<16xf32> to vector<1xf32>
      %squeeze3A_868 = vector.extract %slice3A_867[0] : f32 from vector<1xf32>
      %get3A_869 = arith.constant 8 : i32
      %get3A_870 = arith.index_cast %scan3A_657 : i32 to index
      %get3A_871 = arith.index_cast %get3A_869 : i32 to index
      %get3A_872 = arith.constant 0 : index
      %get3A_873 = tpu.vector_load %arg10[%get3A_870, %get3A_871, %get3A_872] {strides = array<i32>} : memref<32x56x32xf32, #tpu.memory_space<vmem>>, vector<1x1x16xf32>,
      %get3A_874 = vector.shape_cast %get3A_873 : vector<1x1x16xf32> to vector<16xf32>
      %sub3A_875 = arith.subf %get3A_874, %get3A_663 : vector<16xf32>
      %get3A_876 = arith.constant 8 : i32
      %get3A_877 = arith.index_cast %scan3A_657 : i32 to index
      %get3A_878 = arith.index_cast %get3A_876 : i32 to index
      %get3A_879 = arith.constant 16 : index
      %get3A_880 = tpu.vector_load %arg10[%get3A_877, %get3A_878, %get3A_879] {strides = array<i32>} : memref<32x56x32xf32, #tpu.memory_space<vmem>>, vector<1x1x16xf32>,
      %get3A_881 = vector.shape_cast %get3A_880 : vector<1x1x16xf32> to vector<16xf32>
      %sub3A_882 = arith.subf %get3A_881, %get3A_670 : vector<16xf32>
      %mul3A_883 = arith.mulf %sub3A_875, %sub3A_875 : vector<16xf32>
      %mul3A_884 = vector.broadcast %squeeze3A_868 : f32 to vector<16xf32>
      %mul3A_885 = arith.mulf %mul3A_884, %mul3A_883 : vector<16xf32>
      %add3A_886 = arith.addf %add3A_862, %mul3A_885 : vector<16xf32>
      %mul3A_887 = arith.mulf %sub3A_882, %sub3A_882 : vector<16xf32>
      %mul3A_888 = vector.broadcast %squeeze3A_868 : f32 to vector<16xf32>
      %mul3A_889 = arith.mulf %mul3A_888, %mul3A_887 : vector<16xf32>
      %add3A_890 = arith.addf %add3A_866, %mul3A_889 : vector<16xf32>
      %slice3A_891 = vector.extract_strided_slice %get3A_677 {offsets = [9], sizes = [1], strides = [1]} : vector<16xf32> to vector<1xf32>
      %squeeze3A_892 = vector.extract %slice3A_891[0] : f32 from vector<1xf32>
      %get3A_893 = arith.constant 9 : i32
      %get3A_894 = arith.index_cast %scan3A_657 : i32 to index
      %get3A_895 = arith.index_cast %get3A_893 : i32 to index
      %get3A_896 = arith.constant 0 : index
      %get3A_897 = tpu.vector_load %arg10[%get3A_894, %get3A_895, %get3A_896] {strides = array<i32>} : memref<32x56x32xf32, #tpu.memory_space<vmem>>, vector<1x1x16xf32>,
      %get3A_898 = vector.shape_cast %get3A_897 : vector<1x1x16xf32> to vector<16xf32>
      %sub3A_899 = arith.subf %get3A_898, %get3A_663 : vector<16xf32>
      %get3A_900 = arith.constant 9 : i32
      %get3A_901 = arith.index_cast %scan3A_657 : i32 to index
      %get3A_902 = arith.index_cast %get3A_900 : i32 to index
      %get3A_903 = arith.constant 16 : index
      %get3A_904 = tpu.vector_load %arg10[%get3A_901, %get3A_902, %get3A_903] {strides = array<i32>} : memref<32x56x32xf32, #tpu.memory_space<vmem>>, vector<1x1x16xf32>,
      %get3A_905 = vector.shape_cast %get3A_904 : vector<1x1x16xf32> to vector<16xf32>
      %sub3A_906 = arith.subf %get3A_905, %get3A_670 : vector<16xf32>
      %mul3A_907 = arith.mulf %sub3A_899, %sub3A_899 : vector<16xf32>
      %mul3A_908 = vector.broadcast %squeeze3A_892 : f32 to vector<16xf32>
      %mul3A_909 = arith.mulf %mul3A_908, %mul3A_907 : vector<16xf32>
      %add3A_910 = arith.addf %add3A_886, %mul3A_909 : vector<16xf32>
      %mul3A_911 = arith.mulf %sub3A_906, %sub3A_906 : vector<16xf32>
      %mul3A_912 = vector.broadcast %squeeze3A_892 : f32 to vector<16xf32>
      %mul3A_913 = arith.mulf %mul3A_912, %mul3A_911 : vector<16xf32>
      %add3A_914 = arith.addf %add3A_890, %mul3A_913 : vector<16xf32>
      %slice3A_915 = vector.extract_strided_slice %get3A_677 {offsets = [10], sizes = [1], strides = [1]} : vector<16xf32> to vector<1xf32>
      %squeeze3A_916 = vector.extract %slice3A_915[0] : f32 from vector<1xf32>
      %get3A_917 = arith.constant 10 : i32
      %get3A_918 = arith.index_cast %scan3A_657 : i32 to index
      %get3A_919 = arith.index_cast %get3A_917 : i32 to index
      %get3A_920 = arith.constant 0 : index
      %get3A_921 = tpu.vector_load %arg10[%get3A_918, %get3A_919, %get3A_920] {strides = array<i32>} : memref<32x56x32xf32, #tpu.memory_space<vmem>>, vector<1x1x16xf32>,
      %get3A_922 = vector.shape_cast %get3A_921 : vector<1x1x16xf32> to vector<16xf32>
      %sub3A_923 = arith.subf %get3A_922, %get3A_663 : vector<16xf32>
      %get3A_924 = arith.constant 10 : i32
      %get3A_925 = arith.index_cast %scan3A_657 : i32 to index
      %get3A_926 = arith.index_cast %get3A_924 : i32 to index
      %get3A_927 = arith.constant 16 : index
      %get3A_928 = tpu.vector_load %arg10[%get3A_925, %get3A_926, %get3A_927] {strides = array<i32>} : memref<32x56x32xf32, #tpu.memory_space<vmem>>, vector<1x1x16xf32>,
      %get3A_929 = vector.shape_cast %get3A_928 : vector<1x1x16xf32> to vector<16xf32>
      %sub3A_930 = arith.subf %get3A_929, %get3A_670 : vector<16xf32>
      %mul3A_931 = arith.mulf %sub3A_923, %sub3A_923 : vector<16xf32>
      %mul3A_932 = vector.broadcast %squeeze3A_916 : f32 to vector<16xf32>
      %mul3A_933 = arith.mulf %mul3A_932, %mul3A_931 : vector<16xf32>
      %add3A_934 = arith.addf %add3A_910, %mul3A_933 : vector<16xf32>
      %mul3A_935 = arith.mulf %sub3A_930, %sub3A_930 : vector<16xf32>
      %mul3A_936 = vector.broadcast %squeeze3A_916 : f32 to vector<16xf32>
      %mul3A_937 = arith.mulf %mul3A_936, %mul3A_935 : vector<16xf32>
      %add3A_938 = arith.addf %add3A_914, %mul3A_937 : vector<16xf32>
      %slice3A_939 = vector.extract_strided_slice %get3A_677 {offsets = [11], sizes = [1], strides = [1]} : vector<16xf32> to vector<1xf32>
      %squeeze3A_940 = vector.extract %slice3A_939[0] : f32 from vector<1xf32>
      %get3A_941 = arith.constant 11 : i32
      %get3A_942 = arith.index_cast %scan3A_657 : i32 to index
      %get3A_943 = arith.index_cast %get3A_941 : i32 to index
      %get3A_944 = arith.constant 0 : index
      %get3A_945 = tpu.vector_load %arg10[%get3A_942, %get3A_943, %get3A_944] {strides = array<i32>} : memref<32x56x32xf32, #tpu.memory_space<vmem>>, vector<1x1x16xf32>,
      %get3A_946 = vector.shape_cast %get3A_945 : vector<1x1x16xf32> to vector<16xf32>
      %sub3A_947 = arith.subf %get3A_946, %get3A_663 : vector<16xf32>
      %get3A_948 = arith.constant 11 : i32
      %get3A_949 = arith.index_cast %scan3A_657 : i32 to index
      %get3A_950 = arith.index_cast %get3A_948 : i32 to index
      %get3A_951 = arith.constant 16 : index
      %get3A_952 = tpu.vector_load %arg10[%get3A_949, %get3A_950, %get3A_951] {strides = array<i32>} : memref<32x56x32xf32, #tpu.memory_space<vmem>>, vector<1x1x16xf32>,
      %get3A_953 = vector.shape_cast %get3A_952 : vector<1x1x16xf32> to vector<16xf32>
      %sub3A_954 = arith.subf %get3A_953, %get3A_670 : vector<16xf32>
      %mul3A_955 = arith.mulf %sub3A_947, %sub3A_947 : vector<16xf32>
      %mul3A_956 = vector.broadcast %squeeze3A_940 : f32 to vector<16xf32>
      %mul3A_957 = arith.mulf %mul3A_956, %mul3A_955 : vector<16xf32>
      %add3A_958 = arith.addf %add3A_934, %mul3A_957 : vector<16xf32>
      %mul3A_959 = arith.mulf %sub3A_954, %sub3A_954 : vector<16xf32>
      %mul3A_960 = vector.broadcast %squeeze3A_940 : f32 to vector<16xf32>
      %mul3A_961 = arith.mulf %mul3A_960, %mul3A_959 : vector<16xf32>
      %add3A_962 = arith.addf %add3A_938, %mul3A_961 : vector<16xf32>
      %slice3A_963 = vector.extract_strided_slice %get3A_677 {offsets = [12], sizes = [1], strides = [1]} : vector<16xf32> to vector<1xf32>
      %squeeze3A_964 = vector.extract %slice3A_963[0] : f32 from vector<1xf32>
      %get3A_965 = arith.constant 12 : i32
      %get3A_966 = arith.index_cast %scan3A_657 : i32 to index
      %get3A_967 = arith.index_cast %get3A_965 : i32 to index
      %get3A_968 = arith.constant 0 : index
      %get3A_969 = tpu.vector_load %arg10[%get3A_966, %get3A_967, %get3A_968] {strides = array<i32>} : memref<32x56x32xf32, #tpu.memory_space<vmem>>, vector<1x1x16xf32>,
      %get3A_970 = vector.shape_cast %get3A_969 : vector<1x1x16xf32> to vector<16xf32>
      %sub3A_971 = arith.subf %get3A_970, %get3A_663 : vector<16xf32>
      %get3A_972 = arith.constant 12 : i32
      %get3A_973 = arith.index_cast %scan3A_657 : i32 to index
      %get3A_974 = arith.index_cast %get3A_972 : i32 to index
      %get3A_975 = arith.constant 16 : index
      %get3A_976 = tpu.vector_load %arg10[%get3A_973, %get3A_974, %get3A_975] {strides = array<i32>} : memref<32x56x32xf32, #tpu.memory_space<vmem>>, vector<1x1x16xf32>,
      %get3A_977 = vector.shape_cast %get3A_976 : vector<1x1x16xf32> to vector<16xf32>
      %sub3A_978 = arith.subf %get3A_977, %get3A_670 : vector<16xf32>
      %mul3A_979 = arith.mulf %sub3A_971, %sub3A_971 : vector<16xf32>
      %mul3A_980 = vector.broadcast %squeeze3A_964 : f32 to vector<16xf32>
      %mul3A_981 = arith.mulf %mul3A_980, %mul3A_979 : vector<16xf32>
      %add3A_982 = arith.addf %add3A_958, %mul3A_981 : vector<16xf32>
      %mul3A_983 = arith.mulf %sub3A_978, %sub3A_978 : vector<16xf32>
      %mul3A_984 = vector.broadcast %squeeze3A_964 : f32 to vector<16xf32>
      %mul3A_985 = arith.mulf %mul3A_984, %mul3A_983 : vector<16xf32>
      %add3A_986 = arith.addf %add3A_962, %mul3A_985 : vector<16xf32>
      %slice3A_987 = vector.extract_strided_slice %get3A_677 {offsets = [13], sizes = [1], strides = [1]} : vector<16xf32> to vector<1xf32>
      %squeeze3A_988 = vector.extract %slice3A_987[0] : f32 from vector<1xf32>
      %get3A_989 = arith.constant 13 : i32
      %get3A_990 = arith.index_cast %scan3A_657 : i32 to index
      %get3A_991 = arith.index_cast %get3A_989 : i32 to index
      %get3A_992 = arith.constant 0 : index
      %get3A_993 = tpu.vector_load %arg10[%get3A_990, %get3A_991, %get3A_992] {strides = array<i32>} : memref<32x56x32xf32, #tpu.memory_space<vmem>>, vector<1x1x16xf32>,
      %get3A_994 = vector.shape_cast %get3A_993 : vector<1x1x16xf32> to vector<16xf32>
      %sub3A_995 = arith.subf %get3A_994, %get3A_663 : vector<16xf32>
      %get3A_996 = arith.constant 13 : i32
      %get3A_997 = arith.index_cast %scan3A_657 : i32 to index
      %get3A_998 = arith.index_cast %get3A_996 : i32 to index
      %get3A_999 = arith.constant 16 : index
      %get3A_1000 = tpu.vector_load %arg10[%get3A_997, %get3A_998, %get3A_999] {strides = array<i32>} : memref<32x56x32xf32, #tpu.memory_space<vmem>>, vector<1x1x16xf32>,
      %get3A_1001 = vector.shape_cast %get3A_1000 : vector<1x1x16xf32> to vector<16xf32>
      %sub3A_1002 = arith.subf %get3A_1001, %get3A_670 : vector<16xf32>
      %mul3A_1003 = arith.mulf %sub3A_995, %sub3A_995 : vector<16xf32>
      %mul3A_1004 = vector.broadcast %squeeze3A_988 : f32 to vector<16xf32>
      %mul3A_1005 = arith.mulf %mul3A_1004, %mul3A_1003 : vector<16xf32>
      %add3A_1006 = arith.addf %add3A_982, %mul3A_1005 : vector<16xf32>
      %mul3A_1007 = arith.mulf %sub3A_1002, %sub3A_1002 : vector<16xf32>
      %mul3A_1008 = vector.broadcast %squeeze3A_988 : f32 to vector<16xf32>
      %mul3A_1009 = arith.mulf %mul3A_1008, %mul3A_1007 : vector<16xf32>
      %add3A_1010 = arith.addf %add3A_986, %mul3A_1009 : vector<16xf32>
      %slice3A_1011 = vector.extract_strided_slice %get3A_677 {offsets = [14], sizes = [1], strides = [1]} : vector<16xf32> to vector<1xf32>
      %squeeze3A_1012 = vector.extract %slice3A_1011[0] : f32 from vector<1xf32>
      %get3A_1013 = arith.constant 14 : i32
      %get3A_1014 = arith.index_cast %scan3A_657 : i32 to index
      %get3A_1015 = arith.index_cast %get3A_1013 : i32 to index
      %get3A_1016 = arith.constant 0 : index
      %get3A_1017 = tpu.vector_load %arg10[%get3A_1014, %get3A_1015, %get3A_1016] {strides = array<i32>} : memref<32x56x32xf32, #tpu.memory_space<vmem>>, vector<1x1x16xf32>,
      %get3A_1018 = vector.shape_cast %get3A_1017 : vector<1x1x16xf32> to vector<16xf32>
      %sub3A_1019 = arith.subf %get3A_1018, %get3A_663 : vector<16xf32>
      %get3A_1020 = arith.constant 14 : i32
      %get3A_1021 = arith.index_cast %scan3A_657 : i32 to index
      %get3A_1022 = arith.index_cast %get3A_1020 : i32 to index
      %get3A_1023 = arith.constant 16 : index
      %get3A_1024 = tpu.vector_load %arg10[%get3A_1021, %get3A_1022, %get3A_1023] {strides = array<i32>} : memref<32x56x32xf32, #tpu.memory_space<vmem>>, vector<1x1x16xf32>,
      %get3A_1025 = vector.shape_cast %get3A_1024 : vector<1x1x16xf32> to vector<16xf32>
      %sub3A_1026 = arith.subf %get3A_1025, %get3A_670 : vector<16xf32>
      %mul3A_1027 = arith.mulf %sub3A_1019, %sub3A_1019 : vector<16xf32>
      %mul3A_1028 = vector.broadcast %squeeze3A_1012 : f32 to vector<16xf32>
      %mul3A_1029 = arith.mulf %mul3A_1028, %mul3A_1027 : vector<16xf32>
      %add3A_1030 = arith.addf %add3A_1006, %mul3A_1029 : vector<16xf32>
      %mul3A_1031 = arith.mulf %sub3A_1026, %sub3A_1026 : vector<16xf32>
      %mul3A_1032 = vector.broadcast %squeeze3A_1012 : f32 to vector<16xf32>
      %mul3A_1033 = arith.mulf %mul3A_1032, %mul3A_1031 : vector<16xf32>
      %add3A_1034 = arith.addf %add3A_1010, %mul3A_1033 : vector<16xf32>
      %slice3A_1035 = vector.extract_strided_slice %get3A_677 {offsets = [15], sizes = [1], strides = [1]} : vector<16xf32> to vector<1xf32>
      %squeeze3A_1036 = vector.extract %slice3A_1035[0] : f32 from vector<1xf32>
      %get3A_1037 = arith.constant 15 : i32
      %get3A_1038 = arith.index_cast %scan3A_657 : i32 to index
      %get3A_1039 = arith.index_cast %get3A_1037 : i32 to index
      %get3A_1040 = arith.constant 0 : index
      %get3A_1041 = tpu.vector_load %arg10[%get3A_1038, %get3A_1039, %get3A_1040] {strides = array<i32>} : memref<32x56x32xf32, #tpu.memory_space<vmem>>, vector<1x1x16xf32>,
      %get3A_1042 = vector.shape_cast %get3A_1041 : vector<1x1x16xf32> to vector<16xf32>
      %sub3A_1043 = arith.subf %get3A_1042, %get3A_663 : vector<16xf32>
      %get3A_1044 = arith.constant 15 : i32
      %get3A_1045 = arith.index_cast %scan3A_657 : i32 to index
      %get3A_1046 = arith.index_cast %get3A_1044 : i32 to index
      %get3A_1047 = arith.constant 16 : index
      %get3A_1048 = tpu.vector_load %arg10[%get3A_1045, %get3A_1046, %get3A_1047] {strides = array<i32>} : memref<32x56x32xf32, #tpu.memory_space<vmem>>, vector<1x1x16xf32>,
      %get3A_1049 = vector.shape_cast %get3A_1048 : vector<1x1x16xf32> to vector<16xf32>
      %sub3A_1050 = arith.subf %get3A_1049, %get3A_670 : vector<16xf32>
      %mul3A_1051 = arith.mulf %sub3A_1043, %sub3A_1043 : vector<16xf32>
      %mul3A_1052 = vector.broadcast %squeeze3A_1036 : f32 to vector<16xf32>
      %mul3A_1053 = arith.mulf %mul3A_1052, %mul3A_1051 : vector<16xf32>
      %add3A_1054 = arith.addf %add3A_1030, %mul3A_1053 : vector<16xf32>
      %mul3A_1055 = arith.mulf %sub3A_1050, %sub3A_1050 : vector<16xf32>
      %mul3A_1056 = vector.broadcast %squeeze3A_1036 : f32 to vector<16xf32>
      %mul3A_1057 = arith.mulf %mul3A_1056, %mul3A_1055 : vector<16xf32>
      %add3A_1058 = arith.addf %add3A_1034, %mul3A_1057 : vector<16xf32>
      %mul3A_1059 = arith.constant 64 : i32
      %mul3A_1060 = arith.muli %scan3A_657, %mul3A_1059 : i32
      %add3A_1061 = arith.constant 16 : i32
      %add3A_1062 = arith.addi %mul3A_1060, %add3A_1061 : i32
      %get3A_1063 = arith.index_cast %add3A_1062 : i32 to index
      %get3A_1064 = tpu.vector_load %arg8[%get3A_1063] {strides = array<i32>} : memref<2048xf32, #tpu.memory_space<vmem>>, vector<16xf32>,
      %get3A_1065 = vector.shape_cast %get3A_1064 : vector<16xf32> to vector<16xf32>
      %slice3A_1066 = vector.extract_strided_slice %get3A_1065 {offsets = [0], sizes = [1], strides = [1]} : vector<16xf32> to vector<1xf32>
      %squeeze3A_1067 = vector.extract %slice3A_1066[0] : f32 from vector<1xf32>
      %get3A_1068 = arith.constant 16 : i32
      %get3A_1069 = arith.index_cast %scan3A_657 : i32 to index
      %get3A_1070 = arith.index_cast %get3A_1068 : i32 to index
      %get3A_1071 = arith.constant 0 : index
      %get3A_1072 = tpu.vector_load %arg10[%get3A_1069, %get3A_1070, %get3A_1071] {strides = array<i32>} : memref<32x56x32xf32, #tpu.memory_space<vmem>>, vector<1x1x16xf32>,
      %get3A_1073 = vector.shape_cast %get3A_1072 : vector<1x1x16xf32> to vector<16xf32>
      %sub3A_1074 = arith.subf %get3A_1073, %get3A_663 : vector<16xf32>
      %get3A_1075 = arith.constant 16 : i32
      %get3A_1076 = arith.index_cast %scan3A_657 : i32 to index
      %get3A_1077 = arith.index_cast %get3A_1075 : i32 to index
      %get3A_1078 = arith.constant 16 : index
      %get3A_1079 = tpu.vector_load %arg10[%get3A_1076, %get3A_1077, %get3A_1078] {strides = array<i32>} : memref<32x56x32xf32, #tpu.memory_space<vmem>>, vector<1x1x16xf32>,
      %get3A_1080 = vector.shape_cast %get3A_1079 : vector<1x1x16xf32> to vector<16xf32>
      %sub3A_1081 = arith.subf %get3A_1080, %get3A_670 : vector<16xf32>
      %mul3A_1082 = arith.mulf %sub3A_1074, %sub3A_1074 : vector<16xf32>
      %mul3A_1083 = vector.broadcast %squeeze3A_1067 : f32 to vector<16xf32>
      %mul3A_1084 = arith.mulf %mul3A_1083, %mul3A_1082 : vector<16xf32>
      %add3A_1085 = arith.addf %add3A_1054, %mul3A_1084 : vector<16xf32>
      %mul3A_1086 = arith.mulf %sub3A_1081, %sub3A_1081 : vector<16xf32>
      %mul3A_1087 = vector.broadcast %squeeze3A_1067 : f32 to vector<16xf32>
      %mul3A_1088 = arith.mulf %mul3A_1087, %mul3A_1086 : vector<16xf32>
      %add3A_1089 = arith.addf %add3A_1058, %mul3A_1088 : vector<16xf32>
      %slice3A_1090 = vector.extract_strided_slice %get3A_1065 {offsets = [1], sizes = [1], strides = [1]} : vector<16xf32> to vector<1xf32>
      %squeeze3A_1091 = vector.extract %slice3A_1090[0] : f32 from vector<1xf32>
      %get3A_1092 = arith.constant 17 : i32
      %get3A_1093 = arith.index_cast %scan3A_657 : i32 to index
      %get3A_1094 = arith.index_cast %get3A_1092 : i32 to index
      %get3A_1095 = arith.constant 0 : index
      %get3A_1096 = tpu.vector_load %arg10[%get3A_1093, %get3A_1094, %get3A_1095] {strides = array<i32>} : memref<32x56x32xf32, #tpu.memory_space<vmem>>, vector<1x1x16xf32>,
      %get3A_1097 = vector.shape_cast %get3A_1096 : vector<1x1x16xf32> to vector<16xf32>
      %sub3A_1098 = arith.subf %get3A_1097, %get3A_663 : vector<16xf32>
      %get3A_1099 = arith.constant 17 : i32
      %get3A_1100 = arith.index_cast %scan3A_657 : i32 to index
      %get3A_1101 = arith.index_cast %get3A_1099 : i32 to index
      %get3A_1102 = arith.constant 16 : index
      %get3A_1103 = tpu.vector_load %arg10[%get3A_1100, %get3A_1101, %get3A_1102] {strides = array<i32>} : memref<32x56x32xf32, #tpu.memory_space<vmem>>, vector<1x1x16xf32>,
      %get3A_1104 = vector.shape_cast %get3A_1103 : vector<1x1x16xf32> to vector<16xf32>
      %sub3A_1105 = arith.subf %get3A_1104, %get3A_670 : vector<16xf32>
      %mul3A_1106 = arith.mulf %sub3A_1098, %sub3A_1098 : vector<16xf32>
      %mul3A_1107 = vector.broadcast %squeeze3A_1091 : f32 to vector<16xf32>
      %mul3A_1108 = arith.mulf %mul3A_1107, %mul3A_1106 : vector<16xf32>
      %add3A_1109 = arith.addf %add3A_1085, %mul3A_1108 : vector<16xf32>
      %mul3A_1110 = arith.mulf %sub3A_1105, %sub3A_1105 : vector<16xf32>
      %mul3A_1111 = vector.broadcast %squeeze3A_1091 : f32 to vector<16xf32>
      %mul3A_1112 = arith.mulf %mul3A_1111, %mul3A_1110 : vector<16xf32>
      %add3A_1113 = arith.addf %add3A_1089, %mul3A_1112 : vector<16xf32>
      %slice3A_1114 = vector.extract_strided_slice %get3A_1065 {offsets = [2], sizes = [1], strides = [1]} : vector<16xf32> to vector<1xf32>
      %squeeze3A_1115 = vector.extract %slice3A_1114[0] : f32 from vector<1xf32>
      %get3A_1116 = arith.constant 18 : i32
      %get3A_1117 = arith.index_cast %scan3A_657 : i32 to index
      %get3A_1118 = arith.index_cast %get3A_1116 : i32 to index
      %get3A_1119 = arith.constant 0 : index
      %get3A_1120 = tpu.vector_load %arg10[%get3A_1117, %get3A_1118, %get3A_1119] {strides = array<i32>} : memref<32x56x32xf32, #tpu.memory_space<vmem>>, vector<1x1x16xf32>,
      %get3A_1121 = vector.shape_cast %get3A_1120 : vector<1x1x16xf32> to vector<16xf32>
      %sub3A_1122 = arith.subf %get3A_1121, %get3A_663 : vector<16xf32>
      %get3A_1123 = arith.constant 18 : i32
      %get3A_1124 = arith.index_cast %scan3A_657 : i32 to index
      %get3A_1125 = arith.index_cast %get3A_1123 : i32 to index
      %get3A_1126 = arith.constant 16 : index
      %get3A_1127 = tpu.vector_load %arg10[%get3A_1124, %get3A_1125, %get3A_1126] {strides = array<i32>} : memref<32x56x32xf32, #tpu.memory_space<vmem>>, vector<1x1x16xf32>,
      %get3A_1128 = vector.shape_cast %get3A_1127 : vector<1x1x16xf32> to vector<16xf32>
      %sub3A_1129 = arith.subf %get3A_1128, %get3A_670 : vector<16xf32>
      %mul3A_1130 = arith.mulf %sub3A_1122, %sub3A_1122 : vector<16xf32>
      %mul3A_1131 = vector.broadcast %squeeze3A_1115 : f32 to vector<16xf32>
      %mul3A_1132 = arith.mulf %mul3A_1131, %mul3A_1130 : vector<16xf32>
      %add3A_1133 = arith.addf %add3A_1109, %mul3A_1132 : vector<16xf32>
      %mul3A_1134 = arith.mulf %sub3A_1129, %sub3A_1129 : vector<16xf32>
      %mul3A_1135 = vector.broadcast %squeeze3A_1115 : f32 to vector<16xf32>
      %mul3A_1136 = arith.mulf %mul3A_1135, %mul3A_1134 : vector<16xf32>
      %add3A_1137 = arith.addf %add3A_1113, %mul3A_1136 : vector<16xf32>
      %slice3A_1138 = vector.extract_strided_slice %get3A_1065 {offsets = [3], sizes = [1], strides = [1]} : vector<16xf32> to vector<1xf32>
      %squeeze3A_1139 = vector.extract %slice3A_1138[0] : f32 from vector<1xf32>
      %get3A_1140 = arith.constant 19 : i32
      %get3A_1141 = arith.index_cast %scan3A_657 : i32 to index
      %get3A_1142 = arith.index_cast %get3A_1140 : i32 to index
      %get3A_1143 = arith.constant 0 : index
      %get3A_1144 = tpu.vector_load %arg10[%get3A_1141, %get3A_1142, %get3A_1143] {strides = array<i32>} : memref<32x56x32xf32, #tpu.memory_space<vmem>>, vector<1x1x16xf32>,
      %get3A_1145 = vector.shape_cast %get3A_1144 : vector<1x1x16xf32> to vector<16xf32>
      %sub3A_1146 = arith.subf %get3A_1145, %get3A_663 : vector<16xf32>
      %get3A_1147 = arith.constant 19 : i32
      %get3A_1148 = arith.index_cast %scan3A_657 : i32 to index
      %get3A_1149 = arith.index_cast %get3A_1147 : i32 to index
      %get3A_1150 = arith.constant 16 : index
      %get3A_1151 = tpu.vector_load %arg10[%get3A_1148, %get3A_1149, %get3A_1150] {strides = array<i32>} : memref<32x56x32xf32, #tpu.memory_space<vmem>>, vector<1x1x16xf32>,
      %get3A_1152 = vector.shape_cast %get3A_1151 : vector<1x1x16xf32> to vector<16xf32>
      %sub3A_1153 = arith.subf %get3A_1152, %get3A_670 : vector<16xf32>
      %mul3A_1154 = arith.mulf %sub3A_1146, %sub3A_1146 : vector<16xf32>
      %mul3A_1155 = vector.broadcast %squeeze3A_1139 : f32 to vector<16xf32>
      %mul3A_1156 = arith.mulf %mul3A_1155, %mul3A_1154 : vector<16xf32>
      %add3A_1157 = arith.addf %add3A_1133, %mul3A_1156 : vector<16xf32>
      %mul3A_1158 = arith.mulf %sub3A_1153, %sub3A_1153 : vector<16xf32>
      %mul3A_1159 = vector.broadcast %squeeze3A_1139 : f32 to vector<16xf32>
      %mul3A_1160 = arith.mulf %mul3A_1159, %mul3A_1158 : vector<16xf32>
      %add3A_1161 = arith.addf %add3A_1137, %mul3A_1160 : vector<16xf32>
      %slice3A_1162 = vector.extract_strided_slice %get3A_1065 {offsets = [4], sizes = [1], strides = [1]} : vector<16xf32> to vector<1xf32>
      %squeeze3A_1163 = vector.extract %slice3A_1162[0] : f32 from vector<1xf32>
      %get3A_1164 = arith.constant 20 : i32
      %get3A_1165 = arith.index_cast %scan3A_657 : i32 to index
      %get3A_1166 = arith.index_cast %get3A_1164 : i32 to index
      %get3A_1167 = arith.constant 0 : index
      %get3A_1168 = tpu.vector_load %arg10[%get3A_1165, %get3A_1166, %get3A_1167] {strides = array<i32>} : memref<32x56x32xf32, #tpu.memory_space<vmem>>, vector<1x1x16xf32>,
      %get3A_1169 = vector.shape_cast %get3A_1168 : vector<1x1x16xf32> to vector<16xf32>
      %sub3A_1170 = arith.subf %get3A_1169, %get3A_663 : vector<16xf32>
      %get3A_1171 = arith.constant 20 : i32
      %get3A_1172 = arith.index_cast %scan3A_657 : i32 to index
      %get3A_1173 = arith.index_cast %get3A_1171 : i32 to index
      %get3A_1174 = arith.constant 16 : index
      %get3A_1175 = tpu.vector_load %arg10[%get3A_1172, %get3A_1173, %get3A_1174] {strides = array<i32>} : memref<32x56x32xf32, #tpu.memory_space<vmem>>, vector<1x1x16xf32>,
      %get3A_1176 = vector.shape_cast %get3A_1175 : vector<1x1x16xf32> to vector<16xf32>
      %sub3A_1177 = arith.subf %get3A_1176, %get3A_670 : vector<16xf32>
      %mul3A_1178 = arith.mulf %sub3A_1170, %sub3A_1170 : vector<16xf32>
      %mul3A_1179 = vector.broadcast %squeeze3A_1163 : f32 to vector<16xf32>
      %mul3A_1180 = arith.mulf %mul3A_1179, %mul3A_1178 : vector<16xf32>
      %add3A_1181 = arith.addf %add3A_1157, %mul3A_1180 : vector<16xf32>
      %mul3A_1182 = arith.mulf %sub3A_1177, %sub3A_1177 : vector<16xf32>
      %mul3A_1183 = vector.broadcast %squeeze3A_1163 : f32 to vector<16xf32>
      %mul3A_1184 = arith.mulf %mul3A_1183, %mul3A_1182 : vector<16xf32>
      %add3A_1185 = arith.addf %add3A_1161, %mul3A_1184 : vector<16xf32>
      %slice3A_1186 = vector.extract_strided_slice %get3A_1065 {offsets = [5], sizes = [1], strides = [1]} : vector<16xf32> to vector<1xf32>
      %squeeze3A_1187 = vector.extract %slice3A_1186[0] : f32 from vector<1xf32>
      %get3A_1188 = arith.constant 21 : i32
      %get3A_1189 = arith.index_cast %scan3A_657 : i32 to index
      %get3A_1190 = arith.index_cast %get3A_1188 : i32 to index
      %get3A_1191 = arith.constant 0 : index
      %get3A_1192 = tpu.vector_load %arg10[%get3A_1189, %get3A_1190, %get3A_1191] {strides = array<i32>} : memref<32x56x32xf32, #tpu.memory_space<vmem>>, vector<1x1x16xf32>,
      %get3A_1193 = vector.shape_cast %get3A_1192 : vector<1x1x16xf32> to vector<16xf32>
      %sub3A_1194 = arith.subf %get3A_1193, %get3A_663 : vector<16xf32>
      %get3A_1195 = arith.constant 21 : i32
      %get3A_1196 = arith.index_cast %scan3A_657 : i32 to index
      %get3A_1197 = arith.index_cast %get3A_1195 : i32 to index
      %get3A_1198 = arith.constant 16 : index
      %get3A_1199 = tpu.vector_load %arg10[%get3A_1196, %get3A_1197, %get3A_1198] {strides = array<i32>} : memref<32x56x32xf32, #tpu.memory_space<vmem>>, vector<1x1x16xf32>,
      %get3A_1200 = vector.shape_cast %get3A_1199 : vector<1x1x16xf32> to vector<16xf32>
      %sub3A_1201 = arith.subf %get3A_1200, %get3A_670 : vector<16xf32>
      %mul3A_1202 = arith.mulf %sub3A_1194, %sub3A_1194 : vector<16xf32>
      %mul3A_1203 = vector.broadcast %squeeze3A_1187 : f32 to vector<16xf32>
      %mul3A_1204 = arith.mulf %mul3A_1203, %mul3A_1202 : vector<16xf32>
      %add3A_1205 = arith.addf %add3A_1181, %mul3A_1204 : vector<16xf32>
      %mul3A_1206 = arith.mulf %sub3A_1201, %sub3A_1201 : vector<16xf32>
      %mul3A_1207 = vector.broadcast %squeeze3A_1187 : f32 to vector<16xf32>
      %mul3A_1208 = arith.mulf %mul3A_1207, %mul3A_1206 : vector<16xf32>
      %add3A_1209 = arith.addf %add3A_1185, %mul3A_1208 : vector<16xf32>
      %slice3A_1210 = vector.extract_strided_slice %get3A_1065 {offsets = [6], sizes = [1], strides = [1]} : vector<16xf32> to vector<1xf32>
      %squeeze3A_1211 = vector.extract %slice3A_1210[0] : f32 from vector<1xf32>
      %get3A_1212 = arith.constant 22 : i32
      %get3A_1213 = arith.index_cast %scan3A_657 : i32 to index
      %get3A_1214 = arith.index_cast %get3A_1212 : i32 to index
      %get3A_1215 = arith.constant 0 : index
      %get3A_1216 = tpu.vector_load %arg10[%get3A_1213, %get3A_1214, %get3A_1215] {strides = array<i32>} : memref<32x56x32xf32, #tpu.memory_space<vmem>>, vector<1x1x16xf32>,
      %get3A_1217 = vector.shape_cast %get3A_1216 : vector<1x1x16xf32> to vector<16xf32>
      %sub3A_1218 = arith.subf %get3A_1217, %get3A_663 : vector<16xf32>
      %get3A_1219 = arith.constant 22 : i32
      %get3A_1220 = arith.index_cast %scan3A_657 : i32 to index
      %get3A_1221 = arith.index_cast %get3A_1219 : i32 to index
      %get3A_1222 = arith.constant 16 : index
      %get3A_1223 = tpu.vector_load %arg10[%get3A_1220, %get3A_1221, %get3A_1222] {strides = array<i32>} : memref<32x56x32xf32, #tpu.memory_space<vmem>>, vector<1x1x16xf32>,
      %get3A_1224 = vector.shape_cast %get3A_1223 : vector<1x1x16xf32> to vector<16xf32>
      %sub3A_1225 = arith.subf %get3A_1224, %get3A_670 : vector<16xf32>
      %mul3A_1226 = arith.mulf %sub3A_1218, %sub3A_1218 : vector<16xf32>
      %mul3A_1227 = vector.broadcast %squeeze3A_1211 : f32 to vector<16xf32>
      %mul3A_1228 = arith.mulf %mul3A_1227, %mul3A_1226 : vector<16xf32>
      %add3A_1229 = arith.addf %add3A_1205, %mul3A_1228 : vector<16xf32>
      %mul3A_1230 = arith.mulf %sub3A_1225, %sub3A_1225 : vector<16xf32>
      %mul3A_1231 = vector.broadcast %squeeze3A_1211 : f32 to vector<16xf32>
      %mul3A_1232 = arith.mulf %mul3A_1231, %mul3A_1230 : vector<16xf32>
      %add3A_1233 = arith.addf %add3A_1209, %mul3A_1232 : vector<16xf32>
      %slice3A_1234 = vector.extract_strided_slice %get3A_1065 {offsets = [7], sizes = [1], strides = [1]} : vector<16xf32> to vector<1xf32>
      %squeeze3A_1235 = vector.extract %slice3A_1234[0] : f32 from vector<1xf32>
      %get3A_1236 = arith.constant 23 : i32
      %get3A_1237 = arith.index_cast %scan3A_657 : i32 to index
      %get3A_1238 = arith.index_cast %get3A_1236 : i32 to index
      %get3A_1239 = arith.constant 0 : index
      %get3A_1240 = tpu.vector_load %arg10[%get3A_1237, %get3A_1238, %get3A_1239] {strides = array<i32>} : memref<32x56x32xf32, #tpu.memory_space<vmem>>, vector<1x1x16xf32>,
      %get3A_1241 = vector.shape_cast %get3A_1240 : vector<1x1x16xf32> to vector<16xf32>
      %sub3A_1242 = arith.subf %get3A_1241, %get3A_663 : vector<16xf32>
      %get3A_1243 = arith.constant 23 : i32
      %get3A_1244 = arith.index_cast %scan3A_657 : i32 to index
      %get3A_1245 = arith.index_cast %get3A_1243 : i32 to index
      %get3A_1246 = arith.constant 16 : index
      %get3A_1247 = tpu.vector_load %arg10[%get3A_1244, %get3A_1245, %get3A_1246] {strides = array<i32>} : memref<32x56x32xf32, #tpu.memory_space<vmem>>, vector<1x1x16xf32>,
      %get3A_1248 = vector.shape_cast %get3A_1247 : vector<1x1x16xf32> to vector<16xf32>
      %sub3A_1249 = arith.subf %get3A_1248, %get3A_670 : vector<16xf32>
      %mul3A_1250 = arith.mulf %sub3A_1242, %sub3A_1242 : vector<16xf32>
      %mul3A_1251 = vector.broadcast %squeeze3A_1235 : f32 to vector<16xf32>
      %mul3A_1252 = arith.mulf %mul3A_1251, %mul3A_1250 : vector<16xf32>
      %add3A_1253 = arith.addf %add3A_1229, %mul3A_1252 : vector<16xf32>
      %mul3A_1254 = arith.mulf %sub3A_1249, %sub3A_1249 : vector<16xf32>
      %mul3A_1255 = vector.broadcast %squeeze3A_1235 : f32 to vector<16xf32>
      %mul3A_1256 = arith.mulf %mul3A_1255, %mul3A_1254 : vector<16xf32>
      %add3A_1257 = arith.addf %add3A_1233, %mul3A_1256 : vector<16xf32>
      %slice3A_1258 = vector.extract_strided_slice %get3A_1065 {offsets = [8], sizes = [1], strides = [1]} : vector<16xf32> to vector<1xf32>
      %squeeze3A_1259 = vector.extract %slice3A_1258[0] : f32 from vector<1xf32>
      %get3A_1260 = arith.constant 24 : i32
      %get3A_1261 = arith.index_cast %scan3A_657 : i32 to index
      %get3A_1262 = arith.index_cast %get3A_1260 : i32 to index
      %get3A_1263 = arith.constant 0 : index
      %get3A_1264 = tpu.vector_load %arg10[%get3A_1261, %get3A_1262, %get3A_1263] {strides = array<i32>} : memref<32x56x32xf32, #tpu.memory_space<vmem>>, vector<1x1x16xf32>,
      %get3A_1265 = vector.shape_cast %get3A_1264 : vector<1x1x16xf32> to vector<16xf32>
      %sub3A_1266 = arith.subf %get3A_1265, %get3A_663 : vector<16xf32>
      %get3A_1267 = arith.constant 24 : i32
      %get3A_1268 = arith.index_cast %scan3A_657 : i32 to index
      %get3A_1269 = arith.index_cast %get3A_1267 : i32 to index
      %get3A_1270 = arith.constant 16 : index
      %get3A_1271 = tpu.vector_load %arg10[%get3A_1268, %get3A_1269, %get3A_1270] {strides = array<i32>} : memref<32x56x32xf32, #tpu.memory_space<vmem>>, vector<1x1x16xf32>,
      %get3A_1272 = vector.shape_cast %get3A_1271 : vector<1x1x16xf32> to vector<16xf32>
      %sub3A_1273 = arith.subf %get3A_1272, %get3A_670 : vector<16xf32>
      %mul3A_1274 = arith.mulf %sub3A_1266, %sub3A_1266 : vector<16xf32>
      %mul3A_1275 = vector.broadcast %squeeze3A_1259 : f32 to vector<16xf32>
      %mul3A_1276 = arith.mulf %mul3A_1275, %mul3A_1274 : vector<16xf32>
      %add3A_1277 = arith.addf %add3A_1253, %mul3A_1276 : vector<16xf32>
      %mul3A_1278 = arith.mulf %sub3A_1273, %sub3A_1273 : vector<16xf32>
      %mul3A_1279 = vector.broadcast %squeeze3A_1259 : f32 to vector<16xf32>
      %mul3A_1280 = arith.mulf %mul3A_1279, %mul3A_1278 : vector<16xf32>
      %add3A_1281 = arith.addf %add3A_1257, %mul3A_1280 : vector<16xf32>
      %slice3A_1282 = vector.extract_strided_slice %get3A_1065 {offsets = [9], sizes = [1], strides = [1]} : vector<16xf32> to vector<1xf32>
      %squeeze3A_1283 = vector.extract %slice3A_1282[0] : f32 from vector<1xf32>
      %get3A_1284 = arith.constant 25 : i32
      %get3A_1285 = arith.index_cast %scan3A_657 : i32 to index
      %get3A_1286 = arith.index_cast %get3A_1284 : i32 to index
      %get3A_1287 = arith.constant 0 : index
      %get3A_1288 = tpu.vector_load %arg10[%get3A_1285, %get3A_1286, %get3A_1287] {strides = array<i32>} : memref<32x56x32xf32, #tpu.memory_space<vmem>>, vector<1x1x16xf32>,
      %get3A_1289 = vector.shape_cast %get3A_1288 : vector<1x1x16xf32> to vector<16xf32>
      %sub3A_1290 = arith.subf %get3A_1289, %get3A_663 : vector<16xf32>
      %get3A_1291 = arith.constant 25 : i32
      %get3A_1292 = arith.index_cast %scan3A_657 : i32 to index
      %get3A_1293 = arith.index_cast %get3A_1291 : i32 to index
      %get3A_1294 = arith.constant 16 : index
      %get3A_1295 = tpu.vector_load %arg10[%get3A_1292, %get3A_1293, %get3A_1294] {strides = array<i32>} : memref<32x56x32xf32, #tpu.memory_space<vmem>>, vector<1x1x16xf32>,
      %get3A_1296 = vector.shape_cast %get3A_1295 : vector<1x1x16xf32> to vector<16xf32>
      %sub3A_1297 = arith.subf %get3A_1296, %get3A_670 : vector<16xf32>
      %mul3A_1298 = arith.mulf %sub3A_1290, %sub3A_1290 : vector<16xf32>
      %mul3A_1299 = vector.broadcast %squeeze3A_1283 : f32 to vector<16xf32>
      %mul3A_1300 = arith.mulf %mul3A_1299, %mul3A_1298 : vector<16xf32>
      %add3A_1301 = arith.addf %add3A_1277, %mul3A_1300 : vector<16xf32>
      %mul3A_1302 = arith.mulf %sub3A_1297, %sub3A_1297 : vector<16xf32>
      %mul3A_1303 = vector.broadcast %squeeze3A_1283 : f32 to vector<16xf32>
      %mul3A_1304 = arith.mulf %mul3A_1303, %mul3A_1302 : vector<16xf32>
      %add3A_1305 = arith.addf %add3A_1281, %mul3A_1304 : vector<16xf32>
      %slice3A_1306 = vector.extract_strided_slice %get3A_1065 {offsets = [10], sizes = [1], strides = [1]} : vector<16xf32> to vector<1xf32>
      %squeeze3A_1307 = vector.extract %slice3A_1306[0] : f32 from vector<1xf32>
      %get3A_1308 = arith.constant 26 : i32
      %get3A_1309 = arith.index_cast %scan3A_657 : i32 to index
      %get3A_1310 = arith.index_cast %get3A_1308 : i32 to index
      %get3A_1311 = arith.constant 0 : index
      %get3A_1312 = tpu.vector_load %arg10[%get3A_1309, %get3A_1310, %get3A_1311] {strides = array<i32>} : memref<32x56x32xf32, #tpu.memory_space<vmem>>, vector<1x1x16xf32>,
      %get3A_1313 = vector.shape_cast %get3A_1312 : vector<1x1x16xf32> to vector<16xf32>
      %sub3A_1314 = arith.subf %get3A_1313, %get3A_663 : vector<16xf32>
      %get3A_1315 = arith.constant 26 : i32
      %get3A_1316 = arith.index_cast %scan3A_657 : i32 to index
      %get3A_1317 = arith.index_cast %get3A_1315 : i32 to index
      %get3A_1318 = arith.constant 16 : index
      %get3A_1319 = tpu.vector_load %arg10[%get3A_1316, %get3A_1317, %get3A_1318] {strides = array<i32>} : memref<32x56x32xf32, #tpu.memory_space<vmem>>, vector<1x1x16xf32>,
      %get3A_1320 = vector.shape_cast %get3A_1319 : vector<1x1x16xf32> to vector<16xf32>
      %sub3A_1321 = arith.subf %get3A_1320, %get3A_670 : vector<16xf32>
      %mul3A_1322 = arith.mulf %sub3A_1314, %sub3A_1314 : vector<16xf32>
      %mul3A_1323 = vector.broadcast %squeeze3A_1307 : f32 to vector<16xf32>
      %mul3A_1324 = arith.mulf %mul3A_1323, %mul3A_1322 : vector<16xf32>
      %add3A_1325 = arith.addf %add3A_1301, %mul3A_1324 : vector<16xf32>
      %mul3A_1326 = arith.mulf %sub3A_1321, %sub3A_1321 : vector<16xf32>
      %mul3A_1327 = vector.broadcast %squeeze3A_1307 : f32 to vector<16xf32>
      %mul3A_1328 = arith.mulf %mul3A_1327, %mul3A_1326 : vector<16xf32>
      %add3A_1329 = arith.addf %add3A_1305, %mul3A_1328 : vector<16xf32>
      %slice3A_1330 = vector.extract_strided_slice %get3A_1065 {offsets = [11], sizes = [1], strides = [1]} : vector<16xf32> to vector<1xf32>
      %squeeze3A_1331 = vector.extract %slice3A_1330[0] : f32 from vector<1xf32>
      %get3A_1332 = arith.constant 27 : i32
      %get3A_1333 = arith.index_cast %scan3A_657 : i32 to index
      %get3A_1334 = arith.index_cast %get3A_1332 : i32 to index
      %get3A_1335 = arith.constant 0 : index
      %get3A_1336 = tpu.vector_load %arg10[%get3A_1333, %get3A_1334, %get3A_1335] {strides = array<i32>} : memref<32x56x32xf32, #tpu.memory_space<vmem>>, vector<1x1x16xf32>,
      %get3A_1337 = vector.shape_cast %get3A_1336 : vector<1x1x16xf32> to vector<16xf32>
      %sub3A_1338 = arith.subf %get3A_1337, %get3A_663 : vector<16xf32>
      %get3A_1339 = arith.constant 27 : i32
      %get3A_1340 = arith.index_cast %scan3A_657 : i32 to index
      %get3A_1341 = arith.index_cast %get3A_1339 : i32 to index
      %get3A_1342 = arith.constant 16 : index
      %get3A_1343 = tpu.vector_load %arg10[%get3A_1340, %get3A_1341, %get3A_1342] {strides = array<i32>} : memref<32x56x32xf32, #tpu.memory_space<vmem>>, vector<1x1x16xf32>,
      %get3A_1344 = vector.shape_cast %get3A_1343 : vector<1x1x16xf32> to vector<16xf32>
      %sub3A_1345 = arith.subf %get3A_1344, %get3A_670 : vector<16xf32>
      %mul3A_1346 = arith.mulf %sub3A_1338, %sub3A_1338 : vector<16xf32>
      %mul3A_1347 = vector.broadcast %squeeze3A_1331 : f32 to vector<16xf32>
      %mul3A_1348 = arith.mulf %mul3A_1347, %mul3A_1346 : vector<16xf32>
      %add3A_1349 = arith.addf %add3A_1325, %mul3A_1348 : vector<16xf32>
      %mul3A_1350 = arith.mulf %sub3A_1345, %sub3A_1345 : vector<16xf32>
      %mul3A_1351 = vector.broadcast %squeeze3A_1331 : f32 to vector<16xf32>
      %mul3A_1352 = arith.mulf %mul3A_1351, %mul3A_1350 : vector<16xf32>
      %add3A_1353 = arith.addf %add3A_1329, %mul3A_1352 : vector<16xf32>
      %slice3A_1354 = vector.extract_strided_slice %get3A_1065 {offsets = [12], sizes = [1], strides = [1]} : vector<16xf32> to vector<1xf32>
      %squeeze3A_1355 = vector.extract %slice3A_1354[0] : f32 from vector<1xf32>
      %get3A_1356 = arith.constant 28 : i32
      %get3A_1357 = arith.index_cast %scan3A_657 : i32 to index
      %get3A_1358 = arith.index_cast %get3A_1356 : i32 to index
      %get3A_1359 = arith.constant 0 : index
      %get3A_1360 = tpu.vector_load %arg10[%get3A_1357, %get3A_1358, %get3A_1359] {strides = array<i32>} : memref<32x56x32xf32, #tpu.memory_space<vmem>>, vector<1x1x16xf32>,
      %get3A_1361 = vector.shape_cast %get3A_1360 : vector<1x1x16xf32> to vector<16xf32>
      %sub3A_1362 = arith.subf %get3A_1361, %get3A_663 : vector<16xf32>
      %get3A_1363 = arith.constant 28 : i32
      %get3A_1364 = arith.index_cast %scan3A_657 : i32 to index
      %get3A_1365 = arith.index_cast %get3A_1363 : i32 to index
      %get3A_1366 = arith.constant 16 : index
      %get3A_1367 = tpu.vector_load %arg10[%get3A_1364, %get3A_1365, %get3A_1366] {strides = array<i32>} : memref<32x56x32xf32, #tpu.memory_space<vmem>>, vector<1x1x16xf32>,
      %get3A_1368 = vector.shape_cast %get3A_1367 : vector<1x1x16xf32> to vector<16xf32>
      %sub3A_1369 = arith.subf %get3A_1368, %get3A_670 : vector<16xf32>
      %mul3A_1370 = arith.mulf %sub3A_1362, %sub3A_1362 : vector<16xf32>
      %mul3A_1371 = vector.broadcast %squeeze3A_1355 : f32 to vector<16xf32>
      %mul3A_1372 = arith.mulf %mul3A_1371, %mul3A_1370 : vector<16xf32>
      %add3A_1373 = arith.addf %add3A_1349, %mul3A_1372 : vector<16xf32>
      %mul3A_1374 = arith.mulf %sub3A_1369, %sub3A_1369 : vector<16xf32>
      %mul3A_1375 = vector.broadcast %squeeze3A_1355 : f32 to vector<16xf32>
      %mul3A_1376 = arith.mulf %mul3A_1375, %mul3A_1374 : vector<16xf32>
      %add3A_1377 = arith.addf %add3A_1353, %mul3A_1376 : vector<16xf32>
      %slice3A_1378 = vector.extract_strided_slice %get3A_1065 {offsets = [13], sizes = [1], strides = [1]} : vector<16xf32> to vector<1xf32>
      %squeeze3A_1379 = vector.extract %slice3A_1378[0] : f32 from vector<1xf32>
      %get3A_1380 = arith.constant 29 : i32
      %get3A_1381 = arith.index_cast %scan3A_657 : i32 to index
      %get3A_1382 = arith.index_cast %get3A_1380 : i32 to index
      %get3A_1383 = arith.constant 0 : index
      %get3A_1384 = tpu.vector_load %arg10[%get3A_1381, %get3A_1382, %get3A_1383] {strides = array<i32>} : memref<32x56x32xf32, #tpu.memory_space<vmem>>, vector<1x1x16xf32>,
      %get3A_1385 = vector.shape_cast %get3A_1384 : vector<1x1x16xf32> to vector<16xf32>
      %sub3A_1386 = arith.subf %get3A_1385, %get3A_663 : vector<16xf32>
      %get3A_1387 = arith.constant 29 : i32
      %get3A_1388 = arith.index_cast %scan3A_657 : i32 to index
      %get3A_1389 = arith.index_cast %get3A_1387 : i32 to index
      %get3A_1390 = arith.constant 16 : index
      %get3A_1391 = tpu.vector_load %arg10[%get3A_1388, %get3A_1389, %get3A_1390] {strides = array<i32>} : memref<32x56x32xf32, #tpu.memory_space<vmem>>, vector<1x1x16xf32>,
      %get3A_1392 = vector.shape_cast %get3A_1391 : vector<1x1x16xf32> to vector<16xf32>
      %sub3A_1393 = arith.subf %get3A_1392, %get3A_670 : vector<16xf32>
      %mul3A_1394 = arith.mulf %sub3A_1386, %sub3A_1386 : vector<16xf32>
      %mul3A_1395 = vector.broadcast %squeeze3A_1379 : f32 to vector<16xf32>
      %mul3A_1396 = arith.mulf %mul3A_1395, %mul3A_1394 : vector<16xf32>
      %add3A_1397 = arith.addf %add3A_1373, %mul3A_1396 : vector<16xf32>
      %mul3A_1398 = arith.mulf %sub3A_1393, %sub3A_1393 : vector<16xf32>
      %mul3A_1399 = vector.broadcast %squeeze3A_1379 : f32 to vector<16xf32>
      %mul3A_1400 = arith.mulf %mul3A_1399, %mul3A_1398 : vector<16xf32>
      %add3A_1401 = arith.addf %add3A_1377, %mul3A_1400 : vector<16xf32>
      %slice3A_1402 = vector.extract_strided_slice %get3A_1065 {offsets = [14], sizes = [1], strides = [1]} : vector<16xf32> to vector<1xf32>
      %squeeze3A_1403 = vector.extract %slice3A_1402[0] : f32 from vector<1xf32>
      %get3A_1404 = arith.constant 30 : i32
      %get3A_1405 = arith.index_cast %scan3A_657 : i32 to index
      %get3A_1406 = arith.index_cast %get3A_1404 : i32 to index
      %get3A_1407 = arith.constant 0 : index
      %get3A_1408 = tpu.vector_load %arg10[%get3A_1405, %get3A_1406, %get3A_1407] {strides = array<i32>} : memref<32x56x32xf32, #tpu.memory_space<vmem>>, vector<1x1x16xf32>,
      %get3A_1409 = vector.shape_cast %get3A_1408 : vector<1x1x16xf32> to vector<16xf32>
      %sub3A_1410 = arith.subf %get3A_1409, %get3A_663 : vector<16xf32>
      %get3A_1411 = arith.constant 30 : i32
      %get3A_1412 = arith.index_cast %scan3A_657 : i32 to index
      %get3A_1413 = arith.index_cast %get3A_1411 : i32 to index
      %get3A_1414 = arith.constant 16 : index
      %get3A_1415 = tpu.vector_load %arg10[%get3A_1412, %get3A_1413, %get3A_1414] {strides = array<i32>} : memref<32x56x32xf32, #tpu.memory_space<vmem>>, vector<1x1x16xf32>,
      %get3A_1416 = vector.shape_cast %get3A_1415 : vector<1x1x16xf32> to vector<16xf32>
      %sub3A_1417 = arith.subf %get3A_1416, %get3A_670 : vector<16xf32>
      %mul3A_1418 = arith.mulf %sub3A_1410, %sub3A_1410 : vector<16xf32>
      %mul3A_1419 = vector.broadcast %squeeze3A_1403 : f32 to vector<16xf32>
      %mul3A_1420 = arith.mulf %mul3A_1419, %mul3A_1418 : vector<16xf32>
      %add3A_1421 = arith.addf %add3A_1397, %mul3A_1420 : vector<16xf32>
      %mul3A_1422 = arith.mulf %sub3A_1417, %sub3A_1417 : vector<16xf32>
      %mul3A_1423 = vector.broadcast %squeeze3A_1403 : f32 to vector<16xf32>
      %mul3A_1424 = arith.mulf %mul3A_1423, %mul3A_1422 : vector<16xf32>
      %add3A_1425 = arith.addf %add3A_1401, %mul3A_1424 : vector<16xf32>
      %slice3A_1426 = vector.extract_strided_slice %get3A_1065 {offsets = [15], sizes = [1], strides = [1]} : vector<16xf32> to vector<1xf32>
      %squeeze3A_1427 = vector.extract %slice3A_1426[0] : f32 from vector<1xf32>
      %get3A_1428 = arith.constant 31 : i32
      %get3A_1429 = arith.index_cast %scan3A_657 : i32 to index
      %get3A_1430 = arith.index_cast %get3A_1428 : i32 to index
      %get3A_1431 = arith.constant 0 : index
      %get3A_1432 = tpu.vector_load %arg10[%get3A_1429, %get3A_1430, %get3A_1431] {strides = array<i32>} : memref<32x56x32xf32, #tpu.memory_space<vmem>>, vector<1x1x16xf32>,
      %get3A_1433 = vector.shape_cast %get3A_1432 : vector<1x1x16xf32> to vector<16xf32>
      %sub3A_1434 = arith.subf %get3A_1433, %get3A_663 : vector<16xf32>
      %get3A_1435 = arith.constant 31 : i32
      %get3A_1436 = arith.index_cast %scan3A_657 : i32 to index
      %get3A_1437 = arith.index_cast %get3A_1435 : i32 to index
      %get3A_1438 = arith.constant 16 : index
      %get3A_1439 = tpu.vector_load %arg10[%get3A_1436, %get3A_1437, %get3A_1438] {strides = array<i32>} : memref<32x56x32xf32, #tpu.memory_space<vmem>>, vector<1x1x16xf32>,
      %get3A_1440 = vector.shape_cast %get3A_1439 : vector<1x1x16xf32> to vector<16xf32>
      %sub3A_1441 = arith.subf %get3A_1440, %get3A_670 : vector<16xf32>
      %mul3A_1442 = arith.mulf %sub3A_1434, %sub3A_1434 : vector<16xf32>
      %mul3A_1443 = vector.broadcast %squeeze3A_1427 : f32 to vector<16xf32>
      %mul3A_1444 = arith.mulf %mul3A_1443, %mul3A_1442 : vector<16xf32>
      %add3A_1445 = arith.addf %add3A_1421, %mul3A_1444 : vector<16xf32>
      %mul3A_1446 = arith.mulf %sub3A_1441, %sub3A_1441 : vector<16xf32>
      %mul3A_1447 = vector.broadcast %squeeze3A_1427 : f32 to vector<16xf32>
      %mul3A_1448 = arith.mulf %mul3A_1447, %mul3A_1446 : vector<16xf32>
      %add3A_1449 = arith.addf %add3A_1425, %mul3A_1448 : vector<16xf32>
      %mul3A_1450 = arith.constant 64 : i32
      %mul3A_1451 = arith.muli %scan3A_657, %mul3A_1450 : i32
      %add3A_1452 = arith.constant 32 : i32
      %add3A_1453 = arith.addi %mul3A_1451, %add3A_1452 : i32
      %get3A_1454 = arith.index_cast %add3A_1453 : i32 to index
      %get3A_1455 = tpu.vector_load %arg8[%get3A_1454] {strides = array<i32>} : memref<2048xf32, #tpu.memory_space<vmem>>, vector<16xf32>,
      %get3A_1456 = vector.shape_cast %get3A_1455 : vector<16xf32> to vector<16xf32>
      %slice3A_1457 = vector.extract_strided_slice %get3A_1456 {offsets = [0], sizes = [1], strides = [1]} : vector<16xf32> to vector<1xf32>
      %squeeze3A_1458 = vector.extract %slice3A_1457[0] : f32 from vector<1xf32>
      %get3A_1459 = arith.constant 32 : i32
      %get3A_1460 = arith.index_cast %scan3A_657 : i32 to index
      %get3A_1461 = arith.index_cast %get3A_1459 : i32 to index
      %get3A_1462 = arith.constant 0 : index
      %get3A_1463 = tpu.vector_load %arg10[%get3A_1460, %get3A_1461, %get3A_1462] {strides = array<i32>} : memref<32x56x32xf32, #tpu.memory_space<vmem>>, vector<1x1x16xf32>,
      %get3A_1464 = vector.shape_cast %get3A_1463 : vector<1x1x16xf32> to vector<16xf32>
      %sub3A_1465 = arith.subf %get3A_1464, %get3A_663 : vector<16xf32>
      %get3A_1466 = arith.constant 32 : i32
      %get3A_1467 = arith.index_cast %scan3A_657 : i32 to index
      %get3A_1468 = arith.index_cast %get3A_1466 : i32 to index
      %get3A_1469 = arith.constant 16 : index
      %get3A_1470 = tpu.vector_load %arg10[%get3A_1467, %get3A_1468, %get3A_1469] {strides = array<i32>} : memref<32x56x32xf32, #tpu.memory_space<vmem>>, vector<1x1x16xf32>,
      %get3A_1471 = vector.shape_cast %get3A_1470 : vector<1x1x16xf32> to vector<16xf32>
      %sub3A_1472 = arith.subf %get3A_1471, %get3A_670 : vector<16xf32>
      %mul3A_1473 = arith.mulf %sub3A_1465, %sub3A_1465 : vector<16xf32>
      %mul3A_1474 = vector.broadcast %squeeze3A_1458 : f32 to vector<16xf32>
      %mul3A_1475 = arith.mulf %mul3A_1474, %mul3A_1473 : vector<16xf32>
      %add3A_1476 = arith.addf %add3A_1445, %mul3A_1475 : vector<16xf32>
      %mul3A_1477 = arith.mulf %sub3A_1472, %sub3A_1472 : vector<16xf32>
      %mul3A_1478 = vector.broadcast %squeeze3A_1458 : f32 to vector<16xf32>
      %mul3A_1479 = arith.mulf %mul3A_1478, %mul3A_1477 : vector<16xf32>
      %add3A_1480 = arith.addf %add3A_1449, %mul3A_1479 : vector<16xf32>
      %slice3A_1481 = vector.extract_strided_slice %get3A_1456 {offsets = [1], sizes = [1], strides = [1]} : vector<16xf32> to vector<1xf32>
      %squeeze3A_1482 = vector.extract %slice3A_1481[0] : f32 from vector<1xf32>
      %get3A_1483 = arith.constant 33 : i32
      %get3A_1484 = arith.index_cast %scan3A_657 : i32 to index
      %get3A_1485 = arith.index_cast %get3A_1483 : i32 to index
      %get3A_1486 = arith.constant 0 : index
      %get3A_1487 = tpu.vector_load %arg10[%get3A_1484, %get3A_1485, %get3A_1486] {strides = array<i32>} : memref<32x56x32xf32, #tpu.memory_space<vmem>>, vector<1x1x16xf32>,
      %get3A_1488 = vector.shape_cast %get3A_1487 : vector<1x1x16xf32> to vector<16xf32>
      %sub3A_1489 = arith.subf %get3A_1488, %get3A_663 : vector<16xf32>
      %get3A_1490 = arith.constant 33 : i32
      %get3A_1491 = arith.index_cast %scan3A_657 : i32 to index
      %get3A_1492 = arith.index_cast %get3A_1490 : i32 to index
      %get3A_1493 = arith.constant 16 : index
      %get3A_1494 = tpu.vector_load %arg10[%get3A_1491, %get3A_1492, %get3A_1493] {strides = array<i32>} : memref<32x56x32xf32, #tpu.memory_space<vmem>>, vector<1x1x16xf32>,
      %get3A_1495 = vector.shape_cast %get3A_1494 : vector<1x1x16xf32> to vector<16xf32>
      %sub3A_1496 = arith.subf %get3A_1495, %get3A_670 : vector<16xf32>
      %mul3A_1497 = arith.mulf %sub3A_1489, %sub3A_1489 : vector<16xf32>
      %mul3A_1498 = vector.broadcast %squeeze3A_1482 : f32 to vector<16xf32>
      %mul3A_1499 = arith.mulf %mul3A_1498, %mul3A_1497 : vector<16xf32>
      %add3A_1500 = arith.addf %add3A_1476, %mul3A_1499 : vector<16xf32>
      %mul3A_1501 = arith.mulf %sub3A_1496, %sub3A_1496 : vector<16xf32>
      %mul3A_1502 = vector.broadcast %squeeze3A_1482 : f32 to vector<16xf32>
      %mul3A_1503 = arith.mulf %mul3A_1502, %mul3A_1501 : vector<16xf32>
      %add3A_1504 = arith.addf %add3A_1480, %mul3A_1503 : vector<16xf32>
      %slice3A_1505 = vector.extract_strided_slice %get3A_1456 {offsets = [2], sizes = [1], strides = [1]} : vector<16xf32> to vector<1xf32>
      %squeeze3A_1506 = vector.extract %slice3A_1505[0] : f32 from vector<1xf32>
      %get3A_1507 = arith.constant 34 : i32
      %get3A_1508 = arith.index_cast %scan3A_657 : i32 to index
      %get3A_1509 = arith.index_cast %get3A_1507 : i32 to index
      %get3A_1510 = arith.constant 0 : index
      %get3A_1511 = tpu.vector_load %arg10[%get3A_1508, %get3A_1509, %get3A_1510] {strides = array<i32>} : memref<32x56x32xf32, #tpu.memory_space<vmem>>, vector<1x1x16xf32>,
      %get3A_1512 = vector.shape_cast %get3A_1511 : vector<1x1x16xf32> to vector<16xf32>
      %sub3A_1513 = arith.subf %get3A_1512, %get3A_663 : vector<16xf32>
      %get3A_1514 = arith.constant 34 : i32
      %get3A_1515 = arith.index_cast %scan3A_657 : i32 to index
      %get3A_1516 = arith.index_cast %get3A_1514 : i32 to index
      %get3A_1517 = arith.constant 16 : index
      %get3A_1518 = tpu.vector_load %arg10[%get3A_1515, %get3A_1516, %get3A_1517] {strides = array<i32>} : memref<32x56x32xf32, #tpu.memory_space<vmem>>, vector<1x1x16xf32>,
      %get3A_1519 = vector.shape_cast %get3A_1518 : vector<1x1x16xf32> to vector<16xf32>
      %sub3A_1520 = arith.subf %get3A_1519, %get3A_670 : vector<16xf32>
      %mul3A_1521 = arith.mulf %sub3A_1513, %sub3A_1513 : vector<16xf32>
      %mul3A_1522 = vector.broadcast %squeeze3A_1506 : f32 to vector<16xf32>
      %mul3A_1523 = arith.mulf %mul3A_1522, %mul3A_1521 : vector<16xf32>
      %add3A_1524 = arith.addf %add3A_1500, %mul3A_1523 : vector<16xf32>
      %mul3A_1525 = arith.mulf %sub3A_1520, %sub3A_1520 : vector<16xf32>
      %mul3A_1526 = vector.broadcast %squeeze3A_1506 : f32 to vector<16xf32>
      %mul3A_1527 = arith.mulf %mul3A_1526, %mul3A_1525 : vector<16xf32>
      %add3A_1528 = arith.addf %add3A_1504, %mul3A_1527 : vector<16xf32>
      %slice3A_1529 = vector.extract_strided_slice %get3A_1456 {offsets = [3], sizes = [1], strides = [1]} : vector<16xf32> to vector<1xf32>
      %squeeze3A_1530 = vector.extract %slice3A_1529[0] : f32 from vector<1xf32>
      %get3A_1531 = arith.constant 35 : i32
      %get3A_1532 = arith.index_cast %scan3A_657 : i32 to index
      %get3A_1533 = arith.index_cast %get3A_1531 : i32 to index
      %get3A_1534 = arith.constant 0 : index
      %get3A_1535 = tpu.vector_load %arg10[%get3A_1532, %get3A_1533, %get3A_1534] {strides = array<i32>} : memref<32x56x32xf32, #tpu.memory_space<vmem>>, vector<1x1x16xf32>,
      %get3A_1536 = vector.shape_cast %get3A_1535 : vector<1x1x16xf32> to vector<16xf32>
      %sub3A_1537 = arith.subf %get3A_1536, %get3A_663 : vector<16xf32>
      %get3A_1538 = arith.constant 35 : i32
      %get3A_1539 = arith.index_cast %scan3A_657 : i32 to index
      %get3A_1540 = arith.index_cast %get3A_1538 : i32 to index
      %get3A_1541 = arith.constant 16 : index
      %get3A_1542 = tpu.vector_load %arg10[%get3A_1539, %get3A_1540, %get3A_1541] {strides = array<i32>} : memref<32x56x32xf32, #tpu.memory_space<vmem>>, vector<1x1x16xf32>,
      %get3A_1543 = vector.shape_cast %get3A_1542 : vector<1x1x16xf32> to vector<16xf32>
      %sub3A_1544 = arith.subf %get3A_1543, %get3A_670 : vector<16xf32>
      %mul3A_1545 = arith.mulf %sub3A_1537, %sub3A_1537 : vector<16xf32>
      %mul3A_1546 = vector.broadcast %squeeze3A_1530 : f32 to vector<16xf32>
      %mul3A_1547 = arith.mulf %mul3A_1546, %mul3A_1545 : vector<16xf32>
      %add3A_1548 = arith.addf %add3A_1524, %mul3A_1547 : vector<16xf32>
      %mul3A_1549 = arith.mulf %sub3A_1544, %sub3A_1544 : vector<16xf32>
      %mul3A_1550 = vector.broadcast %squeeze3A_1530 : f32 to vector<16xf32>
      %mul3A_1551 = arith.mulf %mul3A_1550, %mul3A_1549 : vector<16xf32>
      %add3A_1552 = arith.addf %add3A_1528, %mul3A_1551 : vector<16xf32>
      %slice3A_1553 = vector.extract_strided_slice %get3A_1456 {offsets = [4], sizes = [1], strides = [1]} : vector<16xf32> to vector<1xf32>
      %squeeze3A_1554 = vector.extract %slice3A_1553[0] : f32 from vector<1xf32>
      %get3A_1555 = arith.constant 36 : i32
      %get3A_1556 = arith.index_cast %scan3A_657 : i32 to index
      %get3A_1557 = arith.index_cast %get3A_1555 : i32 to index
      %get3A_1558 = arith.constant 0 : index
      %get3A_1559 = tpu.vector_load %arg10[%get3A_1556, %get3A_1557, %get3A_1558] {strides = array<i32>} : memref<32x56x32xf32, #tpu.memory_space<vmem>>, vector<1x1x16xf32>,
      %get3A_1560 = vector.shape_cast %get3A_1559 : vector<1x1x16xf32> to vector<16xf32>
      %sub3A_1561 = arith.subf %get3A_1560, %get3A_663 : vector<16xf32>
      %get3A_1562 = arith.constant 36 : i32
      %get3A_1563 = arith.index_cast %scan3A_657 : i32 to index
      %get3A_1564 = arith.index_cast %get3A_1562 : i32 to index
      %get3A_1565 = arith.constant 16 : index
      %get3A_1566 = tpu.vector_load %arg10[%get3A_1563, %get3A_1564, %get3A_1565] {strides = array<i32>} : memref<32x56x32xf32, #tpu.memory_space<vmem>>, vector<1x1x16xf32>,
      %get3A_1567 = vector.shape_cast %get3A_1566 : vector<1x1x16xf32> to vector<16xf32>
      %sub3A_1568 = arith.subf %get3A_1567, %get3A_670 : vector<16xf32>
      %mul3A_1569 = arith.mulf %sub3A_1561, %sub3A_1561 : vector<16xf32>
      %mul3A_1570 = vector.broadcast %squeeze3A_1554 : f32 to vector<16xf32>
      %mul3A_1571 = arith.mulf %mul3A_1570, %mul3A_1569 : vector<16xf32>
      %add3A_1572 = arith.addf %add3A_1548, %mul3A_1571 : vector<16xf32>
      %mul3A_1573 = arith.mulf %sub3A_1568, %sub3A_1568 : vector<16xf32>
      %mul3A_1574 = vector.broadcast %squeeze3A_1554 : f32 to vector<16xf32>
      %mul3A_1575 = arith.mulf %mul3A_1574, %mul3A_1573 : vector<16xf32>
      %add3A_1576 = arith.addf %add3A_1552, %mul3A_1575 : vector<16xf32>
      %slice3A_1577 = vector.extract_strided_slice %get3A_1456 {offsets = [5], sizes = [1], strides = [1]} : vector<16xf32> to vector<1xf32>
      %squeeze3A_1578 = vector.extract %slice3A_1577[0] : f32 from vector<1xf32>
      %get3A_1579 = arith.constant 37 : i32
      %get3A_1580 = arith.index_cast %scan3A_657 : i32 to index
      %get3A_1581 = arith.index_cast %get3A_1579 : i32 to index
      %get3A_1582 = arith.constant 0 : index
      %get3A_1583 = tpu.vector_load %arg10[%get3A_1580, %get3A_1581, %get3A_1582] {strides = array<i32>} : memref<32x56x32xf32, #tpu.memory_space<vmem>>, vector<1x1x16xf32>,
      %get3A_1584 = vector.shape_cast %get3A_1583 : vector<1x1x16xf32> to vector<16xf32>
      %sub3A_1585 = arith.subf %get3A_1584, %get3A_663 : vector<16xf32>
      %get3A_1586 = arith.constant 37 : i32
      %get3A_1587 = arith.index_cast %scan3A_657 : i32 to index
      %get3A_1588 = arith.index_cast %get3A_1586 : i32 to index
      %get3A_1589 = arith.constant 16 : index
      %get3A_1590 = tpu.vector_load %arg10[%get3A_1587, %get3A_1588, %get3A_1589] {strides = array<i32>} : memref<32x56x32xf32, #tpu.memory_space<vmem>>, vector<1x1x16xf32>,
      %get3A_1591 = vector.shape_cast %get3A_1590 : vector<1x1x16xf32> to vector<16xf32>
      %sub3A_1592 = arith.subf %get3A_1591, %get3A_670 : vector<16xf32>
      %mul3A_1593 = arith.mulf %sub3A_1585, %sub3A_1585 : vector<16xf32>
      %mul3A_1594 = vector.broadcast %squeeze3A_1578 : f32 to vector<16xf32>
      %mul3A_1595 = arith.mulf %mul3A_1594, %mul3A_1593 : vector<16xf32>
      %add3A_1596 = arith.addf %add3A_1572, %mul3A_1595 : vector<16xf32>
      %mul3A_1597 = arith.mulf %sub3A_1592, %sub3A_1592 : vector<16xf32>
      %mul3A_1598 = vector.broadcast %squeeze3A_1578 : f32 to vector<16xf32>
      %mul3A_1599 = arith.mulf %mul3A_1598, %mul3A_1597 : vector<16xf32>
      %add3A_1600 = arith.addf %add3A_1576, %mul3A_1599 : vector<16xf32>
      %slice3A_1601 = vector.extract_strided_slice %get3A_1456 {offsets = [6], sizes = [1], strides = [1]} : vector<16xf32> to vector<1xf32>
      %squeeze3A_1602 = vector.extract %slice3A_1601[0] : f32 from vector<1xf32>
      %get3A_1603 = arith.constant 38 : i32
      %get3A_1604 = arith.index_cast %scan3A_657 : i32 to index
      %get3A_1605 = arith.index_cast %get3A_1603 : i32 to index
      %get3A_1606 = arith.constant 0 : index
      %get3A_1607 = tpu.vector_load %arg10[%get3A_1604, %get3A_1605, %get3A_1606] {strides = array<i32>} : memref<32x56x32xf32, #tpu.memory_space<vmem>>, vector<1x1x16xf32>,
      %get3A_1608 = vector.shape_cast %get3A_1607 : vector<1x1x16xf32> to vector<16xf32>
      %sub3A_1609 = arith.subf %get3A_1608, %get3A_663 : vector<16xf32>
      %get3A_1610 = arith.constant 38 : i32
      %get3A_1611 = arith.index_cast %scan3A_657 : i32 to index
      %get3A_1612 = arith.index_cast %get3A_1610 : i32 to index
      %get3A_1613 = arith.constant 16 : index
      %get3A_1614 = tpu.vector_load %arg10[%get3A_1611, %get3A_1612, %get3A_1613] {strides = array<i32>} : memref<32x56x32xf32, #tpu.memory_space<vmem>>, vector<1x1x16xf32>,
      %get3A_1615 = vector.shape_cast %get3A_1614 : vector<1x1x16xf32> to vector<16xf32>
      %sub3A_1616 = arith.subf %get3A_1615, %get3A_670 : vector<16xf32>
      %mul3A_1617 = arith.mulf %sub3A_1609, %sub3A_1609 : vector<16xf32>
      %mul3A_1618 = vector.broadcast %squeeze3A_1602 : f32 to vector<16xf32>
      %mul3A_1619 = arith.mulf %mul3A_1618, %mul3A_1617 : vector<16xf32>
      %add3A_1620 = arith.addf %add3A_1596, %mul3A_1619 : vector<16xf32>
      %mul3A_1621 = arith.mulf %sub3A_1616, %sub3A_1616 : vector<16xf32>
      %mul3A_1622 = vector.broadcast %squeeze3A_1602 : f32 to vector<16xf32>
      %mul3A_1623 = arith.mulf %mul3A_1622, %mul3A_1621 : vector<16xf32>
      %add3A_1624 = arith.addf %add3A_1600, %mul3A_1623 : vector<16xf32>
      %slice3A_1625 = vector.extract_strided_slice %get3A_1456 {offsets = [7], sizes = [1], strides = [1]} : vector<16xf32> to vector<1xf32>
      %squeeze3A_1626 = vector.extract %slice3A_1625[0] : f32 from vector<1xf32>
      %get3A_1627 = arith.constant 39 : i32
      %get3A_1628 = arith.index_cast %scan3A_657 : i32 to index
      %get3A_1629 = arith.index_cast %get3A_1627 : i32 to index
      %get3A_1630 = arith.constant 0 : index
      %get3A_1631 = tpu.vector_load %arg10[%get3A_1628, %get3A_1629, %get3A_1630] {strides = array<i32>} : memref<32x56x32xf32, #tpu.memory_space<vmem>>, vector<1x1x16xf32>,
      %get3A_1632 = vector.shape_cast %get3A_1631 : vector<1x1x16xf32> to vector<16xf32>
      %sub3A_1633 = arith.subf %get3A_1632, %get3A_663 : vector<16xf32>
      %get3A_1634 = arith.constant 39 : i32
      %get3A_1635 = arith.index_cast %scan3A_657 : i32 to index
      %get3A_1636 = arith.index_cast %get3A_1634 : i32 to index
      %get3A_1637 = arith.constant 16 : index
      %get3A_1638 = tpu.vector_load %arg10[%get3A_1635, %get3A_1636, %get3A_1637] {strides = array<i32>} : memref<32x56x32xf32, #tpu.memory_space<vmem>>, vector<1x1x16xf32>,
      %get3A_1639 = vector.shape_cast %get3A_1638 : vector<1x1x16xf32> to vector<16xf32>
      %sub3A_1640 = arith.subf %get3A_1639, %get3A_670 : vector<16xf32>
      %mul3A_1641 = arith.mulf %sub3A_1633, %sub3A_1633 : vector<16xf32>
      %mul3A_1642 = vector.broadcast %squeeze3A_1626 : f32 to vector<16xf32>
      %mul3A_1643 = arith.mulf %mul3A_1642, %mul3A_1641 : vector<16xf32>
      %add3A_1644 = arith.addf %add3A_1620, %mul3A_1643 : vector<16xf32>
      %mul3A_1645 = arith.mulf %sub3A_1640, %sub3A_1640 : vector<16xf32>
      %mul3A_1646 = vector.broadcast %squeeze3A_1626 : f32 to vector<16xf32>
      %mul3A_1647 = arith.mulf %mul3A_1646, %mul3A_1645 : vector<16xf32>
      %add3A_1648 = arith.addf %add3A_1624, %mul3A_1647 : vector<16xf32>
      %slice3A_1649 = vector.extract_strided_slice %get3A_1456 {offsets = [8], sizes = [1], strides = [1]} : vector<16xf32> to vector<1xf32>
      %squeeze3A_1650 = vector.extract %slice3A_1649[0] : f32 from vector<1xf32>
      %get3A_1651 = arith.constant 40 : i32
      %get3A_1652 = arith.index_cast %scan3A_657 : i32 to index
      %get3A_1653 = arith.index_cast %get3A_1651 : i32 to index
      %get3A_1654 = arith.constant 0 : index
      %get3A_1655 = tpu.vector_load %arg10[%get3A_1652, %get3A_1653, %get3A_1654] {strides = array<i32>} : memref<32x56x32xf32, #tpu.memory_space<vmem>>, vector<1x1x16xf32>,
      %get3A_1656 = vector.shape_cast %get3A_1655 : vector<1x1x16xf32> to vector<16xf32>
      %sub3A_1657 = arith.subf %get3A_1656, %get3A_663 : vector<16xf32>
      %get3A_1658 = arith.constant 40 : i32
      %get3A_1659 = arith.index_cast %scan3A_657 : i32 to index
      %get3A_1660 = arith.index_cast %get3A_1658 : i32 to index
      %get3A_1661 = arith.constant 16 : index
      %get3A_1662 = tpu.vector_load %arg10[%get3A_1659, %get3A_1660, %get3A_1661] {strides = array<i32>} : memref<32x56x32xf32, #tpu.memory_space<vmem>>, vector<1x1x16xf32>,
      %get3A_1663 = vector.shape_cast %get3A_1662 : vector<1x1x16xf32> to vector<16xf32>
      %sub3A_1664 = arith.subf %get3A_1663, %get3A_670 : vector<16xf32>
      %mul3A_1665 = arith.mulf %sub3A_1657, %sub3A_1657 : vector<16xf32>
      %mul3A_1666 = vector.broadcast %squeeze3A_1650 : f32 to vector<16xf32>
      %mul3A_1667 = arith.mulf %mul3A_1666, %mul3A_1665 : vector<16xf32>
      %add3A_1668 = arith.addf %add3A_1644, %mul3A_1667 : vector<16xf32>
      %mul3A_1669 = arith.mulf %sub3A_1664, %sub3A_1664 : vector<16xf32>
      %mul3A_1670 = vector.broadcast %squeeze3A_1650 : f32 to vector<16xf32>
      %mul3A_1671 = arith.mulf %mul3A_1670, %mul3A_1669 : vector<16xf32>
      %add3A_1672 = arith.addf %add3A_1648, %mul3A_1671 : vector<16xf32>
      %slice3A_1673 = vector.extract_strided_slice %get3A_1456 {offsets = [9], sizes = [1], strides = [1]} : vector<16xf32> to vector<1xf32>
      %squeeze3A_1674 = vector.extract %slice3A_1673[0] : f32 from vector<1xf32>
      %get3A_1675 = arith.constant 41 : i32
      %get3A_1676 = arith.index_cast %scan3A_657 : i32 to index
      %get3A_1677 = arith.index_cast %get3A_1675 : i32 to index
      %get3A_1678 = arith.constant 0 : index
      %get3A_1679 = tpu.vector_load %arg10[%get3A_1676, %get3A_1677, %get3A_1678] {strides = array<i32>} : memref<32x56x32xf32, #tpu.memory_space<vmem>>, vector<1x1x16xf32>,
      %get3A_1680 = vector.shape_cast %get3A_1679 : vector<1x1x16xf32> to vector<16xf32>
      %sub3A_1681 = arith.subf %get3A_1680, %get3A_663 : vector<16xf32>
      %get3A_1682 = arith.constant 41 : i32
      %get3A_1683 = arith.index_cast %scan3A_657 : i32 to index
      %get3A_1684 = arith.index_cast %get3A_1682 : i32 to index
      %get3A_1685 = arith.constant 16 : index
      %get3A_1686 = tpu.vector_load %arg10[%get3A_1683, %get3A_1684, %get3A_1685] {strides = array<i32>} : memref<32x56x32xf32, #tpu.memory_space<vmem>>, vector<1x1x16xf32>,
      %get3A_1687 = vector.shape_cast %get3A_1686 : vector<1x1x16xf32> to vector<16xf32>
      %sub3A_1688 = arith.subf %get3A_1687, %get3A_670 : vector<16xf32>
      %mul3A_1689 = arith.mulf %sub3A_1681, %sub3A_1681 : vector<16xf32>
      %mul3A_1690 = vector.broadcast %squeeze3A_1674 : f32 to vector<16xf32>
      %mul3A_1691 = arith.mulf %mul3A_1690, %mul3A_1689 : vector<16xf32>
      %add3A_1692 = arith.addf %add3A_1668, %mul3A_1691 : vector<16xf32>
      %mul3A_1693 = arith.mulf %sub3A_1688, %sub3A_1688 : vector<16xf32>
      %mul3A_1694 = vector.broadcast %squeeze3A_1674 : f32 to vector<16xf32>
      %mul3A_1695 = arith.mulf %mul3A_1694, %mul3A_1693 : vector<16xf32>
      %add3A_1696 = arith.addf %add3A_1672, %mul3A_1695 : vector<16xf32>
      %slice3A_1697 = vector.extract_strided_slice %get3A_1456 {offsets = [10], sizes = [1], strides = [1]} : vector<16xf32> to vector<1xf32>
      %squeeze3A_1698 = vector.extract %slice3A_1697[0] : f32 from vector<1xf32>
      %get3A_1699 = arith.constant 42 : i32
      %get3A_1700 = arith.index_cast %scan3A_657 : i32 to index
      %get3A_1701 = arith.index_cast %get3A_1699 : i32 to index
      %get3A_1702 = arith.constant 0 : index
      %get3A_1703 = tpu.vector_load %arg10[%get3A_1700, %get3A_1701, %get3A_1702] {strides = array<i32>} : memref<32x56x32xf32, #tpu.memory_space<vmem>>, vector<1x1x16xf32>,
      %get3A_1704 = vector.shape_cast %get3A_1703 : vector<1x1x16xf32> to vector<16xf32>
      %sub3A_1705 = arith.subf %get3A_1704, %get3A_663 : vector<16xf32>
      %get3A_1706 = arith.constant 42 : i32
      %get3A_1707 = arith.index_cast %scan3A_657 : i32 to index
      %get3A_1708 = arith.index_cast %get3A_1706 : i32 to index
      %get3A_1709 = arith.constant 16 : index
      %get3A_1710 = tpu.vector_load %arg10[%get3A_1707, %get3A_1708, %get3A_1709] {strides = array<i32>} : memref<32x56x32xf32, #tpu.memory_space<vmem>>, vector<1x1x16xf32>,
      %get3A_1711 = vector.shape_cast %get3A_1710 : vector<1x1x16xf32> to vector<16xf32>
      %sub3A_1712 = arith.subf %get3A_1711, %get3A_670 : vector<16xf32>
      %mul3A_1713 = arith.mulf %sub3A_1705, %sub3A_1705 : vector<16xf32>
      %mul3A_1714 = vector.broadcast %squeeze3A_1698 : f32 to vector<16xf32>
      %mul3A_1715 = arith.mulf %mul3A_1714, %mul3A_1713 : vector<16xf32>
      %add3A_1716 = arith.addf %add3A_1692, %mul3A_1715 : vector<16xf32>
      %mul3A_1717 = arith.mulf %sub3A_1712, %sub3A_1712 : vector<16xf32>
      %mul3A_1718 = vector.broadcast %squeeze3A_1698 : f32 to vector<16xf32>
      %mul3A_1719 = arith.mulf %mul3A_1718, %mul3A_1717 : vector<16xf32>
      %add3A_1720 = arith.addf %add3A_1696, %mul3A_1719 : vector<16xf32>
      %slice3A_1721 = vector.extract_strided_slice %get3A_1456 {offsets = [11], sizes = [1], strides = [1]} : vector<16xf32> to vector<1xf32>
      %squeeze3A_1722 = vector.extract %slice3A_1721[0] : f32 from vector<1xf32>
      %get3A_1723 = arith.constant 43 : i32
      %get3A_1724 = arith.index_cast %scan3A_657 : i32 to index
      %get3A_1725 = arith.index_cast %get3A_1723 : i32 to index
      %get3A_1726 = arith.constant 0 : index
      %get3A_1727 = tpu.vector_load %arg10[%get3A_1724, %get3A_1725, %get3A_1726] {strides = array<i32>} : memref<32x56x32xf32, #tpu.memory_space<vmem>>, vector<1x1x16xf32>,
      %get3A_1728 = vector.shape_cast %get3A_1727 : vector<1x1x16xf32> to vector<16xf32>
      %sub3A_1729 = arith.subf %get3A_1728, %get3A_663 : vector<16xf32>
      %get3A_1730 = arith.constant 43 : i32
      %get3A_1731 = arith.index_cast %scan3A_657 : i32 to index
      %get3A_1732 = arith.index_cast %get3A_1730 : i32 to index
      %get3A_1733 = arith.constant 16 : index
      %get3A_1734 = tpu.vector_load %arg10[%get3A_1731, %get3A_1732, %get3A_1733] {strides = array<i32>} : memref<32x56x32xf32, #tpu.memory_space<vmem>>, vector<1x1x16xf32>,
      %get3A_1735 = vector.shape_cast %get3A_1734 : vector<1x1x16xf32> to vector<16xf32>
      %sub3A_1736 = arith.subf %get3A_1735, %get3A_670 : vector<16xf32>
      %mul3A_1737 = arith.mulf %sub3A_1729, %sub3A_1729 : vector<16xf32>
      %mul3A_1738 = vector.broadcast %squeeze3A_1722 : f32 to vector<16xf32>
      %mul3A_1739 = arith.mulf %mul3A_1738, %mul3A_1737 : vector<16xf32>
      %add3A_1740 = arith.addf %add3A_1716, %mul3A_1739 : vector<16xf32>
      %mul3A_1741 = arith.mulf %sub3A_1736, %sub3A_1736 : vector<16xf32>
      %mul3A_1742 = vector.broadcast %squeeze3A_1722 : f32 to vector<16xf32>
      %mul3A_1743 = arith.mulf %mul3A_1742, %mul3A_1741 : vector<16xf32>
      %add3A_1744 = arith.addf %add3A_1720, %mul3A_1743 : vector<16xf32>
      %slice3A_1745 = vector.extract_strided_slice %get3A_1456 {offsets = [12], sizes = [1], strides = [1]} : vector<16xf32> to vector<1xf32>
      %squeeze3A_1746 = vector.extract %slice3A_1745[0] : f32 from vector<1xf32>
      %get3A_1747 = arith.constant 44 : i32
      %get3A_1748 = arith.index_cast %scan3A_657 : i32 to index
      %get3A_1749 = arith.index_cast %get3A_1747 : i32 to index
      %get3A_1750 = arith.constant 0 : index
      %get3A_1751 = tpu.vector_load %arg10[%get3A_1748, %get3A_1749, %get3A_1750] {strides = array<i32>} : memref<32x56x32xf32, #tpu.memory_space<vmem>>, vector<1x1x16xf32>,
      %get3A_1752 = vector.shape_cast %get3A_1751 : vector<1x1x16xf32> to vector<16xf32>
      %sub3A_1753 = arith.subf %get3A_1752, %get3A_663 : vector<16xf32>
      %get3A_1754 = arith.constant 44 : i32
      %get3A_1755 = arith.index_cast %scan3A_657 : i32 to index
      %get3A_1756 = arith.index_cast %get3A_1754 : i32 to index
      %get3A_1757 = arith.constant 16 : index
      %get3A_1758 = tpu.vector_load %arg10[%get3A_1755, %get3A_1756, %get3A_1757] {strides = array<i32>} : memref<32x56x32xf32, #tpu.memory_space<vmem>>, vector<1x1x16xf32>,
      %get3A_1759 = vector.shape_cast %get3A_1758 : vector<1x1x16xf32> to vector<16xf32>
      %sub3A_1760 = arith.subf %get3A_1759, %get3A_670 : vector<16xf32>
      %mul3A_1761 = arith.mulf %sub3A_1753, %sub3A_1753 : vector<16xf32>
      %mul3A_1762 = vector.broadcast %squeeze3A_1746 : f32 to vector<16xf32>
      %mul3A_1763 = arith.mulf %mul3A_1762, %mul3A_1761 : vector<16xf32>
      %add3A_1764 = arith.addf %add3A_1740, %mul3A_1763 : vector<16xf32>
      %mul3A_1765 = arith.mulf %sub3A_1760, %sub3A_1760 : vector<16xf32>
      %mul3A_1766 = vector.broadcast %squeeze3A_1746 : f32 to vector<16xf32>
      %mul3A_1767 = arith.mulf %mul3A_1766, %mul3A_1765 : vector<16xf32>
      %add3A_1768 = arith.addf %add3A_1744, %mul3A_1767 : vector<16xf32>
      %slice3A_1769 = vector.extract_strided_slice %get3A_1456 {offsets = [13], sizes = [1], strides = [1]} : vector<16xf32> to vector<1xf32>
      %squeeze3A_1770 = vector.extract %slice3A_1769[0] : f32 from vector<1xf32>
      %get3A_1771 = arith.constant 45 : i32
      %get3A_1772 = arith.index_cast %scan3A_657 : i32 to index
      %get3A_1773 = arith.index_cast %get3A_1771 : i32 to index
      %get3A_1774 = arith.constant 0 : index
      %get3A_1775 = tpu.vector_load %arg10[%get3A_1772, %get3A_1773, %get3A_1774] {strides = array<i32>} : memref<32x56x32xf32, #tpu.memory_space<vmem>>, vector<1x1x16xf32>,
      %get3A_1776 = vector.shape_cast %get3A_1775 : vector<1x1x16xf32> to vector<16xf32>
      %sub3A_1777 = arith.subf %get3A_1776, %get3A_663 : vector<16xf32>
      %get3A_1778 = arith.constant 45 : i32
      %get3A_1779 = arith.index_cast %scan3A_657 : i32 to index
      %get3A_1780 = arith.index_cast %get3A_1778 : i32 to index
      %get3A_1781 = arith.constant 16 : index
      %get3A_1782 = tpu.vector_load %arg10[%get3A_1779, %get3A_1780, %get3A_1781] {strides = array<i32>} : memref<32x56x32xf32, #tpu.memory_space<vmem>>, vector<1x1x16xf32>,
      %get3A_1783 = vector.shape_cast %get3A_1782 : vector<1x1x16xf32> to vector<16xf32>
      %sub3A_1784 = arith.subf %get3A_1783, %get3A_670 : vector<16xf32>
      %mul3A_1785 = arith.mulf %sub3A_1777, %sub3A_1777 : vector<16xf32>
      %mul3A_1786 = vector.broadcast %squeeze3A_1770 : f32 to vector<16xf32>
      %mul3A_1787 = arith.mulf %mul3A_1786, %mul3A_1785 : vector<16xf32>
      %add3A_1788 = arith.addf %add3A_1764, %mul3A_1787 : vector<16xf32>
      %mul3A_1789 = arith.mulf %sub3A_1784, %sub3A_1784 : vector<16xf32>
      %mul3A_1790 = vector.broadcast %squeeze3A_1770 : f32 to vector<16xf32>
      %mul3A_1791 = arith.mulf %mul3A_1790, %mul3A_1789 : vector<16xf32>
      %add3A_1792 = arith.addf %add3A_1768, %mul3A_1791 : vector<16xf32>
      %slice3A_1793 = vector.extract_strided_slice %get3A_1456 {offsets = [14], sizes = [1], strides = [1]} : vector<16xf32> to vector<1xf32>
      %squeeze3A_1794 = vector.extract %slice3A_1793[0] : f32 from vector<1xf32>
      %get3A_1795 = arith.constant 46 : i32
      %get3A_1796 = arith.index_cast %scan3A_657 : i32 to index
      %get3A_1797 = arith.index_cast %get3A_1795 : i32 to index
      %get3A_1798 = arith.constant 0 : index
      %get3A_1799 = tpu.vector_load %arg10[%get3A_1796, %get3A_1797, %get3A_1798] {strides = array<i32>} : memref<32x56x32xf32, #tpu.memory_space<vmem>>, vector<1x1x16xf32>,
      %get3A_1800 = vector.shape_cast %get3A_1799 : vector<1x1x16xf32> to vector<16xf32>
      %sub3A_1801 = arith.subf %get3A_1800, %get3A_663 : vector<16xf32>
      %get3A_1802 = arith.constant 46 : i32
      %get3A_1803 = arith.index_cast %scan3A_657 : i32 to index
      %get3A_1804 = arith.index_cast %get3A_1802 : i32 to index
      %get3A_1805 = arith.constant 16 : index
      %get3A_1806 = tpu.vector_load %arg10[%get3A_1803, %get3A_1804, %get3A_1805] {strides = array<i32>} : memref<32x56x32xf32, #tpu.memory_space<vmem>>, vector<1x1x16xf32>,
      %get3A_1807 = vector.shape_cast %get3A_1806 : vector<1x1x16xf32> to vector<16xf32>
      %sub3A_1808 = arith.subf %get3A_1807, %get3A_670 : vector<16xf32>
      %mul3A_1809 = arith.mulf %sub3A_1801, %sub3A_1801 : vector<16xf32>
      %mul3A_1810 = vector.broadcast %squeeze3A_1794 : f32 to vector<16xf32>
      %mul3A_1811 = arith.mulf %mul3A_1810, %mul3A_1809 : vector<16xf32>
      %add3A_1812 = arith.addf %add3A_1788, %mul3A_1811 : vector<16xf32>
      %mul3A_1813 = arith.mulf %sub3A_1808, %sub3A_1808 : vector<16xf32>
      %mul3A_1814 = vector.broadcast %squeeze3A_1794 : f32 to vector<16xf32>
      %mul3A_1815 = arith.mulf %mul3A_1814, %mul3A_1813 : vector<16xf32>
      %add3A_1816 = arith.addf %add3A_1792, %mul3A_1815 : vector<16xf32>
      %slice3A_1817 = vector.extract_strided_slice %get3A_1456 {offsets = [15], sizes = [1], strides = [1]} : vector<16xf32> to vector<1xf32>
      %squeeze3A_1818 = vector.extract %slice3A_1817[0] : f32 from vector<1xf32>
      %get3A_1819 = arith.constant 47 : i32
      %get3A_1820 = arith.index_cast %scan3A_657 : i32 to index
      %get3A_1821 = arith.index_cast %get3A_1819 : i32 to index
      %get3A_1822 = arith.constant 0 : index
      %get3A_1823 = tpu.vector_load %arg10[%get3A_1820, %get3A_1821, %get3A_1822] {strides = array<i32>} : memref<32x56x32xf32, #tpu.memory_space<vmem>>, vector<1x1x16xf32>,
      %get3A_1824 = vector.shape_cast %get3A_1823 : vector<1x1x16xf32> to vector<16xf32>
      %sub3A_1825 = arith.subf %get3A_1824, %get3A_663 : vector<16xf32>
      %get3A_1826 = arith.constant 47 : i32
      %get3A_1827 = arith.index_cast %scan3A_657 : i32 to index
      %get3A_1828 = arith.index_cast %get3A_1826 : i32 to index
      %get3A_1829 = arith.constant 16 : index
      %get3A_1830 = tpu.vector_load %arg10[%get3A_1827, %get3A_1828, %get3A_1829] {strides = array<i32>} : memref<32x56x32xf32, #tpu.memory_space<vmem>>, vector<1x1x16xf32>,
      %get3A_1831 = vector.shape_cast %get3A_1830 : vector<1x1x16xf32> to vector<16xf32>
      %sub3A_1832 = arith.subf %get3A_1831, %get3A_670 : vector<16xf32>
      %mul3A_1833 = arith.mulf %sub3A_1825, %sub3A_1825 : vector<16xf32>
      %mul3A_1834 = vector.broadcast %squeeze3A_1818 : f32 to vector<16xf32>
      %mul3A_1835 = arith.mulf %mul3A_1834, %mul3A_1833 : vector<16xf32>
      %add3A_1836 = arith.addf %add3A_1812, %mul3A_1835 : vector<16xf32>
      %mul3A_1837 = arith.mulf %sub3A_1832, %sub3A_1832 : vector<16xf32>
      %mul3A_1838 = vector.broadcast %squeeze3A_1818 : f32 to vector<16xf32>
      %mul3A_1839 = arith.mulf %mul3A_1838, %mul3A_1837 : vector<16xf32>
      %add3A_1840 = arith.addf %add3A_1816, %mul3A_1839 : vector<16xf32>
      %mul3A_1841 = arith.constant 64 : i32
      %mul3A_1842 = arith.muli %scan3A_657, %mul3A_1841 : i32
      %add3A_1843 = arith.constant 48 : i32
      %add3A_1844 = arith.addi %mul3A_1842, %add3A_1843 : i32
      %get3A_1845 = arith.index_cast %add3A_1844 : i32 to index
      %get3A_1846 = tpu.vector_load %arg8[%get3A_1845] {strides = array<i32>} : memref<2048xf32, #tpu.memory_space<vmem>>, vector<16xf32>,
      %get3A_1847 = vector.shape_cast %get3A_1846 : vector<16xf32> to vector<16xf32>
      %slice3A_1848 = vector.extract_strided_slice %get3A_1847 {offsets = [0], sizes = [1], strides = [1]} : vector<16xf32> to vector<1xf32>
      %squeeze3A_1849 = vector.extract %slice3A_1848[0] : f32 from vector<1xf32>
      %get3A_1850 = arith.constant 48 : i32
      %get3A_1851 = arith.index_cast %scan3A_657 : i32 to index
      %get3A_1852 = arith.index_cast %get3A_1850 : i32 to index
      %get3A_1853 = arith.constant 0 : index
      %get3A_1854 = tpu.vector_load %arg10[%get3A_1851, %get3A_1852, %get3A_1853] {strides = array<i32>} : memref<32x56x32xf32, #tpu.memory_space<vmem>>, vector<1x1x16xf32>,
      %get3A_1855 = vector.shape_cast %get3A_1854 : vector<1x1x16xf32> to vector<16xf32>
      %sub3A_1856 = arith.subf %get3A_1855, %get3A_663 : vector<16xf32>
      %get3A_1857 = arith.constant 48 : i32
      %get3A_1858 = arith.index_cast %scan3A_657 : i32 to index
      %get3A_1859 = arith.index_cast %get3A_1857 : i32 to index
      %get3A_1860 = arith.constant 16 : index
      %get3A_1861 = tpu.vector_load %arg10[%get3A_1858, %get3A_1859, %get3A_1860] {strides = array<i32>} : memref<32x56x32xf32, #tpu.memory_space<vmem>>, vector<1x1x16xf32>,
      %get3A_1862 = vector.shape_cast %get3A_1861 : vector<1x1x16xf32> to vector<16xf32>
      %sub3A_1863 = arith.subf %get3A_1862, %get3A_670 : vector<16xf32>
      %mul3A_1864 = arith.mulf %sub3A_1856, %sub3A_1856 : vector<16xf32>
      %mul3A_1865 = vector.broadcast %squeeze3A_1849 : f32 to vector<16xf32>
      %mul3A_1866 = arith.mulf %mul3A_1865, %mul3A_1864 : vector<16xf32>
      %add3A_1867 = arith.addf %add3A_1836, %mul3A_1866 : vector<16xf32>
      %mul3A_1868 = arith.mulf %sub3A_1863, %sub3A_1863 : vector<16xf32>
      %mul3A_1869 = vector.broadcast %squeeze3A_1849 : f32 to vector<16xf32>
      %mul3A_1870 = arith.mulf %mul3A_1869, %mul3A_1868 : vector<16xf32>
      %add3A_1871 = arith.addf %add3A_1840, %mul3A_1870 : vector<16xf32>
      %slice3A_1872 = vector.extract_strided_slice %get3A_1847 {offsets = [1], sizes = [1], strides = [1]} : vector<16xf32> to vector<1xf32>
      %squeeze3A_1873 = vector.extract %slice3A_1872[0] : f32 from vector<1xf32>
      %get3A_1874 = arith.constant 49 : i32
      %get3A_1875 = arith.index_cast %scan3A_657 : i32 to index
      %get3A_1876 = arith.index_cast %get3A_1874 : i32 to index
      %get3A_1877 = arith.constant 0 : index
      %get3A_1878 = tpu.vector_load %arg10[%get3A_1875, %get3A_1876, %get3A_1877] {strides = array<i32>} : memref<32x56x32xf32, #tpu.memory_space<vmem>>, vector<1x1x16xf32>,
      %get3A_1879 = vector.shape_cast %get3A_1878 : vector<1x1x16xf32> to vector<16xf32>
      %sub3A_1880 = arith.subf %get3A_1879, %get3A_663 : vector<16xf32>
      %get3A_1881 = arith.constant 49 : i32
      %get3A_1882 = arith.index_cast %scan3A_657 : i32 to index
      %get3A_1883 = arith.index_cast %get3A_1881 : i32 to index
      %get3A_1884 = arith.constant 16 : index
      %get3A_1885 = tpu.vector_load %arg10[%get3A_1882, %get3A_1883, %get3A_1884] {strides = array<i32>} : memref<32x56x32xf32, #tpu.memory_space<vmem>>, vector<1x1x16xf32>,
      %get3A_1886 = vector.shape_cast %get3A_1885 : vector<1x1x16xf32> to vector<16xf32>
      %sub3A_1887 = arith.subf %get3A_1886, %get3A_670 : vector<16xf32>
      %mul3A_1888 = arith.mulf %sub3A_1880, %sub3A_1880 : vector<16xf32>
      %mul3A_1889 = vector.broadcast %squeeze3A_1873 : f32 to vector<16xf32>
      %mul3A_1890 = arith.mulf %mul3A_1889, %mul3A_1888 : vector<16xf32>
      %add3A_1891 = arith.addf %add3A_1867, %mul3A_1890 : vector<16xf32>
      %mul3A_1892 = arith.mulf %sub3A_1887, %sub3A_1887 : vector<16xf32>
      %mul3A_1893 = vector.broadcast %squeeze3A_1873 : f32 to vector<16xf32>
      %mul3A_1894 = arith.mulf %mul3A_1893, %mul3A_1892 : vector<16xf32>
      %add3A_1895 = arith.addf %add3A_1871, %mul3A_1894 : vector<16xf32>
      %slice3A_1896 = vector.extract_strided_slice %get3A_1847 {offsets = [2], sizes = [1], strides = [1]} : vector<16xf32> to vector<1xf32>
      %squeeze3A_1897 = vector.extract %slice3A_1896[0] : f32 from vector<1xf32>
      %get3A_1898 = arith.constant 50 : i32
      %get3A_1899 = arith.index_cast %scan3A_657 : i32 to index
      %get3A_1900 = arith.index_cast %get3A_1898 : i32 to index
      %get3A_1901 = arith.constant 0 : index
      %get3A_1902 = tpu.vector_load %arg10[%get3A_1899, %get3A_1900, %get3A_1901] {strides = array<i32>} : memref<32x56x32xf32, #tpu.memory_space<vmem>>, vector<1x1x16xf32>,
      %get3A_1903 = vector.shape_cast %get3A_1902 : vector<1x1x16xf32> to vector<16xf32>
      %sub3A_1904 = arith.subf %get3A_1903, %get3A_663 : vector<16xf32>
      %get3A_1905 = arith.constant 50 : i32
      %get3A_1906 = arith.index_cast %scan3A_657 : i32 to index
      %get3A_1907 = arith.index_cast %get3A_1905 : i32 to index
      %get3A_1908 = arith.constant 16 : index
      %get3A_1909 = tpu.vector_load %arg10[%get3A_1906, %get3A_1907, %get3A_1908] {strides = array<i32>} : memref<32x56x32xf32, #tpu.memory_space<vmem>>, vector<1x1x16xf32>,
      %get3A_1910 = vector.shape_cast %get3A_1909 : vector<1x1x16xf32> to vector<16xf32>
      %sub3A_1911 = arith.subf %get3A_1910, %get3A_670 : vector<16xf32>
      %mul3A_1912 = arith.mulf %sub3A_1904, %sub3A_1904 : vector<16xf32>
      %mul3A_1913 = vector.broadcast %squeeze3A_1897 : f32 to vector<16xf32>
      %mul3A_1914 = arith.mulf %mul3A_1913, %mul3A_1912 : vector<16xf32>
      %add3A_1915 = arith.addf %add3A_1891, %mul3A_1914 : vector<16xf32>
      %mul3A_1916 = arith.mulf %sub3A_1911, %sub3A_1911 : vector<16xf32>
      %mul3A_1917 = vector.broadcast %squeeze3A_1897 : f32 to vector<16xf32>
      %mul3A_1918 = arith.mulf %mul3A_1917, %mul3A_1916 : vector<16xf32>
      %add3A_1919 = arith.addf %add3A_1895, %mul3A_1918 : vector<16xf32>
      %slice3A_1920 = vector.extract_strided_slice %get3A_1847 {offsets = [3], sizes = [1], strides = [1]} : vector<16xf32> to vector<1xf32>
      %squeeze3A_1921 = vector.extract %slice3A_1920[0] : f32 from vector<1xf32>
      %get3A_1922 = arith.constant 51 : i32
      %get3A_1923 = arith.index_cast %scan3A_657 : i32 to index
      %get3A_1924 = arith.index_cast %get3A_1922 : i32 to index
      %get3A_1925 = arith.constant 0 : index
      %get3A_1926 = tpu.vector_load %arg10[%get3A_1923, %get3A_1924, %get3A_1925] {strides = array<i32>} : memref<32x56x32xf32, #tpu.memory_space<vmem>>, vector<1x1x16xf32>,
      %get3A_1927 = vector.shape_cast %get3A_1926 : vector<1x1x16xf32> to vector<16xf32>
      %sub3A_1928 = arith.subf %get3A_1927, %get3A_663 : vector<16xf32>
      %get3A_1929 = arith.constant 51 : i32
      %get3A_1930 = arith.index_cast %scan3A_657 : i32 to index
      %get3A_1931 = arith.index_cast %get3A_1929 : i32 to index
      %get3A_1932 = arith.constant 16 : index
      %get3A_1933 = tpu.vector_load %arg10[%get3A_1930, %get3A_1931, %get3A_1932] {strides = array<i32>} : memref<32x56x32xf32, #tpu.memory_space<vmem>>, vector<1x1x16xf32>,
      %get3A_1934 = vector.shape_cast %get3A_1933 : vector<1x1x16xf32> to vector<16xf32>
      %sub3A_1935 = arith.subf %get3A_1934, %get3A_670 : vector<16xf32>
      %mul3A_1936 = arith.mulf %sub3A_1928, %sub3A_1928 : vector<16xf32>
      %mul3A_1937 = vector.broadcast %squeeze3A_1921 : f32 to vector<16xf32>
      %mul3A_1938 = arith.mulf %mul3A_1937, %mul3A_1936 : vector<16xf32>
      %add3A_1939 = arith.addf %add3A_1915, %mul3A_1938 : vector<16xf32>
      %mul3A_1940 = arith.mulf %sub3A_1935, %sub3A_1935 : vector<16xf32>
      %mul3A_1941 = vector.broadcast %squeeze3A_1921 : f32 to vector<16xf32>
      %mul3A_1942 = arith.mulf %mul3A_1941, %mul3A_1940 : vector<16xf32>
      %add3A_1943 = arith.addf %add3A_1919, %mul3A_1942 : vector<16xf32>
      %slice3A_1944 = vector.extract_strided_slice %get3A_1847 {offsets = [4], sizes = [1], strides = [1]} : vector<16xf32> to vector<1xf32>
      %squeeze3A_1945 = vector.extract %slice3A_1944[0] : f32 from vector<1xf32>
      %get3A_1946 = arith.constant 52 : i32
      %get3A_1947 = arith.index_cast %scan3A_657 : i32 to index
      %get3A_1948 = arith.index_cast %get3A_1946 : i32 to index
      %get3A_1949 = arith.constant 0 : index
      %get3A_1950 = tpu.vector_load %arg10[%get3A_1947, %get3A_1948, %get3A_1949] {strides = array<i32>} : memref<32x56x32xf32, #tpu.memory_space<vmem>>, vector<1x1x16xf32>,
      %get3A_1951 = vector.shape_cast %get3A_1950 : vector<1x1x16xf32> to vector<16xf32>
      %sub3A_1952 = arith.subf %get3A_1951, %get3A_663 : vector<16xf32>
      %get3A_1953 = arith.constant 52 : i32
      %get3A_1954 = arith.index_cast %scan3A_657 : i32 to index
      %get3A_1955 = arith.index_cast %get3A_1953 : i32 to index
      %get3A_1956 = arith.constant 16 : index
      %get3A_1957 = tpu.vector_load %arg10[%get3A_1954, %get3A_1955, %get3A_1956] {strides = array<i32>} : memref<32x56x32xf32, #tpu.memory_space<vmem>>, vector<1x1x16xf32>,
      %get3A_1958 = vector.shape_cast %get3A_1957 : vector<1x1x16xf32> to vector<16xf32>
      %sub3A_1959 = arith.subf %get3A_1958, %get3A_670 : vector<16xf32>
      %mul3A_1960 = arith.mulf %sub3A_1952, %sub3A_1952 : vector<16xf32>
      %mul3A_1961 = vector.broadcast %squeeze3A_1945 : f32 to vector<16xf32>
      %mul3A_1962 = arith.mulf %mul3A_1961, %mul3A_1960 : vector<16xf32>
      %add3A_1963 = arith.addf %add3A_1939, %mul3A_1962 : vector<16xf32>
      %mul3A_1964 = arith.mulf %sub3A_1959, %sub3A_1959 : vector<16xf32>
      %mul3A_1965 = vector.broadcast %squeeze3A_1945 : f32 to vector<16xf32>
      %mul3A_1966 = arith.mulf %mul3A_1965, %mul3A_1964 : vector<16xf32>
      %add3A_1967 = arith.addf %add3A_1943, %mul3A_1966 : vector<16xf32>
      %slice3A_1968 = vector.extract_strided_slice %get3A_1847 {offsets = [5], sizes = [1], strides = [1]} : vector<16xf32> to vector<1xf32>
      %squeeze3A_1969 = vector.extract %slice3A_1968[0] : f32 from vector<1xf32>
      %get3A_1970 = arith.constant 53 : i32
      %get3A_1971 = arith.index_cast %scan3A_657 : i32 to index
      %get3A_1972 = arith.index_cast %get3A_1970 : i32 to index
      %get3A_1973 = arith.constant 0 : index
      %get3A_1974 = tpu.vector_load %arg10[%get3A_1971, %get3A_1972, %get3A_1973] {strides = array<i32>} : memref<32x56x32xf32, #tpu.memory_space<vmem>>, vector<1x1x16xf32>,
      %get3A_1975 = vector.shape_cast %get3A_1974 : vector<1x1x16xf32> to vector<16xf32>
      %sub3A_1976 = arith.subf %get3A_1975, %get3A_663 : vector<16xf32>
      %get3A_1977 = arith.constant 53 : i32
      %get3A_1978 = arith.index_cast %scan3A_657 : i32 to index
      %get3A_1979 = arith.index_cast %get3A_1977 : i32 to index
      %get3A_1980 = arith.constant 16 : index
      %get3A_1981 = tpu.vector_load %arg10[%get3A_1978, %get3A_1979, %get3A_1980] {strides = array<i32>} : memref<32x56x32xf32, #tpu.memory_space<vmem>>, vector<1x1x16xf32>,
      %get3A_1982 = vector.shape_cast %get3A_1981 : vector<1x1x16xf32> to vector<16xf32>
      %sub3A_1983 = arith.subf %get3A_1982, %get3A_670 : vector<16xf32>
      %mul3A_1984 = arith.mulf %sub3A_1976, %sub3A_1976 : vector<16xf32>
      %mul3A_1985 = vector.broadcast %squeeze3A_1969 : f32 to vector<16xf32>
      %mul3A_1986 = arith.mulf %mul3A_1985, %mul3A_1984 : vector<16xf32>
      %add3A_1987 = arith.addf %add3A_1963, %mul3A_1986 : vector<16xf32>
      %mul3A_1988 = arith.mulf %sub3A_1983, %sub3A_1983 : vector<16xf32>
      %mul3A_1989 = vector.broadcast %squeeze3A_1969 : f32 to vector<16xf32>
      %mul3A_1990 = arith.mulf %mul3A_1989, %mul3A_1988 : vector<16xf32>
      %add3A_1991 = arith.addf %add3A_1967, %mul3A_1990 : vector<16xf32>
      %slice3A_1992 = vector.extract_strided_slice %get3A_1847 {offsets = [6], sizes = [1], strides = [1]} : vector<16xf32> to vector<1xf32>
      %squeeze3A_1993 = vector.extract %slice3A_1992[0] : f32 from vector<1xf32>
      %get3A_1994 = arith.constant 54 : i32
      %get3A_1995 = arith.index_cast %scan3A_657 : i32 to index
      %get3A_1996 = arith.index_cast %get3A_1994 : i32 to index
      %get3A_1997 = arith.constant 0 : index
      %get3A_1998 = tpu.vector_load %arg10[%get3A_1995, %get3A_1996, %get3A_1997] {strides = array<i32>} : memref<32x56x32xf32, #tpu.memory_space<vmem>>, vector<1x1x16xf32>,
      %get3A_1999 = vector.shape_cast %get3A_1998 : vector<1x1x16xf32> to vector<16xf32>
      %sub3A_2000 = arith.subf %get3A_1999, %get3A_663 : vector<16xf32>
      %get3A_2001 = arith.constant 54 : i32
      %get3A_2002 = arith.index_cast %scan3A_657 : i32 to index
      %get3A_2003 = arith.index_cast %get3A_2001 : i32 to index
      %get3A_2004 = arith.constant 16 : index
      %get3A_2005 = tpu.vector_load %arg10[%get3A_2002, %get3A_2003, %get3A_2004] {strides = array<i32>} : memref<32x56x32xf32, #tpu.memory_space<vmem>>, vector<1x1x16xf32>,
      %get3A_2006 = vector.shape_cast %get3A_2005 : vector<1x1x16xf32> to vector<16xf32>
      %sub3A_2007 = arith.subf %get3A_2006, %get3A_670 : vector<16xf32>
      %mul3A_2008 = arith.mulf %sub3A_2000, %sub3A_2000 : vector<16xf32>
      %mul3A_2009 = vector.broadcast %squeeze3A_1993 : f32 to vector<16xf32>
      %mul3A_2010 = arith.mulf %mul3A_2009, %mul3A_2008 : vector<16xf32>
      %add3A_2011 = arith.addf %add3A_1987, %mul3A_2010 : vector<16xf32>
      %mul3A_2012 = arith.mulf %sub3A_2007, %sub3A_2007 : vector<16xf32>
      %mul3A_2013 = vector.broadcast %squeeze3A_1993 : f32 to vector<16xf32>
      %mul3A_2014 = arith.mulf %mul3A_2013, %mul3A_2012 : vector<16xf32>
      %add3A_2015 = arith.addf %add3A_1991, %mul3A_2014 : vector<16xf32>
      %slice3A_2016 = vector.extract_strided_slice %get3A_1847 {offsets = [7], sizes = [1], strides = [1]} : vector<16xf32> to vector<1xf32>
      %squeeze3A_2017 = vector.extract %slice3A_2016[0] : f32 from vector<1xf32>
      %get3A_2018 = arith.constant 55 : i32
      %get3A_2019 = arith.index_cast %scan3A_657 : i32 to index
      %get3A_2020 = arith.index_cast %get3A_2018 : i32 to index
      %get3A_2021 = arith.constant 0 : index
      %get3A_2022 = tpu.vector_load %arg10[%get3A_2019, %get3A_2020, %get3A_2021] {strides = array<i32>} : memref<32x56x32xf32, #tpu.memory_space<vmem>>, vector<1x1x16xf32>,
      %get3A_2023 = vector.shape_cast %get3A_2022 : vector<1x1x16xf32> to vector<16xf32>
      %sub3A_2024 = arith.subf %get3A_2023, %get3A_663 : vector<16xf32>
      %get3A_2025 = arith.constant 55 : i32
      %get3A_2026 = arith.index_cast %scan3A_657 : i32 to index
      %get3A_2027 = arith.index_cast %get3A_2025 : i32 to index
      %get3A_2028 = arith.constant 16 : index
      %get3A_2029 = tpu.vector_load %arg10[%get3A_2026, %get3A_2027, %get3A_2028] {strides = array<i32>} : memref<32x56x32xf32, #tpu.memory_space<vmem>>, vector<1x1x16xf32>,
      %get3A_2030 = vector.shape_cast %get3A_2029 : vector<1x1x16xf32> to vector<16xf32>
      %sub3A_2031 = arith.subf %get3A_2030, %get3A_670 : vector<16xf32>
      %mul3A_2032 = arith.mulf %sub3A_2024, %sub3A_2024 : vector<16xf32>
      %mul3A_2033 = vector.broadcast %squeeze3A_2017 : f32 to vector<16xf32>
      %mul3A_2034 = arith.mulf %mul3A_2033, %mul3A_2032 : vector<16xf32>
      %add3A_2035 = arith.addf %add3A_2011, %mul3A_2034 : vector<16xf32>
      %mul3A_2036 = arith.mulf %sub3A_2031, %sub3A_2031 : vector<16xf32>
      %mul3A_2037 = vector.broadcast %squeeze3A_2017 : f32 to vector<16xf32>
      %mul3A_2038 = arith.mulf %mul3A_2037, %mul3A_2036 : vector<16xf32>
      %add3A_2039 = arith.addf %add3A_2015, %mul3A_2038 : vector<16xf32>
      scf.yield %add3A_2035, %add3A_2039 : vector<16xf32>, vector<16xf32>
    }
    %scan3A_650 = arith.constant 32 : i32
    %add3A_651 = arith.addf %scan3A_649#0, %scan3A_649#1 : vector<16xf32>
    %swap3A = arith.constant 0 : index
    %swap3A_652 = tpu.vector_load %arg11[%swap3A] {strides = array<i32>} : memref<16xf32, #tpu.memory_space<vmem>>, vector<16xf32>,
    %swap3A_653 = vector.shape_cast %swap3A_652 : vector<16xf32> to vector<16xf32>
    %swap3A_654 = vector.shape_cast %add3A_651 : vector<16xf32> to vector<16xf32>
    tpu.vector_store %arg11[%swap3A], %swap3A_654 {strides = array<i32>} : memref<16xf32, #tpu.memory_space<vmem>>, vector<16xf32>,
    %mul3A_655 = arith.constant 16 : i32
    %mul3A_656 = arith.muli %add3A, %mul3A_655 : i32
    "tpu.region"() ({
      %run_scoped3A = tpu.sem_alloc : memref<!tpu.dma_semaphore, #tpu.memory_space<semaphore_mem>>
      %dma_start3A_657 = tpu.memref_slice %arg6[%mul3A_656] : memref<512xf32, #tpu.memory_space<hbm>> -> memref<16xf32, #tpu.memory_space<hbm>>
      %dma_start3A_658 = tpu.memref_slice %arg6[%mul3A_656] : memref<512xf32, #tpu.memory_space<hbm>> -> memref<16xf32, #tpu.memory_space<hbm>>
      tpu.enqueue_dma source(%arg11 : memref<16xf32, #tpu.memory_space<vmem>>) target(%dma_start3A_658 : memref<16xf32, #tpu.memory_space<hbm>>) target_semaphore(%run_scoped3A : memref<!tpu.dma_semaphore, #tpu.memory_space<semaphore_mem>>)
      %dma_wait3A_659 = tpu.memref_slice %arg6[%mul3A_656] : memref<512xf32, #tpu.memory_space<hbm>> -> memref<16xf32, #tpu.memory_space<hbm>>
      %dma_wait3A_660 = tpu.memref_slice %arg6[%mul3A_656] : memref<512xf32, #tpu.memory_space<hbm>> -> memref<16xf32, #tpu.memory_space<hbm>>
      tpu.wait_dma2 semaphore(%run_scoped3A : memref<!tpu.dma_semaphore, #tpu.memory_space<semaphore_mem>>) src(%arg11 : memref<16xf32, #tpu.memory_space<vmem>>) dst(%dma_wait3A_660 : memref<16xf32, #tpu.memory_space<hbm>>)
      tpu.yield
    }) : () -> ()
    return
  }
}

</mosaic_0001>

<sc_bundles>
// kernel: kernel.3.cloned.1.call-start
scs
__scs_entry_jumppad:
0x0: {  	(pc) =	sbr.rel $0x88, $3  }
0x1: {  	(tag) =	ssettag $0x0;
	lr =	simm.s32 $0x1  }
0x2: {  	[smem:$0x3F9D] =	sst lr;
	_ =	strace $0xD0000000  }
0x3: {  	_ = 	snop  }
0x4: {  	_ = 	snop  }
0x5: {  	_ = 	snop  }
0x6: {  	_ = 	snop  }
0x7: {  	_ = 	snop  }
__scs_overlays_trampoline_lowered:
0x8: {  	[smem:$0x3FAC] =	sst s0  }
0x9: {  	[smem:$0x3FAD] =	sst s1  }
0xa: {  	[smem:$0x3FAE] =	sst s2  }
0xb: {  	[smem:$0x3FAF] =	sst s3  }
0xc: {  	[smem:$0x3FB0] =	sst s4  }
0xd: {  	[smem:$0x3FB1] =	sst s5  }
0xe: {  	[smem:$0x3FB2] =	sst s6  }
0xf: {  	[smem:$0x3FB3] =	sst s7  }
0x10: {  	[smem:$0x3FB4] =	sst s8  }
0x11: {  	[smem:$0x3FB5] =	sst s9;
	s0 =	simm.s32 @!p0 $0x0  }
0x12: {  	s1 =	sld [smem:$0x3F9B];
	s0 =	simm.s32 @p0 $0x1  }
0x13: {  	[smem:$0x3FB6] =	sst s0;
	s0 =	simm.s32 @!p1 $0x0  }
0x14: {  	s2 =	sld [smem:$0x3F9A];
	s0 =	simm.s32 @p1 $0x1  }
0x15: {  	[smem:$0x3FB7] =	sst s0;
	s0 =	simm.s32 @!p2 $0x0  }
0x16: {  	s3 =	sld [smem:$0x3FDB];
	s0 =	simm.s32 @p2 $0x1  }
0x17: {  	s4 =	simm.s32 $0x1BF5;
	[smem:$0x3FB9] =	sst s0  }
0x18: {  	s0 =	sld [smem:$0x3F9C];
	_ =	swait.ge [sflag:s4], $0x0  }
0x19: {  	s7 =	sld [smem:$0x3F9D]  }
0x1a: {  	s8 =	sadd.s32 $0xFFFFE003, lr  }
0x1b: {  	s9 =	sadd.s32 $0xFFFFFEF7, lr;
	s5 =	simm.s32 $0xFFFFFFFF;
	p2 =	slt.u32 s8, $0xFFFFF086  }
0x1c: {  	p1 =	slt.u32 s9, $0xF7A;
	s5 =	simm.s32 @!p2 $0x0  }
0x1d: {  	s5 =	simm.s32 @p1 $0x1;
	p0 =	seq.s32 s7, s2  }
0x1e: {  	s7 =	smul.u32 @!p0 $0xF7A, s2;
	p2 =	seq.s32 @!p0 s5, $0x0  }
0x1f: {  	s9 =	smul.u32 $0xF7A, s1;
	s8 =	simm.s32 @!p0 $0x1BF5;
	p2 =	por !p2, p0  }
0x20: {  	[sflag:s8] =	ssyncset.s32 @!p0 $0xFFFFF086;
	s6 =	sadd.s32 @!p0 s3, s7;
	s7 =	simm.s32 @!p0 $0x108  }
0x21: {  	s3 =	sadd.s32 s3, s9;
	s6 =	sadd.s32 @!p0 $0x88, s6;
	s7 =	simm.s32 @p2 $0x1082  }
0x22: {  	[simem:s7], [sflag:s8] =	dma.local @!p0 [hbm:s6], $0xF7A  }
0x23: {  	s9 =	sor.u32 $0xD0000000, s2;
	s6 =	simm.s32 $0x108;
	_ =	swait.ge @!p0 [sflag:s8], $0x0  }
0x24: {  	s3 =	sadd.s32 $0x88, s3;
	s6 =	simm.s32 @!p1 $0x1082;
	[sflag:s4] =	ssyncset.s32 $0xFFFFF086  }
0x25: {  	[simem:s6], [sflag:s4] =	dma.local [hbm:s3], $0xF7A  }
0x26: {  	[smem:$0x3F9D] =	sst s1;
	(tag) =	ssettag s2;
	_ =	strace s9  }
0x27: {  	s1 =	sld [smem:$0x3FAD]  }
0x28: {  	s2 =	sld [smem:$0x3FAE]  }
0x29: {  	s4 =	sld [smem:$0x3FB0]  }
0x2a: {  	p0 =	seq.s32 s5, $0x0;
	s5 =	sld [smem:$0x3FB1]  }
0x2b: {  	s6 =	sld [smem:$0x3FB2]  }
0x2c: {  	s7 =	sld [smem:$0x3FB3]  }
0x2d: {  	s3 =	simm.s32 $0x108;
	s8 =	sld [smem:$0x3FB4]  }
0x2e: {  	s3 =	simm.s32 @!p0 $0x1082;
	s9 =	sld [smem:$0x3FB5]  }
0x2f: {  	lr =	sadd.s32 s0, s3;
	s0 =	sld [smem:$0x3FAC]  }
0x30: {  	s3 =	sld [smem:$0x3FAF]  }
0x31: {  	[smem:$0x3FB8] =	sst s10  }
0x32: {  	s10 =	sld [smem:$0x3FB6];
	_ =	sdelay $0x3  }
0x33: {  	p0 =	seq.s32 s10, $0x1;
	s10 =	sld [smem:$0x3FB8];
	_ =	sdelay $0x3  }
0x34: {  	[smem:$0x3FB8] =	sst s10  }
0x35: {  	s10 =	sld [smem:$0x3FB7];
	_ =	sdelay $0x3  }
0x36: {  	p1 =	seq.s32 s10, $0x1;
	s10 =	sld [smem:$0x3FB8];
	_ =	sdelay $0x3  }
0x37: {  	[smem:$0x3FB8] =	sst s10  }
0x38: {  	s10 =	sld [smem:$0x3FB9]  }
0x39: {  	_ = 	snop;
	(pc) =	sbr.ind lr, $3  }
0x3a: {  	_ = 	snop  }
0x3b: {  	_ = 	snop  }
0x3c: {  	p2 =	seq.s32 s10, $0x1;
	s10 =	sld [smem:$0x3FB8]  }
0x3d: {  	_ =	shalt  }
0x3e: {  	_ =	shalt  }
0x3f: {  	_ =	shalt  }
0x40: {  	_ =	shalt  }
0x41: {  	_ =	shalt  }
0x42: {  	_ =	shalt  }
0x43: {  	_ =	shalt  }
0x44: {  	_ =	shalt  }
0x45: {  	_ =	shalt  }
0x46: {  	_ =	shalt  }
0x47: {  	_ =	shalt  }
0x48: {  	_ =	shalt  }
0x49: {  	_ =	shalt  }
0x4a: {  	_ =	shalt  }
0x4b: {  	_ =	shalt  }
0x4c: {  	_ =	shalt  }
0x4d: {  	_ =	shalt  }
0x4e: {  	_ =	shalt  }
0x4f: {  	_ =	shalt  }
0x50: {  	_ =	shalt  }
0x51: {  	_ =	shalt  }
0x52: {  	_ =	shalt  }
0x53: {  	_ =	shalt  }
0x54: {  	_ =	shalt  }
0x55: {  	_ =	shalt  }
0x56: {  	_ =	shalt  }
0x57: {  	_ =	shalt  }
0x58: {  	_ =	shalt  }
0x59: {  	_ =	shalt  }
0x5a: {  	_ =	shalt  }
0x5b: {  	_ =	shalt  }
0x5c: {  	_ =	shalt  }
0x5d: {  	_ =	shalt  }
0x5e: {  	_ =	shalt  }
0x5f: {  	_ =	shalt  }
0x60: {  	_ =	shalt  }
0x61: {  	_ =	shalt  }
0x62: {  	_ =	shalt  }
0x63: {  	_ =	shalt  }
0x64: {  	_ =	shalt  }
0x65: {  	_ =	shalt  }
0x66: {  	_ =	shalt  }
0x67: {  	_ =	shalt  }
0x68: {  	_ =	shalt  }
0x69: {  	_ =	shalt  }
0x6a: {  	_ =	shalt  }
0x6b: {  	_ =	shalt  }
0x6c: {  	_ =	shalt  }
0x6d: {  	_ =	shalt  }
0x6e: {  	_ =	shalt  }
0x6f: {  	_ =	shalt  }
0x70: {  	_ =	shalt  }
0x71: {  	_ =	shalt  }
0x72: {  	_ =	shalt  }
0x73: {  	_ =	shalt  }
0x74: {  	_ =	shalt  }
0x75: {  	_ =	shalt  }
0x76: {  	_ =	shalt  }
0x77: {  	_ =	shalt  }
0x78: {  	_ =	shalt  }
0x79: {  	_ =	shalt  }
0x7a: {  	_ =	shalt  }
0x7b: {  	_ =	shalt  }
0x7c: {  	_ =	shalt  }
0x7d: {  	_ =	shalt  }
0x7e: {  	_ =	shalt  }
0x7f: {  	_ =	shalt  }
0x80: {  	_ =	shalt  }
0x81: {  	_ =	shalt  }
0x82: {  	_ =	shalt  }
0x83: {  	_ =	shalt  }
0x84: {  	_ =	shalt  }
0x85: {  	_ =	shalt  }
0x86: {  	_ =	shalt  }
0x87: {  	_ =	shalt  }
.Lfunc_end0:
.L_simem_size_0:
called_computation_lowered:
.L_overlay_start_0:
0x88: {  	s2 =	sld [smem:$0x3FD9]  }
0x89: {  	s3 =	sld [smem:$0x3FFE];
	_ =	sdelay $0x1  }
0x8a: {  	s1 =	srdreg.scid  }
0x8b: {  	s0 =	sand.u32 $0x1, s1  }
0x8c: {  	s16 =	sshll.u32 s0, $0xA;
	s2 =	sadd.s32 s3, s2  }
0x8d: {  	s2 =	sadd.s32 s2, s16  }
0x8e: {  	[smem:$0x3FC4] =	sst s2  }
0x8f: {  	_ = 	snop  }
0x90: {  	(tm) =	ssettm $0x1  }
0x91: {  	s17 =	sld [smem:$0x3FFB];
	_ =	sdelay $0x3  }
0x92: {  	_ =	strace s17  }
0x93: {  	s2 =	sld [smem:$0x3FFC];
	_ =	sdelay $0x3  }
0x94: {  	_ =	strace s2  }
0x95: {  	s2 =	sld [smem:$0x3FFD];
	_ =	sdelay $0x3  }
0x96: {  	_ =	strace s2  }
0x97: {  	_ =	strace $0x8FFFFFFF  }
0x98: {  	s18 =	sld [smem:$0x3FDB];
	_ =	sdelay $0x1  }
0x99: {  	s19 =	simm.s32 $_scs_section_size  }
0x9a: {  	s4 =	simm.s32 $_size__tile_overlayer_lowered;
	s5 =	simm.s32 $_tile_overlayer_lowered  }
0x9b: {  	s22 =	simm.s32 $0x1BFF;
	s21 =	sshll.u32 s5, $0x1;
	s2 =	sadd.s32 s19, s18  }
0x9c: {  	s6 =	simm.s32 $0x0;
	s20 =	sshll.u32 s4, $0x1;
	s4 =	sadd.s32 s21, s2  }
0x9d: {  	[timem:s6], [sflag:s22] =	dma.local [hbm:s4], s20  }
0x9e: {  	_ =	swait.ge [sflag:s22], s20  }
0x9f: {  	s3 =	ssub.s32 $0x0, s20;
	[sflag:s22] =	ssyncset.done $0x0  }
0xa0: {  	[sflag:s22] =	ssyncadd.s32 s3;
	_ =	sdelay $0x1  }
0xa1: {  	s23 =	simm.s32 $0x1B8B  }
0xa2: {  	_ =	swait.ge [sflag:s23], $0x1  }
0xa3: {  	[sflag:s23] =	ssyncset.done $0x0  }
0xa4: {  	s25 =	simm.s32 $0x1B8E;
	s24 =	sld [smem:$0x3FFE];
	[sflag:s23] =	ssyncadd.s32 $0xFFFFFFFF  }
0xa5: {  	s26 =	simm.s32 $execute0_lowered;
	[smem:$0x3FD2] =	sst s25  }
0xa6: {  	s4 =	sshll.u32 s26, $0x1;
	_ =	strace $0x80000046;
	[dreg:$0x1] =	wrdreg $0xFFFFFFFF  }
0xa7: {  	s28 =	simm.s32 $_size_execute0_lowered;
	s2 =	sadd.s32 s2, s4;
	[dreg:$0x0] =	wrdreg $0x0  }
0xa8: {  	s4 =	sshll.u32 s28, $0x1;
	[dreg:$0x2] =	wrdreg s2  }
0xa9: {  	[dreg:$0x3] =	wrdreg s4  }
0xaa: {  	[dreg:$0x4] =	wrdreg $0xC0  }
0xab: {  	_ =	task [dreg:s6], $0x5FFFF  }
0xac: {  	[dreg:$0x1] =	wrdreg $0xFFFFFFFF  }
0xad: {  	[dreg:$0x0] =	wrdreg $0x60  }
0xae: {  	[dreg:$0x2] =	wrdreg s24  }
0xaf: {  	[dreg:$0x3] =	wrdreg $0x9  }
0xb0: {  	_ =	task.clear_ibuf [dreg:s6], $0x4FFFF;
	_ =	strace $0x90000046  }
0xb1: {  	s29 =	simm.s32 $0x9;
	_ =	strace $0x80000048  }
0xb2: {  	_ =	swait.ge [sflag:s29], $0x1  }
0xb3: {  	[sflag:s29] =	ssyncadd.s32 $0xFFFFFFFF  }
0xb4: {  	_ =	strace $0x90000048  }
0xb5: {  	_ =	sfence  }
0xb6: {  	s30 =	sld [smem:$0x0];
	_ =	sdelay $0x2  }
0xb7: {  	s31 =	sshll.u32 s1, $0xD;
	s1 =	sshrl.u32 s1, $0x2  }
0xb8: {  	s3 =	sand.u32 $0x4000, s31;
	s1 =	sadd.s32 s1, s30  }
0xb9: {  	s0 =	sor.u32 s3, s0;
	s1 =	sshll.u32 s1, $0x11  }
0xba: {  	s0 =	sor.u32 s1, s0  }
0xbb: {  	s0 =	sadd.s32 $0x8F2B, s0  }
0xbc: {  	[sflag:s0] =	ssyncadd.remote.s32 $0x1  }
0xbd: {  	_ =	sfence.sel $0xFFFF  }
0xbe: {  	[dreg:$0x0] =	wrdreg $0xFFFFFFFF;
	(pc) =	sbr.abs _section_cstart, $3  }
0xbf: {  	[dreg:$0x1] =	wrdreg $0xFFFFFFFF  }
0xc0: {  	_ =	task.clear_ibuf [dreg:s6], $0x2FFFF;
	_ =	strace $0x9FFFFFFF  }
0xc1: {  	(tm) =	ssettm $0x7FFFFFFF  }
tec
execute0_lowered:
.L_overlay_start_1:
0x0: {  	(tag) =	ssettag $0x1  }
0x1: {  	s0 =	srdreg.scid  }
0x2: {  	s2 =	stileid.u32;
	s1 =	rddreg [dreg:$0x0]  }
0x3: {  	s9 =	simm.s32 $0x2;
	s11 =	simm.s32 $0xC00;
	s12 =	simm.s32 $0x38  }
0x4: {  	s21 =	simm.s32 $0xC200;
	s22 =	simm.s32 $0x11B0;
	s23 =	simm.s32 $0xC900  }
0x5: {  	s24 =	simm.s32 $0x11E8;
	s25 =	simm.s32 $0xD000;
	s26 =	simm.s32 $0x1220  }
0x6: {  	s28 =	simm.s32 $0xD700;
	s29 =	simm.s32 $0x1258;
	s30 =	simm.s32 $0xDE00  }
0x7: {  	s31 =	simm.s32 $0x1290;
	s10 =	simm.s32 $0xEC00;
	s13 =	simm.s32 $0x1  }
0x8: {  	s14 =	simm.s32 $0xF300;
	s0 =	sand.u32 $0x1, s0;
	s3 =	sshll.u32 s2, $0x1  }
0x9: {  	s15 =	simm.s32 $0x0;
	s2 =	simm.s32 $0x0;
	s4 =	sor.u32 s0, s3  }
0xa: {  	[smem:$0x7FF] =	sst s2;
	s0 =	ssub.s32 $0x2, s0;
	s3 =	sshll.u32 s4, $0x7  }
0xb: {  	_ =	strace $0x80000047;
	s6 =	sshll.u32 s4, $0x8;
	s7 =	smul.u32 $0xE0, s4  }
0xc: {  	s4 =	sshll.u32 s4, $0x1;
	s8 =	sshrl.u32 s0, $0x1;
	s5 =	sadd.s32 s3, s1  }
0xd: {  	s3 =	sadd.s32 $0xF42A00, s1;
	s6 =	sadd.s32 s6, s1;
	s0 =	ssub.s32 s0, s8  }
0xe: {  	s7 =	sadd.s32 s7, s1;
	s1 =	sadd.s32 s4, s1;
	s4 =	sadd.s32 $0x4200, s5  }
0xf: {  	s5 =	sadd.s32 $0x600, s6;
	s8 =	smax.u32 s0, $0x1;
	s0 =	simm.s32 $0x12C8  }
0x10: {  	s6 =	sadd.s32 $0x2600, s7;
	s7 =	sadd.s32 $0x5200, s1;
	s1 =	simm.s32 $0xE500  }
.LBB2_1:
0x11: {  	[tilespmem:s2], [sflag:$0x2] =	stream.linear.gather [hbm4b:s4+s2], $0x400, $0x38;
	[tilespmem:$0xF310] =	vst v63  }
0x12: {  	_ =	swait.ge [sflag:s9], $0x400  }
0x13: {  	[sflag:s9] =	ssyncset.done $0x0  }
0x14: {  	s16 =	simm.s32 $0x400;
	[sflag:s9] =	ssyncadd.s32 $0xFFFFFC00  }
0x15: {  	[tilespmem:s16], [sflag:$0x2] =	stream.linear.gather [hbm4b:s5+s2], $0x800, $0x38;
	[tilespmem:$0xF310] =	vst v63  }
0x16: {  	_ =	swait.ge [sflag:s9], $0x800  }
0x17: {  	[sflag:s9] =	ssyncset.done $0x0  }
0x18: {  	[sflag:s9] =	ssyncadd.s32 $0xFFFFF800  }
0x19: {  	[tilespmem:s11], [sflag:$0x2] =	stream.linear.gather [hbm4b:s6+s2], $0x700, $0x38;
	[tilespmem:$0xF310] =	vst v63  }
0x1a: {  	_ =	swait.ge [sflag:s9], $0x700  }
0x1b: {  	[sflag:s9] =	ssyncset.done $0x0  }
0x1c: {  	s19 =	simm.s32 $0x1300;
	[sflag:s9] =	ssyncadd.s32 $0xFFFFF900  }
0x1d: {  	[tilespmem:s19], [sflag:$0x1] =	stream.indirect.gather [hbm4b:s3+s12], $0x20, s11, s12, $0xb8;
	[tilespmem:$0xF310] =	vst v63  }
0x1e: {  	s20 =	simm.s32 $0xC38;
	s17 =	simm.s32 $0x1A00  }
0x1f: {  	[tilespmem:s17], [sflag:$0x1] =	stream.indirect.gather [hbm4b:s3+s12], $0x20, s20, s12, $0xb8;
	[tilespmem:$0xF310] =	vst v63  }
0x20: {  	s18 =	simm.s32 $0x2100;
	s17 =	simm.s32 $0xC70  }
0x21: {  	[tilespmem:s18], [sflag:$0x1] =	stream.indirect.gather [hbm4b:s3+s12], $0x20, s17, s12, $0xb8;
	[tilespmem:$0xF310] =	vst v63  }
0x22: {  	s19 =	simm.s32 $0xCA8;
	s20 =	simm.s32 $0x2800  }
0x23: {  	[tilespmem:s20], [sflag:$0x1] =	stream.indirect.gather [hbm4b:s3+s12], $0x20, s19, s12, $0xb8;
	[tilespmem:$0xF310] =	vst v63  }
0x24: {  	s17 =	simm.s32 $0xCE0;
	s18 =	simm.s32 $0x2F00  }
0x25: {  	[tilespmem:s18], [sflag:$0x1] =	stream.indirect.gather [hbm4b:s3+s12], $0x20, s17, s12, $0xb8;
	[tilespmem:$0xF310] =	vst v63  }
0x26: {  	s19 =	simm.s32 $0xD18;
	s20 =	simm.s32 $0x3600  }
0x27: {  	[tilespmem:s20], [sflag:$0x1] =	stream.indirect.gather [hbm4b:s3+s12], $0x20, s19, s12, $0xb8;
	[tilespmem:$0xF310] =	vst v63  }
0x28: {  	s17 =	simm.s32 $0xD50;
	s18 =	simm.s32 $0x3D00  }
0x29: {  	[tilespmem:s18], [sflag:$0x1] =	stream.indirect.gather [hbm4b:s3+s12], $0x20, s17, s12, $0xb8;
	[tilespmem:$0xF310] =	vst v63  }
0x2a: {  	s19 =	simm.s32 $0xD88;
	s20 =	simm.s32 $0x4400  }
0x2b: {  	[tilespmem:s20], [sflag:$0x1] =	stream.indirect.gather [hbm4b:s3+s12], $0x20, s19, s12, $0xb8;
	[tilespmem:$0xF310] =	vst v63  }
0x2c: {  	s17 =	simm.s32 $0xDC0;
	s18 =	simm.s32 $0x4B00  }
0x2d: {  	[tilespmem:s18], [sflag:$0x1] =	stream.indirect.gather [hbm4b:s3+s12], $0x20, s17, s12, $0xb8;
	[tilespmem:$0xF310] =	vst v63  }
0x2e: {  	s19 =	simm.s32 $0xDF8;
	s20 =	simm.s32 $0x5200  }
0x2f: {  	[tilespmem:s20], [sflag:$0x1] =	stream.indirect.gather [hbm4b:s3+s12], $0x20, s19, s12, $0xb8;
	[tilespmem:$0xF310] =	vst v63  }
0x30: {  	s17 =	simm.s32 $0xE30;
	s18 =	simm.s32 $0x5900  }
0x31: {  	[tilespmem:s18], [sflag:$0x1] =	stream.indirect.gather [hbm4b:s3+s12], $0x20, s17, s12, $0xb8;
	[tilespmem:$0xF310] =	vst v63  }
0x32: {  	s19 =	simm.s32 $0xE68;
	s20 =	simm.s32 $0x6000  }
0x33: {  	[tilespmem:s20], [sflag:$0x1] =	stream.indirect.gather [hbm4b:s3+s12], $0x20, s19, s12, $0xb8;
	[tilespmem:$0xF310] =	vst v63  }
0x34: {  	s17 =	simm.s32 $0xEA0;
	s18 =	simm.s32 $0x6700  }
0x35: {  	[tilespmem:s18], [sflag:$0x1] =	stream.indirect.gather [hbm4b:s3+s12], $0x20, s17, s12, $0xb8;
	[tilespmem:$0xF310] =	vst v63  }
0x36: {  	s19 =	simm.s32 $0xED8;
	s20 =	simm.s32 $0x6E00  }
0x37: {  	[tilespmem:s20], [sflag:$0x1] =	stream.indirect.gather [hbm4b:s3+s12], $0x20, s19, s12, $0xb8;
	[tilespmem:$0xF310] =	vst v63  }
0x38: {  	s17 =	simm.s32 $0xF10;
	s18 =	simm.s32 $0x7500  }
0x39: {  	[tilespmem:s18], [sflag:$0x1] =	stream.indirect.gather [hbm4b:s3+s12], $0x20, s17, s12, $0xb8;
	[tilespmem:$0xF310] =	vst v63  }
0x3a: {  	s19 =	simm.s32 $0xF48;
	s20 =	simm.s32 $0x7C00  }
0x3b: {  	[tilespmem:s20], [sflag:$0x1] =	stream.indirect.gather [hbm4b:s3+s12], $0x20, s19, s12, $0xb8;
	[tilespmem:$0xF310] =	vst v63  }
0x3c: {  	s17 =	simm.s32 $0xF80;
	s18 =	simm.s32 $0x8300  }
0x3d: {  	[tilespmem:s18], [sflag:$0x1] =	stream.indirect.gather [hbm4b:s3+s12], $0x20, s17, s12, $0xb8;
	[tilespmem:$0xF310] =	vst v63  }
0x3e: {  	s19 =	simm.s32 $0xFB8;
	s20 =	simm.s32 $0x8A00  }
0x3f: {  	[tilespmem:s20], [sflag:$0x1] =	stream.indirect.gather [hbm4b:s3+s12], $0x20, s19, s12, $0xb8;
	[tilespmem:$0xF310] =	vst v63  }
0x40: {  	s17 =	simm.s32 $0xFF0;
	s18 =	simm.s32 $0x9100  }
0x41: {  	[tilespmem:s18], [sflag:$0x1] =	stream.indirect.gather [hbm4b:s3+s12], $0x20, s17, s12, $0xb8;
	[tilespmem:$0xF310] =	vst v63  }
0x42: {  	s19 =	simm.s32 $0x1028;
	s20 =	simm.s32 $0x9800  }
0x43: {  	[tilespmem:s20], [sflag:$0x1] =	stream.indirect.gather [hbm4b:s3+s12], $0x20, s19, s12, $0xb8;
	[tilespmem:$0xF310] =	vst v63  }
0x44: {  	s17 =	simm.s32 $0x1060;
	s18 =	simm.s32 $0x9F00  }
0x45: {  	[tilespmem:s18], [sflag:$0x1] =	stream.indirect.gather [hbm4b:s3+s12], $0x20, s17, s12, $0xb8;
	[tilespmem:$0xF310] =	vst v63  }
0x46: {  	s19 =	simm.s32 $0x1098;
	s20 =	simm.s32 $0xA600  }
0x47: {  	[tilespmem:s20], [sflag:$0x1] =	stream.indirect.gather [hbm4b:s3+s12], $0x20, s19, s12, $0xb8;
	[tilespmem:$0xF310] =	vst v63  }
0x48: {  	s17 =	simm.s32 $0x10D0;
	s18 =	simm.s32 $0xAD00  }
0x49: {  	[tilespmem:s18], [sflag:$0x1] =	stream.indirect.gather [hbm4b:s3+s12], $0x20, s17, s12, $0xb8;
	[tilespmem:$0xF310] =	vst v63  }
0x4a: {  	s19 =	simm.s32 $0x1108;
	s20 =	simm.s32 $0xB400  }
0x4b: {  	[tilespmem:s20], [sflag:$0x1] =	stream.indirect.gather [hbm4b:s3+s12], $0x20, s19, s12, $0xb8;
	[tilespmem:$0xF310] =	vst v63  }
0x4c: {  	s18 =	simm.s32 $0x1140;
	s19 =	simm.s32 $0xBB00  }
0x4d: {  	[tilespmem:s19], [sflag:$0x1] =	stream.indirect.gather [hbm4b:s3+s12], $0x20, s18, s12, $0xb8;
	[tilespmem:$0xF310] =	vst v63  }
0x4e: {  	s20 =	simm.s32 $0x1178  }
0x4f: {  	[tilespmem:s21], [sflag:$0x1] =	stream.indirect.gather [hbm4b:s3+s12], $0x20, s20, s12, $0xb8;
	[tilespmem:$0xF310] =	vst v63  }
0x50: {  	_ = 	snop  }
0x51: {  	[tilespmem:s23], [sflag:$0x1] =	stream.indirect.gather [hbm4b:s3+s12], $0x20, s22, s12, $0xb8;
	[tilespmem:$0xF310] =	vst v63  }
0x52: {  	_ = 	snop  }
0x53: {  	[tilespmem:s25], [sflag:$0x1] =	stream.indirect.gather [hbm4b:s3+s12], $0x20, s24, s12, $0xb8;
	[tilespmem:$0xF310] =	vst v63  }
0x54: {  	_ = 	snop  }
0x55: {  	[tilespmem:s28], [sflag:$0x1] =	stream.indirect.gather [hbm4b:s3+s12], $0x20, s26, s12, $0xb8;
	[tilespmem:$0xF310] =	vst v63  }
0x56: {  	_ = 	snop  }
0x57: {  	[tilespmem:s30], [sflag:$0x1] =	stream.indirect.gather [hbm4b:s3+s12], $0x20, s29, s12, $0xb8;
	[tilespmem:$0xF310] =	vst v63  }
0x58: {  	_ = 	snop  }
0x59: {  	[tilespmem:s1], [sflag:$0x1] =	stream.indirect.gather [hbm4b:s3+s12], $0x20, s31, s12, $0xb8;
	[tilespmem:$0xF310] =	vst v63  }
0x5a: {  	_ = 	snop  }
0x5b: {  	[tilespmem:s10], [sflag:$0x1] =	stream.indirect.gather [hbm4b:s3+s12], $0x20, s0, s12, $0xb8;
	[tilespmem:$0xF310] =	vst v63  }
0x5c: {  	_ =	swait.ge [sflag:s13], $0x700  }
0x5d: {  	[sflag:s13] =	ssyncset.done $0x0  }
0x5e: {  	[sflag:s13] =	ssyncadd.s32 $0xFFFFF900  }
0x5f: {  	_ =	swait.ge [sflag:s13], $0x700  }
0x60: {  	[sflag:s13] =	ssyncset.done $0x0  }
0x61: {  	[sflag:s13] =	ssyncadd.s32 $0xFFFFF900  }
0x62: {  	_ =	swait.ge [sflag:s13], $0x700  }
0x63: {  	[sflag:s13] =	ssyncset.done $0x0  }
0x64: {  	[sflag:s13] =	ssyncadd.s32 $0xFFFFF900  }
0x65: {  	_ =	swait.ge [sflag:s13], $0x700  }
0x66: {  	[sflag:s13] =	ssyncset.done $0x0  }
0x67: {  	[sflag:s13] =	ssyncadd.s32 $0xFFFFF900  }
0x68: {  	_ =	swait.ge [sflag:s13], $0x700  }
0x69: {  	[sflag:s13] =	ssyncset.done $0x0  }
0x6a: {  	[sflag:s13] =	ssyncadd.s32 $0xFFFFF900  }
0x6b: {  	_ =	swait.ge [sflag:s13], $0x700  }
0x6c: {  	[sflag:s13] =	ssyncset.done $0x0  }
0x6d: {  	[sflag:s13] =	ssyncadd.s32 $0xFFFFF900  }
0x6e: {  	_ =	swait.ge [sflag:s13], $0x700  }
0x6f: {  	[sflag:s13] =	ssyncset.done $0x0  }
0x70: {  	[sflag:s13] =	ssyncadd.s32 $0xFFFFF900  }
0x71: {  	_ =	swait.ge [sflag:s13], $0x700  }
0x72: {  	[sflag:s13] =	ssyncset.done $0x0  }
0x73: {  	[sflag:s13] =	ssyncadd.s32 $0xFFFFF900  }
0x74: {  	_ =	swait.ge [sflag:s13], $0x700  }
0x75: {  	[sflag:s13] =	ssyncset.done $0x0  }
0x76: {  	[sflag:s13] =	ssyncadd.s32 $0xFFFFF900  }
0x77: {  	_ =	swait.ge [sflag:s13], $0x700  }
0x78: {  	[sflag:s13] =	ssyncset.done $0x0  }
0x79: {  	[sflag:s13] =	ssyncadd.s32 $0xFFFFF900  }
0x7a: {  	_ =	swait.ge [sflag:s13], $0x700  }
0x7b: {  	[sflag:s13] =	ssyncset.done $0x0  }
0x7c: {  	[sflag:s13] =	ssyncadd.s32 $0xFFFFF900  }
0x7d: {  	_ =	swait.ge [sflag:s13], $0x700  }
0x7e: {  	[sflag:s13] =	ssyncset.done $0x0  }
0x7f: {  	[sflag:s13] =	ssyncadd.s32 $0xFFFFF900  }
0x80: {  	_ =	swait.ge [sflag:s13], $0x700  }
0x81: {  	[sflag:s13] =	ssyncset.done $0x0  }
0x82: {  	[sflag:s13] =	ssyncadd.s32 $0xFFFFF900  }
0x83: {  	_ =	swait.ge [sflag:s13], $0x700  }
0x84: {  	[sflag:s13] =	ssyncset.done $0x0  }
0x85: {  	[sflag:s13] =	ssyncadd.s32 $0xFFFFF900  }
0x86: {  	_ =	swait.ge [sflag:s13], $0x700  }
0x87: {  	[sflag:s13] =	ssyncset.done $0x0  }
0x88: {  	[sflag:s13] =	ssyncadd.s32 $0xFFFFF900  }
0x89: {  	_ =	swait.ge [sflag:s13], $0x700  }
0x8a: {  	[sflag:s13] =	ssyncset.done $0x0  }
0x8b: {  	[sflag:s13] =	ssyncadd.s32 $0xFFFFF900  }
0x8c: {  	_ =	swait.ge [sflag:s13], $0x700  }
0x8d: {  	[sflag:s13] =	ssyncset.done $0x0  }
0x8e: {  	[sflag:s13] =	ssyncadd.s32 $0xFFFFF900  }
0x8f: {  	_ =	swait.ge [sflag:s13], $0x700  }
0x90: {  	[sflag:s13] =	ssyncset.done $0x0  }
0x91: {  	[sflag:s13] =	ssyncadd.s32 $0xFFFFF900  }
0x92: {  	_ =	swait.ge [sflag:s13], $0x700  }
0x93: {  	[sflag:s13] =	ssyncset.done $0x0  }
0x94: {  	[sflag:s13] =	ssyncadd.s32 $0xFFFFF900  }
0x95: {  	_ =	swait.ge [sflag:s13], $0x700  }
0x96: {  	[sflag:s13] =	ssyncset.done $0x0  }
0x97: {  	[sflag:s13] =	ssyncadd.s32 $0xFFFFF900  }
0x98: {  	_ =	swait.ge [sflag:s13], $0x700  }
0x99: {  	[sflag:s13] =	ssyncset.done $0x0  }
0x9a: {  	[sflag:s13] =	ssyncadd.s32 $0xFFFFF900  }
0x9b: {  	_ =	swait.ge [sflag:s13], $0x700  }
0x9c: {  	[sflag:s13] =	ssyncset.done $0x0  }
0x9d: {  	[sflag:s13] =	ssyncadd.s32 $0xFFFFF900  }
0x9e: {  	_ =	swait.ge [sflag:s13], $0x700  }
0x9f: {  	[sflag:s13] =	ssyncset.done $0x0  }
0xa0: {  	[sflag:s13] =	ssyncadd.s32 $0xFFFFF900  }
0xa1: {  	_ =	swait.ge [sflag:s13], $0x700  }
0xa2: {  	[sflag:s13] =	ssyncset.done $0x0  }
0xa3: {  	[sflag:s13] =	ssyncadd.s32 $0xFFFFF900  }
0xa4: {  	_ =	swait.ge [sflag:s13], $0x700  }
0xa5: {  	[sflag:s13] =	ssyncset.done $0x0  }
0xa6: {  	[sflag:s13] =	ssyncadd.s32 $0xFFFFF900  }
0xa7: {  	_ =	swait.ge [sflag:s13], $0x700  }
0xa8: {  	[sflag:s13] =	ssyncset.done $0x0  }
0xa9: {  	[sflag:s13] =	ssyncadd.s32 $0xFFFFF900  }
0xaa: {  	_ =	swait.ge [sflag:s13], $0x700  }
0xab: {  	[sflag:s13] =	ssyncset.done $0x0  }
0xac: {  	[sflag:s13] =	ssyncadd.s32 $0xFFFFF900  }
0xad: {  	_ =	swait.ge [sflag:s13], $0x700  }
0xae: {  	[sflag:s13] =	ssyncset.done $0x0  }
0xaf: {  	[sflag:s13] =	ssyncadd.s32 $0xFFFFF900  }
0xb0: {  	_ =	swait.ge [sflag:s13], $0x700  }
0xb1: {  	[sflag:s13] =	ssyncset.done $0x0  }
0xb2: {  	[sflag:s13] =	ssyncadd.s32 $0xFFFFF900  }
0xb3: {  	_ =	swait.ge [sflag:s13], $0x700  }
0xb4: {  	[sflag:s13] =	ssyncset.done $0x0  }
0xb5: {  	[sflag:s13] =	ssyncadd.s32 $0xFFFFF900  }
0xb6: {  	_ =	swait.ge [sflag:s13], $0x700  }
0xb7: {  	[sflag:s13] =	ssyncset.done $0x0  }
0xb8: {  	[sflag:s13] =	ssyncadd.s32 $0xFFFFF900  }
0xb9: {  	_ =	swait.ge [sflag:s13], $0x700  }
0xba: {  	[sflag:s13] =	ssyncset.done $0x0  }
0xbb: {  	s16 =	simm.s32 $0x1680;
	[sflag:s13] =	ssyncadd.s32 $0xFFFFF900  }
0xbc: {  	v0 =	vld [tilespmem:s16+$0x360]  }
0xbd: {  	v1 =	vld [tilespmem:s16+$0x340]  }
0xbe: {  	s18 =	simm.s32 $0x420;
	v2 =	vld [tilespmem:s16+$0x320]  }
0xbf: {  	v6 =	vld [tilespmem:s18+$0x10]  }
0xc0: {  	s20 =	simm.s32 $0x0;
	v3 =	vld [tilespmem:s16+$0x300]  }
0xc1: {  	v23 =	vld [tilespmem:s20+$0x0]  }
0xc2: {  	v4 =	vld [tilespmem:s16+$0x2E0]  }
0xc3: {  	v10 =	vld [tilespmem:s16+$0x240]  }
0xc4: {  	v8 =	vld [tilespmem:s16+$0x280];
	v11 =	vbroadcast v6, $0x7  }
0xc5: {  	v12 =	vbroadcast v6, $0x6  }
0xc6: {  	v31 =	vsub.f32 v0, v23;
	v0 =	vbroadcast v6, $0x4;
	[tilespmem:$0x1FC60] =	vst v11  }
0xc7: {  	v14 =	vsub.f32 v1, v23;
	v1 =	vbroadcast v6, $0x3;
	v18 =	vsub.f32 v4, v23;
	v4 =	vld [tilespmem:s16+$0x1A0];
	[tilespmem:$0x1FC70] =	vst v12  }
0xc8: {  	v3 =	vsub.f32 v3, v23;
	v19 =	vsub.f32 v10, v23;
	v10 =	vld [tilespmem:s18+$0xFFFFFFF0];
	[tilespmem:$0x1FC80] =	vst v0;
	v0 =	vbroadcast v6, $0x5  }
0xc9: {  	v15 =	vsub.f32 v2, v23;
	v2 =	vld [tilespmem:s16+$0x1C0];
	v8 =	vsub.f32 v8, v23;
	[tilespmem:$0x1FCA0] =	vst v1;
	v1 =	vbroadcast v6, $0x1  }
0xca: {  	v11 =	vld [tilespmem:s18+$0x0];
	v3 =	vmul.f32 v3, v3;
	[tilespmem:$0x1FC90] =	vst v0  }
0xcb: {  	v7 =	vld [tilespmem:s16+$0x2A0];
	v8 =	vmul.f32 v8, v8;
	[tilespmem:$0x1FCB0] =	vst v1  }
0xcc: {  	v12 =	vld [tilespmem:s16+$0x220];
	v1 =	vbroadcast v6, $0x2;
	[tilespmem:$0x1FE90] =	vst v3  }
0xcd: {  	v5 =	vld [tilespmem:s16+$0x2C0];
	[tilespmem:$0x1FED0] =	vst v8;
	v16 =	vsub.f32 v4, v23;
	v4 =	vbroadcast v10, $0xE  }
0xce: {  	v9 =	vld [tilespmem:s16+$0x260];
	[tilespmem:$0x1FCC0] =	vst v1;
	v1 =	vbroadcast v6, $0x0  }
0xcf: {  	v0 =	vld [tilespmem:s16+$0x200];
	v26 =	vsub.f32 v2, v23;
	v2 =	vbroadcast v11, $0x0;
	[tilespmem:$0x1FDE0] =	vst v4  }
0xd0: {  	v17 =	vld [tilespmem:s16+$0x140];
	v4 =	vbroadcast v10, $0xF;
	[tilespmem:$0x1FCD0] =	vst v1  }
0xd1: {  	v45 =	vsub.f32 v7, v23;
	v7 =	vld [tilespmem:s16+$0x160];
	v49 =	vsub.f32 v12, v23;
	v12 =	vmul.f32 v14, v14;
	[tilespmem:$0x1FDC0] =	vst v2  }
0xd2: {  	v8 =	vld [tilespmem:s16+$0xFFFFFE80];
	v16 =	vmul.f32 v16, v16;
	[tilespmem:$0x1FDF0] =	vst v4  }
0xd3: {  	v1 =	vsub.f32 v5, v23;
	v5 =	vbroadcast v11, $0xE;
	[tilespmem:$0x1FE70] =	vst v12  }
0xd4: {  	v21 =	vsub.f32 v0, v23;
	v0 =	vbroadcast v11, $0x4;
	[tilespmem:$0x1FF50] =	vst v16  }
0xd5: {  	v48 =	vsub.f32 v9, v23;
	v9 =	vsub.f32 v17, v23;
	v2 =	vbroadcast v11, $0x1;
	[tilespmem:$0x1FCE0] =	vst v5  }
0xd6: {  	v12 =	vmul.f32 v31, v31;
	[tilespmem:$0x1FD80] =	vst v0  }
0xd7: {  	v29 =	vsub.f32 v7, v23;
	v16 =	vsub.f32 v8, v23;
	v8 =	vmul.f32 v9, v9;
	[tilespmem:$0x1FDD0] =	vst v2  }
0xd8: {  	v5 =	vbroadcast v11, $0xF;
	[tilespmem:$0x1FE80] =	vst v12  }
0xd9: {  	v9 =	vmul.f32 v29, v29;
	[tilespmem:$0x1FF60] =	vst v8  }
0xda: {  	v24 =	vld [tilespmem:s18+$0xFFFFFFE0];
	[tilespmem:$0x1FCF0] =	vst v5;
	v5 =	vbroadcast v11, $0xC  }
0xdb: {  	v13 =	vld [tilespmem:s16+$0x1E0];
	v1 =	vmul.f32 v1, v1;
	[tilespmem:$0x1FF70] =	vst v9  }
0xdc: {  	v20 =	vld [tilespmem:s16+$0x120];
	[tilespmem:$0x1FD00] =	vst v5;
	v5 =	vbroadcast v11, $0xD  }
0xdd: {  	v22 =	vld [tilespmem:s16+$0x40];
	v0 =	vbroadcast v11, $0x5;
	[tilespmem:$0x1FEB0] =	vst v1  }
0xde: {  	v34 =	vld [tilespmem:s16+$0x20];
	[tilespmem:$0x1FD10] =	vst v5;
	v5 =	vbroadcast v11, $0xA  }
0xdf: {  	v37 =	vld [tilespmem:s16+$0x0];
	v17 =	vbroadcast v24, $0xF;
	v12 =	vmul.f32 v15, v15;
	[tilespmem:$0x1FD90] =	vst v0  }
0xe0: {  	v41 =	vld [tilespmem:s16+$0xFFFFFFE0];
	v27 =	vbroadcast v24, $0xA;
	[tilespmem:$0x1FD20] =	vst v5;
	v5 =	vbroadcast v11, $0xB  }
0xe1: {  	v44 =	vld [tilespmem:s16+$0xFFFFFFC0];
	v30 =	vbroadcast v24, $0x9;
	[tilespmem:$0x1FEA0] =	vst v12;
	v12 =	vmul.f32 v18, v18  }
0xe2: {  	v47 =	vld [tilespmem:s16+$0xFFFFFFA0];
	v35 =	vbroadcast v24, $0x6;
	[tilespmem:$0x1FD30] =	vst v5;
	v5 =	vbroadcast v11, $0x8  }
0xe3: {  	v54 =	vld [tilespmem:s16+$0xFFFFFF80];
	v55 =	vsub.f32 v34, v23;
	v34 =	vbroadcast v24, $0x7;
	[tilespmem:$0x1FEC0] =	vst v12;
	v12 =	vmul.f32 v45, v45  }
0xe4: {  	v39 =	vbroadcast v24, $0x4;
	v14 =	vld [tilespmem:s16+$0xFFFFFEE0];
	[tilespmem:$0x1FD40] =	vst v5;
	v5 =	vbroadcast v11, $0x9  }
0xe5: {  	v38 =	vbroadcast v24, $0x5;
	v3 =	vld [tilespmem:s16+$0xFFFFFEC0];
	[tilespmem:$0x1FEE0] =	vst v12;
	v12 =	vmul.f32 v19, v19  }
0xe6: {  	v25 =	vsub.f32 v13, v23;
	v43 =	vbroadcast v24, $0x2;
	v6 =	vld [tilespmem:s16+$0x180];
	[tilespmem:$0x1FD50] =	vst v5;
	v5 =	vbroadcast v11, $0x6  }
0xe7: {  	v58 =	vld [tilespmem:s16+$0xFFFFFF60];
	v51 =	vsub.f32 v22, v23;
	v22 =	vbroadcast v24, $0x3;
	v19 =	vmul.f32 v49, v49;
	[tilespmem:$0x1FEF0] =	vst v12  }
0xe8: {  	v37 =	vsub.f32 v37, v23;
	v46 =	vbroadcast v24, $0x0;
	v0 =	vld [tilespmem:s16+$0x100];
	[tilespmem:$0x1FD60] =	vst v5;
	v5 =	vbroadcast v11, $0x7  }
0xe9: {  	v62 =	vld [tilespmem:s16+$0xFFFFFF20];
	v53 =	vbroadcast v10, $0x6;
	v12 =	vsub.f32 v14, v23;
	v14 =	vmul.f32 v21, v21;
	[tilespmem:$0x1FF10] =	vst v19  }
0xea: {  	v13 =	vld [tilespmem:s16+$0xE0];
	v41 =	vsub.f32 v41, v23;
	v57 =	vbroadcast v10, $0x4;
	[tilespmem:$0x1FD70] =	vst v5;
	v5 =	vbroadcast v11, $0x2  }
0xeb: {  	v28 =	vsub.f32 v6, v23;
	v6 =	vld [tilespmem:s16+$0x80];
	v21 =	vsub.f32 v3, v23;
	v3 =	vmul.f32 v26, v26;
	[tilespmem:$0x1FF00] =	vst v14  }
0xec: {  	v44 =	vsub.f32 v44, v23;
	v56 =	vbroadcast v10, $0x5;
	v1 =	vld [tilespmem:s16+$0xFFFFFEA0];
	[tilespmem:$0x1FDA0] =	vst v5;
	v5 =	vbroadcast v11, $0x3  }
0xed: {  	v7 =	vld [tilespmem:s16+$0x60];
	v61 =	vbroadcast v10, $0x2;
	v32 =	vsub.f32 v0, v23;
	v19 =	vmul.f32 v25, v25;
	[tilespmem:$0x1FF20] =	vst v3  }
0xee: {  	v54 =	vsub.f32 v54, v23;
	v60 =	vbroadcast v10, $0x3;
	v3 =	vld [tilespmem:s16+$0xFFFFFE20];
	[tilespmem:$0x1FDB0] =	vst v5;
	v5 =	vbroadcast v10, $0xC  }
0xef: {  	v63 =	vld [tilespmem:s16+$0xFFFFFF00];
	v33 =	vsub.f32 v13, v23;
	v13 =	vbroadcast v10, $0x1;
	v9 =	vmul.f32 v32, v32;
	[tilespmem:$0x1FF30] =	vst v19  }
0xf0: {  	v4 =	vld [tilespmem:s16+$0xA0];
	v31 =	vsub.f32 v62, v23;
	v42 =	vsub.f32 v6, v23;
	[tilespmem:$0x1FE00] =	vst v5;
	v5 =	vbroadcast v10, $0xD  }
0xf1: {  	v2 =	vld [tilespmem:s16+$0xC0];
	[tilespmem:$0x1FF80] =	vst v9;
	v11 =	vsub.f32 v20, v23;
	v20 =	vsub.f32 v1, v23;
	v1 =	vmul.f32 v28, v28  }
0xf2: {  	v59 =	vld [tilespmem:s16+$0xFFFFFF40];
	v50 =	vsub.f32 v7, v23;
	v7 =	vbroadcast v24, $0xB;
	[tilespmem:$0x1FE10] =	vst v5;
	v5 =	vbroadcast v10, $0xA  }
0xf3: {  	v62 =	vld [tilespmem:s16+$0xFFFFFD20];
	v31 =	vmul.f32 v31, v31;
	v28 =	vsub.f32 v3, v23;
	v3 =	vmul.f32 v42, v42;
	[tilespmem:$0x1FF40] =	vst v1  }
0xf4: {  	v15 =	vld [tilespmem:s16+$0xFFFFFE60];
	v18 =	vsub.f32 v63, v23;
	v63 =	vmul.f32 v48, v48;
	[tilespmem:$0x1FE20] =	vst v5;
	v5 =	vbroadcast v10, $0xB  }
0xf5: {  	v8 =	vld [tilespmem:s16+$0xFFFFFDE0];
	v40 =	vsub.f32 v4, v23;
	v4 =	vbroadcast v24, $0xD;
	v11 =	vmul.f32 v11, v11;
	[tilespmem:$0x1FFC0] =	vst v3  }
0xf6: {  	v36 =	vsub.f32 v2, v23;
	v2 =	vbroadcast v24, $0xE;
	v1 =	vld [tilespmem:s16+$0xFFFFFE00];
	[tilespmem:$0x1FE30] =	vst v5;
	v5 =	vbroadcast v10, $0x8  }
0xf7: {  	v58 =	vsub.f32 v58, v23;
	v6 =	vbroadcast v24, $0xC;
	v14 =	vld [tilespmem:s16+$0xFFFFFE40];
	v3 =	vmul.f32 v40, v40;
	[tilespmem:$0x1FF90] =	vst v11  }
0xf8: {  	v59 =	vsub.f32 v59, v23;
	v0 =	vbroadcast v10, $0x0;
	v9 =	vld [tilespmem:s16+$0xFFFFFDC0];
	[tilespmem:$0x1FE40] =	vst v5;
	v5 =	vbroadcast v10, $0x9  }
0xf9: {  	v26 =	vsub.f32 v15, v23;
	v15 =	vmul.f32 v55, v55;
	v42 =	vld [tilespmem:s16+$0xFFFFFD40];
	v11 =	vmul.f32 v36, v36;
	[tilespmem:$0x1FFD0] =	vst v3  }
0xfa: {  	v25 =	vmul.f32 v54, v54;
	v55 =	vsub.f32 v62, v23;
	v36 =	vld [tilespmem:s16+$0xFFFFFD60];
	[tilespmem:$0x1FE50] =	vst v5;
	v5 =	vbroadcast v10, $0x7  }
0xfb: {  	v19 =	vmul.f32 v41, v41;
	[tilespmem:$0x1FFA0] =	vst v11;
	v11 =	vld [tilespmem:s16+$0xFFFFFDA0];
	v29 =	vsub.f32 v1, v23;
	v1 =	vmul.f32 v51, v51  }
0xfc: {  	[tilespmem:$0x1FE60] =	vst v5;
	v5 =	vsub.f32 v47, v23;
	v47 =	vsub.f32 v14, v23;
	v14 =	vmul.f32 v33, v33  }
0xfd: {  	v41 =	vld [tilespmem:s16+$0xFFFFFCA0];
	v12 =	vmul.f32 v12, v12;
	v32 =	vsub.f32 v9, v23;
	v9 =	vmul.f32 v59, v59;
	[tilespmem:$0x1FFE0] =	vst v1  }
0xfe: {  	v3 =	vmul.f32 v44, v44;
	v1 =	vmul.f32 v50, v50;
	v50 =	vsub.f32 v8, v23;
	[tilespmem:$0x1FFB0] =	vst v14;
	v14 =	vld [tilespmem:s16+$0xFFFFFD80]  }
0xff: {  	v59 =	vld [tilespmem:s16+$0xFFFFFC80];
	v8 =	vmul.f32 v58, v58;
	v54 =	vsub.f32 v36, v23;
	v36 =	vsub.f32 v42, v23  }
0x100: {  	v40 =	vld [tilespmem:s16+$0xFFFFFCE0];
	[tilespmem:$0x1FFF0] =	vst v1;
	v1 =	vmul.f32 v37, v37;
	v51 =	vsub.f32 v11, v23;
	v11 =	vmul.f32 v18, v18  }
0x101: {  	v44 =	vld [tilespmem:s16+$0xFFFFFC90];
	v42 =	vimm.f32 $0.0e+00;
	v18 =	vmul.f32 v16, v16;
	v16 =	vmul.f32 v20, v20  }
0x102: {  	v58 =	vld [tilespmem:s16+$0xFFFFFCC0];
	v20 =	vimm.f32 $0.0e+00;
	v10 =	vbroadcast v24, $0x8;
	v24 =	vbroadcast v24, $0x1  }
0x103: {  	s17 =	simm.s32 $0x1680;
	s19 =	simm.s32 $0x80;
	v37 =	vld [tilespmem:s16+$0xFFFFFD00];
	v5 =	vmul.f32 v5, v5;
	v33 =	vsub.f32 v14, v23;
	v14 =	vmul.f32 v21, v21  }
.LBB2_2:
0x104: {  	_ = 	snop  }
0x105: {  	v28 =	vmul.f32 v28, v28  }
0x106: {  	v21 =	vld [tilespmem:s20+$0x10];
	v47 =	vmul.f32 v47, v47;
	v26 =	vmul.f32 v26, v26  }
0x107: {  	v29 =	vmul.f32 v29, v29;
	v32 =	vmul.f32 v32, v32  }
0x108: {  	v45 =	vld [tilespmem:s16+$0xFFFFFCB0];
	v50 =	vmul.f32 v50, v50;
	v33 =	vmul.f32 v33, v33;
	v37 =	vsub.f32 v37, v23  }
0x109: {  	v62 =	vld [tilespmem:s16+$0xFFFFFCD0];
	v51 =	vmul.f32 v51, v51;
	v40 =	vsub.f32 v40, v23;
	v58 =	vsub.f32 v58, v23  }
0x10a: {  	v52 =	vld [tilespmem:s16+$0xFFFFFD10];
	v36 =	vmul.f32 v36, v36;
	v41 =	vsub.f32 v41, v23;
	v23 =	vsub.f32 v59, v23  }
0x10b: {  	v54 =	vmul.f32 v54, v54;
	v55 =	vmul.f32 v55, v55;
	v44 =	vsub.f32 v44, v21  }
0x10c: {  	v59 =	vld [tilespmem:s16+$0xFFFFFCF0];
	v37 =	vmul.f32 v37, v37;
	v23 =	vmul.f32 v23, v23  }
0x10d: {  	v45 =	vsub.f32 v45, v21;
	v58 =	vmul.f32 v58, v58;
	v44 =	vmul.f32 v44, v44  }
0x10e: {  	v62 =	vsub.f32 v62, v21;
	v41 =	vmul.f32 v41, v41;
	v23 =	vmul.f32 v23, v46  }
0x10f: {  	v52 =	vsub.f32 v52, v21;
	v45 =	vmul.f32 v45, v45;
	v44 =	vmul.f32 v44, v46  }
0x110: {  	v62 =	vmul.f32 v62, v62;
	v41 =	vmul.f32 v41, v24;
	v46 =	vld [tilespmem:s16+$0xFFFFFD30];
	v23 =	vadd.f32 v23, v42  }
0x111: {  	v59 =	vsub.f32 v59, v21;
	v24 =	vmul.f32 v45, v24;
	v42 =	vld [tilespmem:s16+$0xFFFFFD50];
	v20 =	vadd.f32 v44, v20  }
0x112: {  	v40 =	vmul.f32 v40, v40;
	v44 =	vmul.f32 v58, v43;
	v23 =	vadd.f32 v41, v23  }
0x113: {  	v49 =	vmul.f32 v59, v59;
	v59 =	vld [tilespmem:s16+$0xFFFFFD70];
	v20 =	vadd.f32 v24, v20;
	v24 =	vmul.f32 v62, v43  }
0x114: {  	v40 =	vmul.f32 v40, v22;
	v62 =	vmul.f32 v52, v52;
	v23 =	vadd.f32 v44, v23  }
0x115: {  	v22 =	vmul.f32 v49, v22;
	v46 =	vsub.f32 v46, v21;
	v20 =	vadd.f32 v24, v20  }
0x116: {  	v37 =	vmul.f32 v37, v39;
	v24 =	vld [tilespmem:s16+$0xFFFFFD90];
	v42 =	vsub.f32 v42, v21;
	v23 =	vadd.f32 v40, v23  }
0x117: {  	v48 =	vmovc v63;
	v45 =	vld [tilespmem:s16+$0xFFFFFDB0];
	v63 =	vmul.f32 v46, v46;
	v20 =	vadd.f32 v22, v20;
	v22 =	vmul.f32 v62, v39  }
0x118: {  	v46 =	vmul.f32 v55, v38;
	v41 =	vsub.f32 v59, v21;
	v23 =	vadd.f32 v37, v23  }
0x119: {  	v49 =	vld [tilespmem:s16+$0xFFFFFDD0];
	v42 =	vmul.f32 v42, v42;
	v20 =	vadd.f32 v22, v20;
	v22 =	vmul.f32 v63, v38  }
0x11a: {  	v36 =	vmul.f32 v36, v35;
	v52 =	vmul.f32 v41, v41;
	v23 =	vadd.f32 v46, v23  }
0x11b: {  	v24 =	vsub.f32 v24, v21;
	v20 =	vadd.f32 v22, v20;
	v22 =	vmul.f32 v42, v35  }
0x11c: {  	v58 =	vmul.f32 v54, v34;
	v55 =	vld [tilespmem:s16+$0xFFFFFDF0];
	v39 =	vsub.f32 v45, v21;
	v23 =	vadd.f32 v36, v23  }
0x11d: {  	v59 =	vld [tilespmem:s16+$0xFFFFFE10];
	v24 =	vmul.f32 v24, v24;
	v20 =	vadd.f32 v22, v20;
	v22 =	vmul.f32 v52, v34  }
0x11e: {  	v33 =	vmul.f32 v33, v10;
	v37 =	vsub.f32 v49, v21;
	v23 =	vadd.f32 v58, v23  }
0x11f: {  	v62 =	vmul.f32 v39, v39;
	v10 =	vmul.f32 v24, v10;
	v20 =	vadd.f32 v22, v20  }
0x120: {  	v37 =	vmul.f32 v37, v37;
	v24 =	vmul.f32 v51, v30;
	v22 =	vld [tilespmem:s16+$0xFFFFFE30];
	v23 =	vadd.f32 v33, v23  }
0x121: {  	v35 =	vsub.f32 v55, v21;
	v10 =	vadd.f32 v10, v20;
	v20 =	vmul.f32 v62, v30  }
0x122: {  	v32 =	vmul.f32 v32, v27;
	v34 =	vsub.f32 v59, v21;
	v30 =	vld [tilespmem:s16+$0xFFFFFE50];
	v23 =	vadd.f32 v24, v23  }
0x123: {  	v63 =	vmul.f32 v35, v35;
	v24 =	vld [tilespmem:s16+$0xFFFFFE70];
	v10 =	vadd.f32 v20, v10;
	v20 =	vmul.f32 v37, v27  }
0x124: {  	v34 =	vmul.f32 v34, v34;
	v27 =	vmul.f32 v50, v7;
	v23 =	vadd.f32 v32, v23  }
0x125: {  	v7 =	vmul.f32 v63, v7;
	v22 =	vsub.f32 v22, v21;
	v10 =	vadd.f32 v20, v10;
	v20 =	vld [tilespmem:s16+$0xFFFFFE90]  }
0x126: {  	v29 =	vmul.f32 v29, v6;
	v6 =	vmul.f32 v34, v6;
	v23 =	vadd.f32 v27, v23  }
0x127: {  	v22 =	vmul.f32 v22, v22;
	v30 =	vsub.f32 v30, v21;
	v7 =	vadd.f32 v7, v10  }
0x128: {  	v27 =	vmul.f32 v28, v4;
	v10 =	vld [tilespmem:s16+$0xFFFFFEB0];
	v24 =	vsub.f32 v24, v21;
	v23 =	vadd.f32 v29, v23  }
0x129: {  	v28 =	vmul.f32 v30, v30;
	v4 =	vmul.f32 v22, v4;
	v6 =	vadd.f32 v6, v7;
	v7 =	vld [tilespmem:s16+$0xFFFFFED0]  }
0x12a: {  	v22 =	vmul.f32 v47, v2;
	v20 =	vsub.f32 v20, v21;
	v23 =	vadd.f32 v27, v23  }
0x12b: {  	v24 =	vmul.f32 v24, v24;
	v2 =	vmul.f32 v28, v2;
	v4 =	vadd.f32 v4, v6  }
0x12c: {  	v26 =	vmul.f32 v26, v17;
	v6 =	vld [tilespmem:s16+$0xFFFFFEF0];
	v20 =	vmul.f32 v20, v20;
	v22 =	vadd.f32 v22, v23  }
0x12d: {  	v10 =	vsub.f32 v10, v21;
	v2 =	vadd.f32 v2, v4;
	v4 =	vmul.f32 v24, v17  }
0x12e: {  	v18 =	vmul.f32 v18, v0;
	v7 =	vsub.f32 v7, v21;
	v22 =	vadd.f32 v26, v22  }
0x12f: {  	v17 =	vld [tilespmem:s16+$0xFFFFFF10];
	v10 =	vmul.f32 v10, v10;
	v0 =	vmul.f32 v20, v0;
	v2 =	vadd.f32 v4, v2  }
0x130: {  	v16 =	vmul.f32 v16, v13;
	v7 =	vmul.f32 v7, v7;
	v18 =	vadd.f32 v18, v22  }
0x131: {  	v4 =	vld [tilespmem:s16+$0xFFFFFF30];
	v6 =	vsub.f32 v6, v21;
	v0 =	vadd.f32 v0, v2;
	v2 =	vmul.f32 v10, v13  }
0x132: {  	v10 =	vld [tilespmem:s16+$0xFFFFFF50];
	v13 =	vmul.f32 v14, v61;
	v16 =	vadd.f32 v16, v18  }
0x133: {  	v6 =	vmul.f32 v6, v6;
	v0 =	vadd.f32 v2, v0;
	v2 =	vmul.f32 v7, v61  }
0x134: {  	v12 =	vmul.f32 v12, v60;
	v14 =	vsub.f32 v17, v21;
	v13 =	vadd.f32 v13, v16  }
0x135: {  	v11 =	vmul.f32 v11, v57;
	v7 =	vld [tilespmem:s16+$0xFFFFFF70];
	v0 =	vadd.f32 v2, v0;
	v2 =	vmul.f32 v6, v60  }
0x136: {  	v14 =	vmul.f32 v14, v14;
	v4 =	vsub.f32 v4, v21;
	v12 =	vadd.f32 v12, v13;
	v13 =	vld [tilespmem:s16+$0xFFFFFFB0]  }
0x137: {  	v6 =	vld [tilespmem:s16+$0xFFFFFF90];
	v10 =	vsub.f32 v10, v21;
	v0 =	vadd.f32 v2, v0  }
0x138: {  	v2 =	vmul.f32 v14, v57;
	v14 =	vmul.f32 v31, v56;
	v11 =	vadd.f32 v11, v12  }
0x139: {  	v4 =	vmul.f32 v4, v4  }
0x13a: {  	v10 =	vmul.f32 v10, v10;
	v7 =	vsub.f32 v7, v21;
	v11 =	vadd.f32 v14, v11;
	v14 =	vld [tilespmem:$0x1FE60]  }
0x13b: {  	v0 =	vadd.f32 v2, v0;
	v2 =	vmul.f32 v4, v56;
	v12 =	vsub.f32 v13, v21;
	v13 =	vld [tilespmem:$0x1FE40]  }
0x13c: {  	v9 =	vmul.f32 v9, v53;
	v6 =	vsub.f32 v6, v21  }
0x13d: {  	v7 =	vmul.f32 v7, v7;
	v0 =	vadd.f32 v2, v0;
	v2 =	vmul.f32 v10, v53  }
0x13e: {  	v6 =	vmul.f32 v6, v6;
	v9 =	vadd.f32 v9, v11  }
0x13f: {  	v4 =	vld [tilespmem:s16+$0xFFFFFFD0];
	v0 =	vadd.f32 v2, v0;
	v8 =	vmul.f32 v8, v14;
	v2 =	vmul.f32 v7, v14  }
0x140: {  	v11 =	vmul.f32 v25, v13  }
0x141: {  	v8 =	vadd.f32 v8, v9;
	v0 =	vadd.f32 v2, v0;
	v2 =	vmul.f32 v6, v13;
	v13 =	vld [tilespmem:$0x1FE50];
	_ =	sdelay $0x1  }
0x142: {  	v8 =	vadd.f32 v11, v8;
	v11 =	vld [tilespmem:$0x1FE20]  }
0x143: {  	v10 =	vld [tilespmem:s16+$0xFFFFFFF0];
	v12 =	vmul.f32 v12, v12;
	v4 =	vsub.f32 v4, v21;
	_ =	sdelay $0x1  }
0x144: {  	v4 =	vmul.f32 v4, v4;
	v0 =	vadd.f32 v2, v0;
	v2 =	vmul.f32 v12, v13;
	_ =	sdelay $0x1  }
0x145: {  	v3 =	vmul.f32 v3, v11;
	v0 =	vadd.f32 v2, v0;
	v2 =	vmul.f32 v4, v11;
	v11 =	vld [tilespmem:$0x1FE30]  }
0x146: {  	v7 =	vld [tilespmem:s16+$0x10];
	v9 =	vsub.f32 v10, v21  }
0x147: {  	v10 =	vld [tilespmem:s16+$0x50];
	v5 =	vmul.f32 v5, v13  }
0x148: {  	v6 =	vld [tilespmem:s16+$0x30];
	v9 =	vmul.f32 v9, v9  }
0x149: {  	v5 =	vadd.f32 v5, v8  }
0x14a: {  	v0 =	vadd.f32 v2, v0;
	v8 =	vmul.f32 v19, v11;
	v2 =	vmul.f32 v9, v11;
	v11 =	vld [tilespmem:$0x1FE00]  }
0x14b: {  	v7 =	vsub.f32 v7, v21  }
0x14c: {  	v9 =	vsub.f32 v10, v21;
	v10 =	vld [tilespmem:$0x1FE10]  }
0x14d: {  	v7 =	vmul.f32 v7, v7;
	v6 =	vsub.f32 v6, v21  }
0x14e: {  	v3 =	vadd.f32 v3, v5  }
0x14f: {  	v6 =	vmul.f32 v6, v6;
	v0 =	vadd.f32 v2, v0;
	v2 =	vmul.f32 v7, v11  }
0x150: {  	v3 =	vadd.f32 v8, v3  }
0x151: {  	v8 =	vmul.f32 v15, v10;
	v0 =	vadd.f32 v2, v0;
	v2 =	vmul.f32 v6, v10;
	v10 =	vld [tilespmem:$0x1FDE0]  }
0x152: {  	v6 =	vld [tilespmem:$0x1FFE0];
	_ =	sdelay $0x1  }
0x153: {  	v4 =	vld [tilespmem:s16+$0x70]  }
0x154: {  	v9 =	vmul.f32 v9, v9  }
0x155: {  	v1 =	vmul.f32 v1, v11  }
0x156: {  	v0 =	vadd.f32 v2, v0;
	v6 =	vmul.f32 v6, v10;
	v2 =	vmul.f32 v9, v10;
	v10 =	vld [tilespmem:$0x1FDF0]  }
0x157: {  	v1 =	vadd.f32 v1, v3;
	v9 =	vld [tilespmem:$0x1FFF0]  }
0x158: {  	v5 =	vld [tilespmem:s16+$0x90];
	v4 =	vsub.f32 v4, v21  }
0x159: {  	v1 =	vadd.f32 v8, v1  }
0x15a: {  	v4 =	vmul.f32 v4, v4  }
0x15b: {  	v1 =	vadd.f32 v6, v1;
	v6 =	vld [tilespmem:$0x1FFC0]  }
0x15c: {  	v0 =	vadd.f32 v2, v0;
	v9 =	vmul.f32 v9, v10;
	v2 =	vmul.f32 v4, v10;
	v10 =	vld [tilespmem:$0x1FDC0]  }
0x15d: {  	v5 =	vsub.f32 v5, v21;
	v7 =	vld [tilespmem:s16+$0xB0];
	_ =	sdelay $0x1  }
0x15e: {  	v5 =	vmul.f32 v5, v5  }
0x15f: {  	v1 =	vadd.f32 v9, v1;
	v9 =	vld [tilespmem:$0x1FFD0]  }
0x160: {  	v0 =	vadd.f32 v2, v0;
	v6 =	vmul.f32 v6, v10;
	v2 =	vmul.f32 v5, v10;
	v10 =	vld [tilespmem:$0x1FDD0]  }
0x161: {  	v7 =	vsub.f32 v7, v21  }
0x162: {  	v3 =	vld [tilespmem:s16+$0xD0]  }
0x163: {  	v7 =	vmul.f32 v7, v7;
	_ =	sdelay $0x1  }
0x164: {  	v0 =	vadd.f32 v2, v0;
	v9 =	vmul.f32 v9, v10;
	v2 =	vmul.f32 v7, v10;
	v10 =	vld [tilespmem:$0x1FDA0]  }
0x165: {  	v7 =	vld [tilespmem:$0x1FFA0]  }
0x166: {  	v8 =	vld [tilespmem:s16+$0xF0];
	v3 =	vsub.f32 v3, v21  }
0x167: {  	v1 =	vadd.f32 v6, v1  }
0x168: {  	v3 =	vmul.f32 v3, v3  }
0x169: {  	v1 =	vadd.f32 v9, v1;
	v9 =	vld [tilespmem:$0x1FFB0]  }
0x16a: {  	v0 =	vadd.f32 v2, v0;
	v7 =	vmul.f32 v7, v10;
	v2 =	vmul.f32 v3, v10;
	v10 =	vld [tilespmem:$0x1FDB0]  }
0x16b: {  	v8 =	vsub.f32 v8, v21  }
0x16c: {  	v4 =	vld [tilespmem:s16+$0x110]  }
0x16d: {  	v8 =	vmul.f32 v8, v8;
	_ =	sdelay $0x1  }
0x16e: {  	v0 =	vadd.f32 v2, v0;
	v9 =	vmul.f32 v9, v10;
	v2 =	vmul.f32 v8, v10;
	v10 =	vld [tilespmem:$0x1FD80]  }
0x16f: {  	v8 =	vld [tilespmem:$0x1FF80]  }
0x170: {  	v5 =	vld [tilespmem:s16+$0x130];
	v4 =	vsub.f32 v4, v21  }
0x171: {  	v1 =	vadd.f32 v7, v1  }
0x172: {  	v4 =	vmul.f32 v4, v4  }
0x173: {  	v1 =	vadd.f32 v9, v1;
	v9 =	vld [tilespmem:$0x1FF90]  }
0x174: {  	v0 =	vadd.f32 v2, v0;
	v8 =	vmul.f32 v8, v10;
	v2 =	vmul.f32 v4, v10;
	v10 =	vld [tilespmem:$0x1FD90]  }
0x175: {  	v6 =	vld [tilespmem:s16+$0x150];
	v5 =	vsub.f32 v5, v21;
	_ =	sdelay $0x1  }
0x176: {  	v5 =	vmul.f32 v5, v5  }
0x177: {  	v1 =	vadd.f32 v8, v1;
	v8 =	vld [tilespmem:$0x1FF60]  }
0x178: {  	v0 =	vadd.f32 v2, v0;
	v9 =	vmul.f32 v9, v10;
	v2 =	vmul.f32 v5, v10;
	v10 =	vld [tilespmem:$0x1FD60]  }
0x179: {  	v6 =	vsub.f32 v6, v21;
	v3 =	vld [tilespmem:s16+$0x170];
	_ =	sdelay $0x1  }
0x17a: {  	v6 =	vmul.f32 v6, v6  }
0x17b: {  	v1 =	vadd.f32 v9, v1;
	v9 =	vld [tilespmem:$0x1FF70]  }
0x17c: {  	v0 =	vadd.f32 v2, v0;
	v8 =	vmul.f32 v8, v10;
	v2 =	vmul.f32 v6, v10;
	v10 =	vld [tilespmem:$0x1FD70]  }
0x17d: {  	v7 =	vld [tilespmem:s16+$0x190];
	v3 =	vsub.f32 v3, v21;
	_ =	sdelay $0x1  }
0x17e: {  	v3 =	vmul.f32 v3, v3  }
0x17f: {  	v1 =	vadd.f32 v8, v1;
	v8 =	vld [tilespmem:$0x1FF40]  }
0x180: {  	v0 =	vadd.f32 v2, v0;
	v9 =	vmul.f32 v9, v10;
	v2 =	vmul.f32 v3, v10;
	v10 =	vld [tilespmem:$0x1FD40]  }
0x181: {  	v7 =	vsub.f32 v7, v21;
	v4 =	vld [tilespmem:s16+$0x1B0];
	_ =	sdelay $0x1  }
0x182: {  	v7 =	vmul.f32 v7, v7  }
0x183: {  	v1 =	vadd.f32 v9, v1;
	v9 =	vld [tilespmem:$0x1FF50]  }
0x184: {  	v0 =	vadd.f32 v2, v0;
	v8 =	vmul.f32 v8, v10;
	v2 =	vmul.f32 v7, v10;
	v10 =	vld [tilespmem:$0x1FD50]  }
0x185: {  	v5 =	vld [tilespmem:s16+$0x1D0];
	v4 =	vsub.f32 v4, v21;
	_ =	sdelay $0x1  }
0x186: {  	v4 =	vmul.f32 v4, v4  }
0x187: {  	v1 =	vadd.f32 v8, v1;
	v8 =	vld [tilespmem:$0x1FF20]  }
0x188: {  	v0 =	vadd.f32 v2, v0;
	v9 =	vmul.f32 v9, v10;
	v2 =	vmul.f32 v4, v10;
	v10 =	vld [tilespmem:$0x1FD20]  }
0x189: {  	v6 =	vld [tilespmem:s16+$0x1F0];
	v5 =	vsub.f32 v5, v21;
	_ =	sdelay $0x1  }
0x18a: {  	v5 =	vmul.f32 v5, v5  }
0x18b: {  	v1 =	vadd.f32 v9, v1;
	v9 =	vld [tilespmem:$0x1FF30]  }
0x18c: {  	v0 =	vadd.f32 v2, v0;
	v8 =	vmul.f32 v8, v10;
	v2 =	vmul.f32 v5, v10;
	v10 =	vld [tilespmem:$0x1FD30]  }
0x18d: {  	v3 =	vld [tilespmem:s16+$0x210];
	v6 =	vsub.f32 v6, v21;
	_ =	sdelay $0x1  }
0x18e: {  	v6 =	vmul.f32 v6, v6  }
0x18f: {  	v1 =	vadd.f32 v8, v1;
	v8 =	vld [tilespmem:$0x1FF00]  }
0x190: {  	v0 =	vadd.f32 v2, v0;
	v9 =	vmul.f32 v9, v10;
	v2 =	vmul.f32 v6, v10;
	v10 =	vld [tilespmem:$0x1FD00]  }
0x191: {  	v7 =	vld [tilespmem:s16+$0x230];
	v3 =	vsub.f32 v3, v21;
	_ =	sdelay $0x1  }
0x192: {  	v3 =	vmul.f32 v3, v3  }
0x193: {  	v1 =	vadd.f32 v9, v1;
	v9 =	vld [tilespmem:$0x1FF10]  }
0x194: {  	v0 =	vadd.f32 v2, v0;
	v8 =	vmul.f32 v8, v10;
	v2 =	vmul.f32 v3, v10;
	v10 =	vld [tilespmem:$0x1FD10]  }
0x195: {  	v4 =	vld [tilespmem:s16+$0x250];
	v7 =	vsub.f32 v7, v21;
	_ =	sdelay $0x1  }
0x196: {  	v7 =	vmul.f32 v7, v7  }
0x197: {  	v1 =	vadd.f32 v8, v1;
	v8 =	vld [tilespmem:$0x1FEF0]  }
0x198: {  	v0 =	vadd.f32 v2, v0;
	v9 =	vmul.f32 v9, v10;
	v2 =	vmul.f32 v7, v10;
	v10 =	vld [tilespmem:$0x1FCE0]  }
0x199: {  	v5 =	vld [tilespmem:s16+$0x270];
	v4 =	vsub.f32 v4, v21;
	_ =	sdelay $0x1  }
0x19a: {  	v4 =	vmul.f32 v4, v4;
	_ =	sdelay $0x1  }
0x19b: {  	v0 =	vadd.f32 v2, v0;
	v8 =	vmul.f32 v8, v10;
	v2 =	vmul.f32 v4, v10;
	v10 =	vld [tilespmem:$0x1FCF0]  }
0x19c: {  	v6 =	vld [tilespmem:s16+$0x290];
	v5 =	vsub.f32 v5, v21  }
0x19d: {  	v1 =	vadd.f32 v9, v1  }
0x19e: {  	v14 =	vld [tilespmem:$0x1FCA0];
	v5 =	vmul.f32 v5, v5  }
0x19f: {  	v1 =	vadd.f32 v8, v1;
	v8 =	vld [tilespmem:$0x1FED0]  }
0x1a0: {  	v0 =	vadd.f32 v2, v0;
	v9 =	vmul.f32 v48, v10;
	v2 =	vmul.f32 v5, v10;
	v10 =	vld [tilespmem:$0x1FCD0]  }
0x1a1: {  	v11 =	vld [tilespmem:$0x1FCB0];
	v6 =	vsub.f32 v6, v21  }
0x1a2: {  	v3 =	vld [tilespmem:s16+$0x2B0]  }
0x1a3: {  	v6 =	vmul.f32 v6, v6;
	v7 =	vld [tilespmem:s16+$0x2D0]  }
0x1a4: {  	v4 =	vld [tilespmem:s16+$0x2F0];
	v1 =	vadd.f32 v9, v1  }
0x1a5: {  	v0 =	vadd.f32 v2, v0;
	v8 =	vmul.f32 v8, v10;
	v2 =	vmul.f32 v6, v10;
	v10 =	vld [tilespmem:$0x1FEE0]  }
0x1a6: {  	v13 =	vld [tilespmem:$0x1FCC0]  }
0x1a7: {  	v3 =	vsub.f32 v3, v21;
	v1 =	vadd.f32 v8, v1;
	v8 =	vld [tilespmem:$0x1FEB0]  }
0x1a8: {  	v5 =	vld [tilespmem:s16+$0x310]  }
0x1a9: {  	v15 =	vld [tilespmem:$0x1FC80];
	v3 =	vmul.f32 v3, v3;
	v7 =	vsub.f32 v7, v21  }
0x1aa: {  	v4 =	vsub.f32 v4, v21;
	v6 =	vld [tilespmem:s17+$0x330];
	v10 =	vmul.f32 v10, v11  }
0x1ab: {  	v7 =	vmul.f32 v7, v7;
	v0 =	vadd.f32 v2, v0;
	v2 =	vmul.f32 v3, v11;
	v3 =	vld [tilespmem:s17+$0x350]  }
0x1ac: {  	v4 =	vmul.f32 v4, v4;
	v11 =	vld [tilespmem:s17+$0x370];
	v8 =	vmul.f32 v8, v13;
	v1 =	vadd.f32 v10, v1  }
0x1ad: {  	v5 =	vsub.f32 v5, v21;
	v0 =	vadd.f32 v2, v0;
	v2 =	vmul.f32 v7, v13;
	v10 =	vld [tilespmem:$0x1FEC0]  }
0x1ae: {  	v1 =	vadd.f32 v8, v1;
	v8 =	vld [tilespmem:$0x1FE90]  }
0x1af: {  	v5 =	vmul.f32 v5, v5;
	v0 =	vadd.f32 v2, v0;
	v2 =	vmul.f32 v4, v14;
	_ =	sdelay $0x1  }
0x1b0: {  	s18 =	sadd.s32 $0x40, s18;
	v6 =	vsub.f32 v6, v21;
	v0 =	vadd.f32 v2, v0;
	v2 =	vmul.f32 v5, v15;
	v5 =	vld [tilespmem:$0x1FEA0]  }
0x1b1: {  	v3 =	vsub.f32 v3, v21;
	v11 =	vsub.f32 v11, v21;
	v21 =	vld [tilespmem:s18+$0x0]  }
0x1b2: {  	v10 =	vmul.f32 v10, v14;
	v8 =	vmul.f32 v8, v15;
	v15 =	vld [tilespmem:$0x1FC90];
	_ =	sdelay $0x1  }
0x1b3: {  	s20 =	sshra.s32 s19, $0x2;
	v1 =	vadd.f32 v10, v1  }
0x1b4: {  	v23 =	vld [tilespmem:s20+$0x0];
	v6 =	vmul.f32 v6, v6  }
0x1b5: {  	v22 =	vbroadcast v21, $0x6;
	v1 =	vadd.f32 v8, v1;
	v8 =	vld [tilespmem:$0x1FE70]  }
0x1b6: {  	s16 =	sadd.s32 $0x700, s16;
	v0 =	vadd.f32 v2, v0;
	v5 =	vmul.f32 v5, v15;
	v2 =	vmul.f32 v6, v15;
	v15 =	vld [tilespmem:$0x1FC70]  }
0x1b7: {  	v12 =	vld [tilespmem:s16+$0x340]  }
0x1b8: {  	v9 =	vld [tilespmem:s16+$0x360];
	[tilespmem:$0x1FD60] =	vst v22;
	v22 =	vbroadcast v21, $0x7  }
0x1b9: {  	v3 =	vmul.f32 v3, v3;
	v10 =	vld [tilespmem:s18+$0x10]  }
0x1ba: {  	v7 =	vld [tilespmem:s16+$0x320];
	[tilespmem:$0x1FD70] =	vst v22;
	v22 =	vbroadcast v21, $0x4  }
0x1bb: {  	v0 =	vadd.f32 v2, v0;
	v8 =	vmul.f32 v8, v15;
	v2 =	vmul.f32 v3, v15;
	v15 =	vld [tilespmem:$0x1FC60]  }
0x1bc: {  	v1 =	vadd.f32 v5, v1;
	v3 =	vld [tilespmem:$0x1FE80]  }
0x1bd: {  	v16 =	vld [tilespmem:s16+$0x280];
	[tilespmem:$0x1FD80] =	vst v22;
	v22 =	vbroadcast v21, $0x5  }
0x1be: {  	v14 =	vld [tilespmem:s16+$0x2C0];
	v5 =	vadd.f32 v8, v1;
	v8 =	vbroadcast v10, $0x7  }
0x1bf: {  	[tilespmem:$0x1FD90] =	vst v22;
	v22 =	vbroadcast v21, $0x3;
	v1 =	vsub.f32 v9, v23  }
0x1c0: {  	v11 =	vmul.f32 v11, v11;
	v0 =	vadd.f32 v2, v0;
	[tilespmem:$0x1FC60] =	vst v8;
	v8 =	vbroadcast v10, $0x6  }
0x1c1: {  	[tilespmem:$0x1FDB0] =	vst v22;
	v9 =	vsub.f32 v7, v23;
	v1 =	vmul.f32 v1, v1;
	v3 =	vmul.f32 v3, v15  }
0x1c2: {  	v2 =	vmul.f32 v11, v15;
	v11 =	vsub.f32 v12, v23;
	v12 =	vbroadcast v21, $0xC;
	[tilespmem:$0x1FC70] =	vst v8  }
0x1c3: {  	v7 =	vld [tilespmem:s16+$0x1C0];
	v15 =	vsub.f32 v14, v23;
	v14 =	vsub.f32 v16, v23;
	v16 =	vbroadcast v21, $0xA;
	[tilespmem:$0x1FE80] =	vst v1  }
0x1c4: {  	v20 =	vadd.f32 v2, v0;
	v2 =	vbroadcast v10, $0x4;
	[tilespmem:$0x1FD00] =	vst v12  }
0x1c5: {  	v13 =	vld [tilespmem:s16+$0x300];
	v42 =	vadd.f32 v3, v5;
	v3 =	vbroadcast v10, $0x3;
	[tilespmem:$0x1FD20] =	vst v16  }
0x1c6: {  	v12 =	vbroadcast v21, $0xD;
	[tilespmem:$0x1FC80] =	vst v2  }
0x1c7: {  	v16 =	vbroadcast v21, $0xB;
	[tilespmem:$0x1FCA0] =	vst v3  }
0x1c8: {  	v24 =	vld [tilespmem:s18+$0xFFFFFFE0];
	v28 =	vsub.f32 v7, v23;
	v7 =	vbroadcast v21, $0x0;
	[tilespmem:$0x1FD10] =	vst v12  }
0x1c9: {  	v17 =	vld [tilespmem:s16+$0x260];
	v11 =	vmul.f32 v11, v11;
	[tilespmem:$0x1FD30] =	vst v16  }
0x1ca: {  	v4 =	vld [tilespmem:s16+$0x2E0];
	v8 =	vsub.f32 v13, v23;
	v15 =	vmul.f32 v15, v15;
	[tilespmem:$0x1FDC0] =	vst v7  }
0x1cb: {  	v18 =	vld [tilespmem:s16+$0x240];
	v14 =	vmul.f32 v14, v14;
	[tilespmem:$0x1FE70] =	vst v11  }
0x1cc: {  	v19 =	vld [tilespmem:s16+$0x220];
	v8 =	vmul.f32 v8, v8;
	[tilespmem:$0x1FEB0] =	vst v15  }
0x1cd: {  	v34 =	vld [tilespmem:s16+$0x20];
	v2 =	vbroadcast v10, $0x5;
	[tilespmem:$0x1FED0] =	vst v14  }
0x1ce: {  	v37 =	vld [tilespmem:s16+$0x0];
	v3 =	vbroadcast v10, $0x1;
	[tilespmem:$0x1FE90] =	vst v8  }
0x1cf: {  	v41 =	vld [tilespmem:s16+$0xFFFFFFE0];
	v5 =	vsub.f32 v4, v23;
	v16 =	vbroadcast v21, $0x8;
	[tilespmem:$0x1FC90] =	vst v2  }
0x1d0: {  	v45 =	vld [tilespmem:s16+$0xFFFFFFC0];
	v18 =	vsub.f32 v18, v23;
	v7 =	vbroadcast v21, $0x1;
	[tilespmem:$0x1FCB0] =	vst v3  }
0x1d1: {  	v13 =	vld [tilespmem:s16+$0x140];
	v5 =	vmul.f32 v5, v5;
	[tilespmem:$0x1FD40] =	vst v16  }
0x1d2: {  	v0 =	vld [tilespmem:s16+$0x200];
	v15 =	vmul.f32 v18, v18;
	[tilespmem:$0x1FDD0] =	vst v7  }
0x1d3: {  	v12 =	vsub.f32 v17, v23;
	v17 =	vld [tilespmem:s18+$0xFFFFFFF0];
	v8 =	vmul.f32 v9, v9;
	[tilespmem:$0x1FEC0] =	vst v5  }
0x1d4: {  	v47 =	vld [tilespmem:s16+$0xFFFFFFA0];
	v3 =	vbroadcast v10, $0x2;
	[tilespmem:$0x1FEF0] =	vst v15  }
0x1d5: {  	v54 =	vld [tilespmem:s16+$0xFFFFFF80];
	v16 =	vbroadcast v21, $0x9;
	[tilespmem:$0x1FEA0] =	vst v8  }
0x1d6: {  	v6 =	vld [tilespmem:s16+$0x2A0];
	[tilespmem:$0x1FCC0] =	vst v3;
	v3 =	vbroadcast v10, $0x0  }
0x1d7: {  	v27 =	vbroadcast v24, $0xA;
	v2 =	vld [tilespmem:s16+$0x1E0];
	v25 =	vsub.f32 v0, v23;
	v10 =	vbroadcast v21, $0xE;
	[tilespmem:$0x1FD50] =	vst v16  }
0x1d8: {  	v30 =	vbroadcast v24, $0x9;
	v4 =	vld [tilespmem:s16+$0x1A0];
	v32 =	vsub.f32 v13, v23;
	v13 =	vbroadcast v17, $0x8;
	[tilespmem:$0x1FCD0] =	vst v3  }
0x1d9: {  	v35 =	vbroadcast v24, $0x6;
	v58 =	vld [tilespmem:s16+$0xFFFFFF60];
	v15 =	vmul.f32 v25, v25;
	[tilespmem:$0x1FCE0] =	vst v10  }
0x1da: {  	v39 =	vbroadcast v24, $0x4;
	v62 =	vld [tilespmem:s16+$0xFFFFFF40];
	v25 =	vmul.f32 v28, v28;
	[tilespmem:$0x1FE40] =	vst v13  }
0x1db: {  	v38 =	vbroadcast v24, $0x5;
	v3 =	vsub.f32 v6, v23;
	v6 =	vld [tilespmem:s16+$0x180];
	v10 =	vbroadcast v21, $0xF;
	[tilespmem:$0x1FF00] =	vst v15  }
0x1dc: {  	v43 =	vbroadcast v24, $0x2;
	v48 =	vld [tilespmem:s16+$0xFFFFFF00];
	v26 =	vsub.f32 v2, v23;
	v2 =	vbroadcast v21, $0x2;
	[tilespmem:$0x1FF20] =	vst v25  }
0x1dd: {  	v1 =	vld [tilespmem:s16+$0xFFFFFEA0];
	v16 =	vsub.f32 v19, v23;
	v21 =	vsub.f32 v4, v23;
	v4 =	vbroadcast v17, $0xE;
	[tilespmem:$0x1FCF0] =	vst v10  }
0x1de: {  	v46 =	vbroadcast v24, $0x0;
	v22 =	vld [tilespmem:s16+$0x40];
	v13 =	vbroadcast v17, $0x9;
	[tilespmem:$0x1FDA0] =	vst v2  }
0x1df: {  	v63 =	vld [tilespmem:s16+$0xFFFFFF20];
	v59 =	vsub.f32 v34, v23;
	v34 =	vbroadcast v24, $0x7;
	v15 =	vmul.f32 v16, v16;
	[tilespmem:$0x1FDE0] =	vst v4  }
0x1e0: {  	v49 =	vld [tilespmem:s16+$0xFFFFFEE0];
	v37 =	vsub.f32 v37, v23;
	v3 =	vmul.f32 v3, v3;
	[tilespmem:$0x1FE50] =	vst v13;
	v29 =	vsub.f32 v6, v23  }
0x1e1: {  	v41 =	vsub.f32 v41, v23;
	v52 =	vsub.f32 v47, v23;
	v10 =	vld [tilespmem:s16+$0x160];
	v4 =	vbroadcast v17, $0xF;
	[tilespmem:$0x1FF10] =	vst v15  }
0x1e2: {  	v47 =	vld [tilespmem:s16+$0xFFFFFEC0];
	v14 =	vsub.f32 v48, v23;
	v48 =	vsub.f32 v1, v23;
	[tilespmem:$0x1FEE0] =	vst v3;
	v1 =	vmul.f32 v29, v29  }
0x1e3: {  	v55 =	vsub.f32 v22, v23;
	v22 =	vbroadcast v24, $0x3;
	v0 =	vld [tilespmem:s16+$0x100];
	v13 =	vbroadcast v17, $0x7;
	[tilespmem:$0x1FDF0] =	vst v4  }
0x1e4: {  	v11 =	vsub.f32 v58, v23;
	v58 =	vld [tilespmem:s16+$0xFFFFFCC0];
	v9 =	vsub.f32 v62, v23;
	[tilespmem:$0x1FF40] =	vst v1;
	v1 =	vmul.f32 v21, v21  }
0x1e5: {  	v62 =	vsub.f32 v63, v23;
	v63 =	vmul.f32 v12, v12;
	v19 =	vld [tilespmem:s16+$0x120];
	v25 =	vmul.f32 v26, v26;
	[tilespmem:$0x1FE60] =	vst v13  }
0x1e6: {  	v7 =	vld [tilespmem:s16+$0xC0];
	v9 =	vmul.f32 v9, v9;
	v31 =	vsub.f32 v10, v23;
	[tilespmem:$0x1FF50] =	vst v1;
	v1 =	vmul.f32 v32, v32  }
0x1e7: {  	v45 =	vsub.f32 v45, v23;
	v5 =	vld [tilespmem:s16+$0xFFFFFE60];
	v53 =	vbroadcast v17, $0x6;
	v6 =	vbroadcast v17, $0xC;
	[tilespmem:$0x1FF30] =	vst v25  }
0x1e8: {  	v12 =	vld [tilespmem:s16+$0xFFFFFE20];
	v57 =	vbroadcast v17, $0x4;
	v33 =	vsub.f32 v0, v23;
	[tilespmem:$0x1FF60] =	vst v1;
	v1 =	vmul.f32 v31, v31  }
0x1e9: {  	v18 =	vsub.f32 v49, v23;
	v56 =	vbroadcast v17, $0x5;
	v2 =	vld [tilespmem:s16+$0xE0];
	[tilespmem:$0x1FE00] =	vst v6;
	v6 =	vbroadcast v17, $0xD  }
0x1ea: {  	v61 =	vbroadcast v17, $0x2;
	v19 =	vsub.f32 v19, v23;
	v15 =	vld [tilespmem:s16+$0xFFFFFE00];
	[tilespmem:$0x1FF70] =	vst v1;
	v1 =	vmul.f32 v33, v33  }
0x1eb: {  	v60 =	vbroadcast v17, $0x3;
	v40 =	vsub.f32 v7, v23;
	v10 =	vbroadcast v17, $0xA;
	[tilespmem:$0x1FE10] =	vst v6;
	v6 =	vld [tilespmem:s16+$0x80]  }
0x1ec: {  	v7 =	vbroadcast v24, $0xB;
	v16 =	vsub.f32 v47, v23;
	v3 =	vld [tilespmem:s16+$0xFFFFFE40];
	[tilespmem:$0x1FF80] =	vst v1;
	v1 =	vmul.f32 v19, v19  }
0x1ed: {  	v0 =	vbroadcast v17, $0x0;
	v26 =	vsub.f32 v5, v23;
	v4 =	vld [tilespmem:s16+$0xA0];
	[tilespmem:$0x1FE20] =	vst v10;
	v10 =	vbroadcast v17, $0xB  }
0x1ee: {  	v8 =	vld [tilespmem:s16+$0xFFFFFE80];
	v5 =	vmul.f32 v52, v52;
	v36 =	vsub.f32 v2, v23;
	[tilespmem:$0x1FF90] =	vst v1;
	v1 =	vmul.f32 v40, v40  }
0x1ef: {  	v28 =	vsub.f32 v12, v23;
	v13 =	vbroadcast v17, $0x1;
	v2 =	vbroadcast v24, $0xE;
	[tilespmem:$0x1FE30] =	vst v10;
	v10 =	vld [tilespmem:s16+$0x60]  }
0x1f0: {  	v25 =	vld [tilespmem:s16+$0xFFFFFDE0];
	v29 =	vsub.f32 v15, v23;
	v50 =	vsub.f32 v6, v23;
	[tilespmem:$0x1FFA0] =	vst v1;
	v1 =	vmul.f32 v36, v36  }
0x1f1: {  	v15 =	vmul.f32 v59, v59;
	v17 =	vbroadcast v24, $0xF;
	v47 =	vsub.f32 v3, v23;
	v31 =	vld [tilespmem:s16+$0xFFFFFD80]  }
0x1f2: {  	v3 =	vmul.f32 v45, v45;
	v44 =	vsub.f32 v4, v23;
	v36 =	vld [tilespmem:s16+$0xFFFFFD60];
	[tilespmem:$0x1FFB0] =	vst v1;
	v1 =	vmul.f32 v50, v50  }
0x1f3: {  	v12 =	vld [tilespmem:s16+$0xFFFFFD40];
	v49 =	vsub.f32 v8, v23;
	v4 =	vbroadcast v24, $0xD;
	v6 =	vbroadcast v24, $0xC  }
0x1f4: {  	v8 =	vld [tilespmem:s16+$0xFFFFFDA0];
	v51 =	vsub.f32 v10, v23;
	v10 =	vbroadcast v24, $0x8;
	[tilespmem:$0x1FFC0] =	vst v1;
	v1 =	vmul.f32 v44, v44  }
0x1f5: {  	v54 =	vsub.f32 v54, v23;
	v21 =	vld [tilespmem:s16+$0xFFFFFDC0];
	v24 =	vbroadcast v24, $0x1;
	v19 =	vmul.f32 v41, v41  }
0x1f6: {  	p0 =	sne.s32 s19, $0xF80;
	v33 =	vsub.f32 v31, v23;
	v31 =	vmul.f32 v62, v62;
	[tilespmem:$0x1FFD0] =	vst v1;
	v1 =	vmul.f32 v55, v55;
	v55 =	vld [tilespmem:s16+$0xFFFFFD20]  }
.Ltmp0:
0x1f7: {  	v59 =	vld [tilespmem:s16+$0xFFFFFC80];
	v50 =	vsub.f32 v25, v23;
	v25 =	vmul.f32 v54, v54;
	v54 =	vsub.f32 v36, v23;
	(pc) =	sbr.rel @p0 .LBB2_2-.Ltmp0, $4  }
0x1f8: {  	v41 =	vld [tilespmem:s16+$0xFFFFFCA0];
	v36 =	vsub.f32 v12, v23;
	v12 =	vmul.f32 v18, v18;
	v18 =	vmul.f32 v49, v49  }
0x1f9: {  	v40 =	vld [tilespmem:s16+$0xFFFFFCE0];
	[tilespmem:$0x1FFE0] =	vst v1;
	v1 =	vmul.f32 v51, v51;
	v51 =	vsub.f32 v8, v23;
	v8 =	vmul.f32 v11, v11  }
0x1fa: {  	v32 =	vsub.f32 v21, v23;
	v44 =	vld [tilespmem:s16+$0xFFFFFC90];
	v11 =	vmul.f32 v14, v14;
	v14 =	vmul.f32 v16, v16  }
0x1fb: {  	s19 =	sadd.s32 $0x80, s19;
	s17 =	smov.u32 s16;
	v16 =	vmul.f32 v48, v48;
	[tilespmem:$0x1FFF0] =	vst v1;
	v1 =	vmul.f32 v37, v37;
	v37 =	vld [tilespmem:s16+$0xFFFFFD00];
	v55 =	vsub.f32 v55, v23  }
0x1fc: {  	v21 =	vld [tilespmem:s20+$0x10]  }
0x1fd: {  	v45 =	vld [tilespmem:s16+$0xFFFFFCB0]  }
0x1fe: {  	v48 =	vsub.f32 v59, v23;
	v49 =	vld [tilespmem:s16+$0xFFFFFCD0]  }
0x1ff: {  	v33 =	vmul.f32 v33, v33;
	v50 =	vmul.f32 v50, v50;
	v41 =	vsub.f32 v41, v23  }
0x200: {  	v59 =	vsub.f32 v58, v23;
	v55 =	vmul.f32 v55, v55;
	v48 =	vmul.f32 v48, v48  }
0x201: {  	v40 =	vsub.f32 v40, v23;
	v41 =	vmul.f32 v41, v41;
	v37 =	vsub.f32 v37, v23  }
0x202: {  	v52 =	vld [tilespmem:s16+$0xFFFFFCF0];
	v48 =	vmul.f32 v48, v46;
	v23 =	vmul.f32 v59, v59;
	v44 =	vsub.f32 v44, v21  }
0x203: {  	v40 =	vmul.f32 v40, v40;
	v45 =	vsub.f32 v45, v21;
	v62 =	vsub.f32 v49, v21  }
0x204: {  	v41 =	vmul.f32 v41, v24;
	v42 =	vadd.f32 v48, v42;
	v23 =	vmul.f32 v23, v43  }
0x205: {  	v49 =	vld [tilespmem:s16+$0xFFFFFD30];
	v44 =	vmul.f32 v44, v44;
	v59 =	vmul.f32 v62, v62  }
0x206: {  	v48 =	vld [tilespmem:s16+$0xFFFFFD10];
	v40 =	vmul.f32 v40, v22;
	v45 =	vmul.f32 v45, v45;
	v41 =	vadd.f32 v41, v42  }
0x207: {  	v62 =	vsub.f32 v52, v21;
	v44 =	vmul.f32 v44, v46;
	v52 =	vmul.f32 v59, v43;
	v59 =	vld [tilespmem:s16+$0xFFFFFD50]  }
0x208: {  	v58 =	vmul.f32 v45, v24;
	v45 =	vmul.f32 v37, v37;
	v23 =	vadd.f32 v23, v41  }
0x209: {  	v33 =	vmul.f32 v33, v10;
	v43 =	vmul.f32 v36, v36;
	v20 =	vadd.f32 v44, v20  }
0x20a: {  	v46 =	vld [tilespmem:s16+$0xFFFFFDB0];
	v49 =	vsub.f32 v49, v21;
	v24 =	vmul.f32 v45, v39;
	v23 =	vadd.f32 v40, v23  }
0x20b: {  	v20 =	vadd.f32 v58, v20;
	v58 =	vmul.f32 v62, v62;
	v62 =	vsub.f32 v48, v21  }
0x20c: {  	v36 =	vmul.f32 v47, v47;
	v59 =	vsub.f32 v59, v21;
	v23 =	vadd.f32 v24, v23  }
0x20d: {  	v24 =	vmul.f32 v43, v35;
	v20 =	vadd.f32 v52, v20;
	v44 =	vmul.f32 v58, v22;
	v52 =	vld [tilespmem:s16+$0xFFFFFD70]  }
0x20e: {  	v48 =	vmul.f32 v62, v62;
	v58 =	vmul.f32 v49, v49;
	v62 =	vld [tilespmem:s16+$0xFFFFFD90]  }
0x20f: {  	v22 =	vmul.f32 v55, v38;
	v55 =	vld [tilespmem:s16+$0xFFFFFDD0];
	v45 =	vmul.f32 v59, v59;
	v59 =	vsub.f32 v46, v21  }
0x210: {  	v20 =	vadd.f32 v44, v20;
	v37 =	vmul.f32 v48, v39;
	v44 =	vmul.f32 v58, v38  }
0x211: {  	v41 =	vld [tilespmem:s16+$0xFFFFFE10];
	v22 =	vadd.f32 v22, v23;
	v38 =	vmul.f32 v51, v51;
	v49 =	vmul.f32 v45, v35  }
0x212: {  	v51 =	vld [tilespmem:s16+$0xFFFFFE50];
	v40 =	vmul.f32 v59, v59;
	v45 =	vmul.f32 v32, v32;
	v20 =	vadd.f32 v37, v20  }
0x213: {  	v59 =	vld [tilespmem:s16+$0xFFFFFE70];
	v43 =	vmul.f32 v38, v30;
	v48 =	vsub.f32 v52, v21;
	v52 =	vmul.f32 v54, v54  }
0x214: {  	v37 =	vld [tilespmem:s16+$0xFFFFFE90];
	v54 =	vsub.f32 v62, v21;
	v42 =	vsub.f32 v55, v21;
	v55 =	vmul.f32 v29, v29  }
0x215: {  	v62 =	vld [tilespmem:s16+$0xFFFFFDF0];
	v20 =	vadd.f32 v44, v20;
	v44 =	vmul.f32 v40, v30;
	v23 =	vmul.f32 v48, v48  }
0x216: {  	v22 =	vadd.f32 v24, v22;
	v58 =	vmul.f32 v52, v34;
	v24 =	vmul.f32 v54, v54  }
0x217: {  	v30 =	vld [tilespmem:s16+$0xFFFFFF70];
	v46 =	vmul.f32 v42, v42;
	v35 =	vsub.f32 v51, v21;
	v20 =	vadd.f32 v49, v20  }
0x218: {  	v42 =	vld [tilespmem:s16+$0xFFFFFEB0];
	v23 =	vmul.f32 v23, v34;
	v22 =	vadd.f32 v58, v22;
	v39 =	vmul.f32 v24, v10  }
0x219: {  	v49 =	vld [tilespmem:s16+$0xFFFFFE30];
	v52 =	vmul.f32 v46, v27;
	v24 =	vsub.f32 v41, v21;
	v41 =	vsub.f32 v59, v21  }
0x21a: {  	v51 =	vld [tilespmem:s16+$0xFFFFFEF0];
	v46 =	vsub.f32 v37, v21;
	v37 =	vmul.f32 v31, v56;
	v48 =	vsub.f32 v62, v21  }
0x21b: {  	v59 =	vld [tilespmem:s16+$0xFFFFFF10];
	v20 =	vadd.f32 v23, v20;
	v22 =	vadd.f32 v33, v22;
	v23 =	vmul.f32 v45, v27  }
0x21c: {  	v31 =	vld [tilespmem:$0x1FFF0];
	v24 =	vmul.f32 v24, v24;
	v33 =	vmul.f32 v28, v28  }
0x21d: {  	v45 =	vld [tilespmem:s16+$0xFFFFFED0];
	v54 =	vmul.f32 v48, v48;
	v10 =	vadd.f32 v39, v20;
	v22 =	vadd.f32 v43, v22  }
0x21e: {  	v27 =	vld [tilespmem:s16+$0xFFFFFF50];
	v20 =	vmul.f32 v50, v7;
	v62 =	vsub.f32 v49, v21;
	v39 =	vmul.f32 v35, v35  }
0x21f: {  	v32 =	vmul.f32 v24, v6;
	v38 =	vmul.f32 v33, v4;
	v50 =	vsub.f32 v42, v21;
	v35 =	vld [tilespmem:s16+$0xFFFFFF90]  }
0x220: {  	v22 =	vadd.f32 v23, v22;
	v23 =	vmul.f32 v55, v6;
	v43 =	vmul.f32 v39, v2;
	v39 =	vld [tilespmem:s16+$0xFFFFFFB0]  }
0x221: {  	v10 =	vadd.f32 v44, v10;
	v44 =	vmul.f32 v26, v26;
	v55 =	vmul.f32 v50, v50;
	v50 =	vld [tilespmem:$0x1FE40]  }
0x222: {  	v49 =	vmul.f32 v46, v46;
	v58 =	vmul.f32 v54, v7;
	v26 =	vsub.f32 v59, v21;
	v59 =	vld [tilespmem:s16+$0x30]  }
0x223: {  	v20 =	vadd.f32 v20, v22;
	v22 =	vmul.f32 v62, v62;
	v47 =	vmul.f32 v44, v17;
	v44 =	vld [tilespmem:$0x1FE60]  }
0x224: {  	v10 =	vadd.f32 v52, v10;
	v62 =	vmul.f32 v16, v13;
	v16 =	vmul.f32 v55, v13;
	v13 =	vld [tilespmem:$0x1FE30]  }
0x225: {  	v29 =	vmul.f32 v26, v26;
	v40 =	vmul.f32 v22, v4;
	v22 =	vld [tilespmem:s16+$0xFFFFFF30]  }
0x226: {  	v7 =	vadd.f32 v58, v10;
	v10 =	vmul.f32 v36, v2;
	v36 =	vsub.f32 v27, v21;
	v27 =	vld [tilespmem:$0x1FDE0]  }
0x227: {  	v24 =	vmul.f32 v14, v61;
	v20 =	vadd.f32 v23, v20;
	v33 =	vmul.f32 v29, v57;
	v29 =	vld [tilespmem:s16+$0xD0]  }
0x228: {  	v58 =	vsub.f32 v45, v21;
	v23 =	vsub.f32 v51, v21;
	v51 =	vmul.f32 v25, v50;
	v25 =	vld [tilespmem:s16+$0xB0]  }
0x229: {  	v54 =	vmul.f32 v49, v0;
	v49 =	vsub.f32 v39, v21;
	v39 =	vld [tilespmem:$0x1FFD0];
	v6 =	vadd.f32 v32, v7  }
0x22a: {  	v52 =	vmul.f32 v18, v0;
	v20 =	vadd.f32 v38, v20;
	v38 =	vsub.f32 v30, v21;
	v30 =	vld [tilespmem:$0x1FDF0]  }
0x22b: {  	v7 =	vmul.f32 v41, v41;
	v32 =	vmul.f32 v11, v57;
	v11 =	vld [tilespmem:$0x1FD40];
	v4 =	vadd.f32 v40, v6  }
0x22c: {  	v18 =	vmul.f32 v58, v58;
	v14 =	vmul.f32 v19, v13;
	v19 =	vld [tilespmem:s16+$0x90];
	v10 =	vadd.f32 v10, v20  }
0x22d: {  	v48 =	vmul.f32 v7, v17;
	v17 =	vld [tilespmem:s16+$0x70];
	v2 =	vadd.f32 v43, v4  }
0x22e: {  	v7 =	vmul.f32 v18, v61;
	v18 =	vld [tilespmem:$0x1FE00];
	v4 =	vadd.f32 v47, v10  }
0x22f: {  	v6 =	vmul.f32 v23, v23;
	v41 =	vmul.f32 v38, v38;
	v38 =	vld [tilespmem:$0x1FDD0];
	v2 =	vadd.f32 v48, v2  }
0x230: {  	v28 =	vmul.f32 v12, v60;
	v43 =	vld [tilespmem:s16+$0xFFFFFFD0];
	v4 =	vadd.f32 v52, v4  }
0x231: {  	v42 =	vsub.f32 v35, v21;
	v6 =	vmul.f32 v6, v60;
	v60 =	vld [tilespmem:$0x1FE20];
	v0 =	vadd.f32 v54, v2  }
0x232: {  	v10 =	vsub.f32 v22, v21;
	v22 =	vld [tilespmem:$0x1FE10];
	v4 =	vadd.f32 v62, v4  }
0x233: {  	v46 =	vmul.f32 v41, v44;
	v41 =	vld [tilespmem:$0x1FDA0];
	v0 =	vadd.f32 v16, v0  }
0x234: {  	v47 =	vmul.f32 v42, v42;
	v42 =	vld [tilespmem:$0x1FFA0];
	v2 =	vadd.f32 v24, v4  }
0x235: {  	v45 =	vmul.f32 v8, v44;
	v44 =	vld [tilespmem:$0x1FDB0];
	v0 =	vadd.f32 v7, v0  }
0x236: {  	v48 =	vld [tilespmem:s16+$0xFFFFFFF0];
	v2 =	vadd.f32 v28, v2  }
0x237: {  	v34 =	vmul.f32 v10, v10;
	v26 =	vsub.f32 v17, v21;
	v17 =	vld [tilespmem:s16+$0x230];
	v0 =	vadd.f32 v6, v0  }
0x238: {  	v54 =	vld [tilespmem:$0x1FE50];
	v2 =	vadd.f32 v32, v2  }
0x239: {  	v62 =	vld [tilespmem:s16+$0x50];
	v4 =	vmul.f32 v36, v36;
	v7 =	vmul.f32 v34, v56;
	v0 =	vadd.f32 v33, v0  }
0x23a: {  	v40 =	vmul.f32 v9, v53;
	v52 =	vsub.f32 v43, v21;
	v43 =	vld [tilespmem:s16+$0x150];
	v2 =	vadd.f32 v37, v2  }
0x23b: {  	v23 =	vmul.f32 v15, v22;
	v15 =	vld [tilespmem:$0x1FF50];
	v4 =	vmul.f32 v4, v53;
	v0 =	vadd.f32 v7, v0  }
0x23c: {  	v36 =	vld [tilespmem:s16+$0x110];
	v2 =	vadd.f32 v40, v2  }
0x23d: {  	v57 =	vmul.f32 v52, v52;
	v52 =	vld [tilespmem:$0x1FD90];
	v0 =	vadd.f32 v4, v0  }
0x23e: {  	v58 =	vsub.f32 v48, v21;
	v53 =	vld [tilespmem:s16+$0x10];
	v2 =	vadd.f32 v45, v2  }
0x23f: {  	v28 =	vld [tilespmem:$0x1FFE0];
	v6 =	vmul.f32 v49, v49;
	v7 =	vmul.f32 v47, v50;
	v0 =	vadd.f32 v46, v0  }
0x240: {  	v16 =	vsub.f32 v59, v21;
	v34 =	vld [tilespmem:$0x1FFC0];
	v55 =	vmul.f32 v5, v54;
	v2 =	vadd.f32 v51, v2  }
0x241: {  	v61 =	vmul.f32 v58, v58;
	v58 =	vld [tilespmem:s16+$0x1D0];
	v56 =	vmul.f32 v6, v54;
	v0 =	vadd.f32 v7, v0  }
0x242: {  	v3 =	vmul.f32 v3, v60;
	v20 =	vmul.f32 v16, v16;
	v32 =	vld [tilespmem:s16+$0xF0];
	v2 =	vadd.f32 v55, v2  }
0x243: {  	v49 =	vld [tilespmem:$0x1FD80];
	v12 =	vsub.f32 v53, v21;
	v4 =	vmul.f32 v57, v60;
	v0 =	vadd.f32 v56, v0  }
0x244: {  	v24 =	vmul.f32 v20, v22;
	v20 =	vld [tilespmem:$0x1FF20];
	v2 =	vadd.f32 v3, v2  }
0x245: {  	v22 =	vld [tilespmem:s16+$0x250];
	v5 =	vmul.f32 v61, v13;
	v3 =	vmul.f32 v12, v12;
	v0 =	vadd.f32 v4, v0  }
0x246: {  	v1 =	vmul.f32 v1, v18;
	v61 =	vld [tilespmem:$0x1FF70];
	v6 =	vsub.f32 v62, v21;
	v2 =	vadd.f32 v14, v2  }
0x247: {  	v13 =	vld [tilespmem:s16+$0x210];
	v3 =	vmul.f32 v3, v18;
	v0 =	vadd.f32 v5, v0  }
0x248: {  	v33 =	vld [tilespmem:$0x1FDC0];
	v6 =	vmul.f32 v6, v6;
	v1 =	vadd.f32 v1, v2  }
0x249: {  	v37 =	vsub.f32 v29, v21;
	v54 =	vld [tilespmem:s16+$0x1B0];
	v0 =	vadd.f32 v3, v0  }
0x24a: {  	v40 =	vld [tilespmem:s16+$0x130];
	v6 =	vmul.f32 v6, v27;
	v1 =	vadd.f32 v23, v1;
	v3 =	vmul.f32 v28, v27  }
0x24b: {  	v62 =	vld [tilespmem:s16+$0x1F0];
	v4 =	vsub.f32 v19, v21;
	v2 =	vmul.f32 v26, v26;
	v0 =	vadd.f32 v24, v0  }
0x24c: {  	v29 =	vld [tilespmem:s16+$0x290];
	v5 =	vsub.f32 v25, v21;
	v1 =	vadd.f32 v3, v1;
	v3 =	vmul.f32 v31, v30  }
0x24d: {  	v53 =	vld [tilespmem:$0x1FF90];
	v4 =	vmul.f32 v4, v4;
	v2 =	vmul.f32 v2, v30;
	v0 =	vadd.f32 v6, v0  }
0x24e: {  	v47 =	vld [tilespmem:s16+$0x170];
	v5 =	vmul.f32 v5, v5;
	v1 =	vadd.f32 v3, v1;
	v3 =	vmul.f32 v34, v33  }
0x24f: {  	v45 =	vld [tilespmem:$0x1FFB0];
	v48 =	vsub.f32 v40, v21;
	v35 =	vmul.f32 v4, v33;
	v0 =	vadd.f32 v2, v0  }
0x250: {  	v51 =	vld [tilespmem:s16+$0x190];
	v5 =	vmul.f32 v5, v38;
	v1 =	vadd.f32 v3, v1;
	v2 =	vmul.f32 v39, v38  }
0x251: {  	v50 =	vld [tilespmem:$0x1FF80];
	v6 =	vsub.f32 v32, v21;
	v3 =	vmul.f32 v37, v37;
	v0 =	vadd.f32 v35, v0  }
0x252: {  	v60 =	vld [tilespmem:$0x1FD70];
	v4 =	vsub.f32 v36, v21;
	v1 =	vadd.f32 v2, v1;
	v2 =	vmul.f32 v42, v41  }
0x253: {  	v40 =	vld [tilespmem:s16+$0x2F0];
	v6 =	vmul.f32 v6, v6;
	v3 =	vmul.f32 v3, v41;
	v0 =	vadd.f32 v5, v0  }
0x254: {  	v55 =	vld [tilespmem:$0x1FD60];
	v4 =	vmul.f32 v4, v4;
	v1 =	vadd.f32 v2, v1;
	v2 =	vmul.f32 v45, v44  }
0x255: {  	v56 =	vld [tilespmem:$0x1FF60];
	v59 =	vsub.f32 v51, v21;
	v46 =	vmul.f32 v6, v44;
	v0 =	vadd.f32 v3, v0  }
0x256: {  	v12 =	vld [tilespmem:$0x1FF40];
	v4 =	vmul.f32 v4, v49;
	v1 =	vadd.f32 v2, v1;
	v3 =	vmul.f32 v50, v49  }
0x257: {  	v51 =	vld [tilespmem:s17+$0x350];
	v5 =	vsub.f32 v43, v21;
	v2 =	vmul.f32 v48, v48;
	v0 =	vadd.f32 v46, v0  }
0x258: {  	v14 =	vld [tilespmem:$0x1FD50];
	v6 =	vsub.f32 v47, v21;
	v1 =	vadd.f32 v3, v1;
	v3 =	vmul.f32 v53, v52  }
0x259: {  	v19 =	vld [tilespmem:$0x1FD20];
	v5 =	vmul.f32 v5, v5;
	v2 =	vmul.f32 v2, v52;
	v0 =	vadd.f32 v4, v0  }
0x25a: {  	v25 =	vld [tilespmem:s16+$0x270];
	v6 =	vmul.f32 v6, v6;
	v1 =	vadd.f32 v3, v1;
	v3 =	vmul.f32 v56, v55  }
0x25b: {  	v26 =	vld [tilespmem:$0x1FD00];
	v57 =	vmul.f32 v5, v55;
	v0 =	vadd.f32 v2, v0  }
0x25c: {  	v23 =	vld [tilespmem:$0x1FD30];
	v6 =	vmul.f32 v6, v60;
	v1 =	vadd.f32 v3, v1;
	v2 =	vmul.f32 v61, v60  }
0x25d: {  	v27 =	vld [tilespmem:$0x1FF00];
	v4 =	vsub.f32 v54, v21;
	v3 =	vmul.f32 v59, v59;
	v0 =	vadd.f32 v57, v0  }
0x25e: {  	v36 =	vld [tilespmem:s16+$0x2D0];
	v5 =	vsub.f32 v58, v21;
	v1 =	vadd.f32 v2, v1;
	v2 =	vmul.f32 v12, v11  }
0x25f: {  	v24 =	vld [tilespmem:$0x1FF30];
	v4 =	vmul.f32 v4, v4;
	v3 =	vmul.f32 v3, v11;
	v0 =	vadd.f32 v6, v0  }
0x260: {  	v31 =	vld [tilespmem:$0x1FD10];
	v5 =	vmul.f32 v5, v5;
	v1 =	vadd.f32 v2, v1;
	v2 =	vmul.f32 v15, v14  }
0x261: {  	v18 =	vsub.f32 v62, v21;
	v32 =	vld [tilespmem:$0x1FF10];
	v16 =	vmul.f32 v4, v14;
	v0 =	vadd.f32 v3, v0  }
0x262: {  	v33 =	vld [tilespmem:s16+$0x2B0];
	v5 =	vmul.f32 v5, v19;
	v1 =	vadd.f32 v2, v1;
	v3 =	vmul.f32 v20, v19  }
0x263: {  	v34 =	vld [tilespmem:$0x1FCE0];
	v6 =	vsub.f32 v13, v21;
	v2 =	vmul.f32 v18, v18;
	v0 =	vadd.f32 v16, v0  }
0x264: {  	v37 =	vld [tilespmem:$0x1FCF0];
	v4 =	vsub.f32 v17, v21;
	v1 =	vadd.f32 v3, v1;
	v3 =	vmul.f32 v24, v23  }
0x265: {  	v35 =	vld [tilespmem:$0x1FEF0];
	v6 =	vmul.f32 v6, v6;
	v2 =	vmul.f32 v2, v23;
	v0 =	vadd.f32 v5, v0  }
0x266: {  	v42 =	vld [tilespmem:$0x1FCD0];
	v4 =	vmul.f32 v4, v4;
	v1 =	vadd.f32 v3, v1;
	v3 =	vmul.f32 v27, v26  }
0x267: {  	v30 =	vsub.f32 v22, v21;
	v47 =	vld [tilespmem:s17+$0x330];
	v28 =	vmul.f32 v6, v26;
	v0 =	vadd.f32 v2, v0  }
0x268: {  	v43 =	vld [tilespmem:$0x1FED0];
	v4 =	vmul.f32 v4, v31;
	v1 =	vadd.f32 v3, v1;
	v2 =	vmul.f32 v32, v31  }
0x269: {  	v44 =	vld [tilespmem:s16+$0x310];
	v5 =	vsub.f32 v25, v21;
	v3 =	vmul.f32 v30, v30;
	v0 =	vadd.f32 v28, v0  }
0x26a: {  	v45 =	vld [tilespmem:$0x1FCB0];
	v6 =	vsub.f32 v29, v21;
	v1 =	vadd.f32 v2, v1;
	v2 =	vmul.f32 v35, v34  }
0x26b: {  	v46 =	vld [tilespmem:$0x1FEE0];
	v5 =	vmul.f32 v5, v5;
	v3 =	vmul.f32 v3, v34;
	v0 =	vadd.f32 v4, v0  }
0x26c: {  	v38 =	vmul.f32 v63, v37;
	v48 =	vld [tilespmem:$0x1FCC0];
	v6 =	vmul.f32 v6, v6;
	v1 =	vadd.f32 v2, v1  }
0x26d: {  	v41 =	vsub.f32 v33, v21;
	v49 =	vld [tilespmem:$0x1FEB0];
	v39 =	vmul.f32 v5, v37;
	v0 =	vadd.f32 v3, v0  }
0x26e: {  	v53 =	vld [tilespmem:$0x1FCA0];
	v6 =	vmul.f32 v6, v42;
	v1 =	vadd.f32 v38, v1;
	v3 =	vmul.f32 v43, v42  }
0x26f: {  	v54 =	vld [tilespmem:$0x1FEC0];
	v2 =	vmul.f32 v41, v41;
	v4 =	vsub.f32 v36, v21;
	v0 =	vadd.f32 v39, v0  }
0x270: {  	v52 =	vld [tilespmem:s17+$0x370];
	v5 =	vsub.f32 v40, v21;
	v1 =	vadd.f32 v3, v1;
	v3 =	vmul.f32 v46, v45  }
0x271: {  	v55 =	vld [tilespmem:$0x1FC80];
	v2 =	vmul.f32 v2, v45;
	v4 =	vmul.f32 v4, v4;
	v0 =	vadd.f32 v6, v0  }
0x272: {  	v7 =	vsub.f32 v44, v21;
	v56 =	vld [tilespmem:$0x1FE90];
	v1 =	vadd.f32 v3, v1;
	v3 =	vmul.f32 v49, v48  }
0x273: {  	v57 =	vld [tilespmem:$0x1FC90];
	v5 =	vmul.f32 v5, v5;
	v50 =	vmul.f32 v4, v48;
	v0 =	vadd.f32 v2, v0  }
0x274: {  	v58 =	vld [tilespmem:$0x1FEA0];
	v6 =	vsub.f32 v47, v21;
	v1 =	vadd.f32 v3, v1;
	v2 =	vmul.f32 v54, v53  }
0x275: {  	v7 =	vmul.f32 v7, v7;
	v60 =	vld [tilespmem:$0x1FC70];
	v5 =	vmul.f32 v5, v53;
	v0 =	vadd.f32 v50, v0  }
0x276: {  	v61 =	vld [tilespmem:$0x1FE70];
	v4 =	vsub.f32 v51, v21;
	v6 =	vmul.f32 v6, v6;
	v1 =	vadd.f32 v2, v1  }
0x277: {  	v62 =	vld [tilespmem:$0x1FC60];
	v2 =	vmul.f32 v56, v55;
	v0 =	vadd.f32 v5, v0;
	v5 =	vmul.f32 v7, v55  }
0x278: {  	v63 =	vld [tilespmem:$0x1FE80];
	v4 =	vmul.f32 v4, v4;
	v3 =	vsub.f32 v52, v21;
	v59 =	vmul.f32 v6, v57  }
0x279: {  	v1 =	vadd.f32 v2, v1;
	v2 =	vmul.f32 v58, v57;
	v0 =	vadd.f32 v5, v0  }
0x27a: {  	v4 =	vmul.f32 v4, v60;
	v3 =	vmul.f32 v3, v3  }
0x27b: {  	v1 =	vadd.f32 v2, v1;
	v2 =	vmul.f32 v61, v60;
	v0 =	vadd.f32 v59, v0  }
0x27c: {  	v3 =	vmul.f32 v3, v62  }
0x27d: {  	v1 =	vadd.f32 v2, v1;
	v2 =	vmul.f32 v63, v62;
	v0 =	vadd.f32 v4, v0;
	_ =	sdelay $0x1  }
0x27e: {  	v1 =	vadd.f32 v2, v1;
	v0 =	vadd.f32 v3, v0;
	_ =	sdelay $0x1  }
0x27f: {  	s15 =	sadd.s32 $0x1, s15;
	v0 =	vadd.f32 v0, v1  }
0x280: {  	p0 =	sne.s32 s15, s8  }
.Ltmp1:
0x281: {  	[tilespmem:$0xF300] =	vst v0;
	(pc) =	sbr.rel @p0 .LBB2_1-.Ltmp1, $4  }
0x282: {  	[hbm4b:s7+s2] =	stream.linear.scatter [tilespmem:s14], [sflag:$0x2], $0x10, $0x38;
	[tilespmem:$0xF310] =	vst v63  }
0x283: {  	_ =	swait.ge [sflag:s9], $0x10  }
0x284: {  	[sflag:s9] =	ssyncset.done $0x0  }
0x285: {  	[sflag:s9] =	ssyncadd.s32 $0xFFFFFFF0  }
0x286: {  	_ =	sfence.sel $0x180000  }
0x287: {  	[bflag:$0x0] =	sbarrier.arrive $0xFFFF  }
0x288: {  	_ =	strace $0x90000047  }
0x289: {  	s0 =	stileid.u32;
	[bflag:$0x2] =	sbarrier.arrive $0xFFFF  }
0x28a: {  	p0 =	sne.s32 s0, $0x0;
	s0 =	rddreg [dreg:$0x1]  }
0x28b: {  	s0 =	sadd.s32 @!p0 $0x100000, s0  }
0x28c: {  	[sflag:s0] =	ssyncadd.tile.s32 @!p0 $0x1;
	_ =	shalt  }
.Lfunc_end2:
_tile_overlayer_lowered:
.L_overlay_start_2:
0x28d: {  	(tag) =	ssettag $0x2  }
0x28e: {  	s0 =	rddreg [dreg:$0x0];
	s2 =	stileid.u32  }
0x28f: {  	s1 =	rddreg [dreg:$0x1];
	p0 =	sne.s32 s2, $0x0  }
0x290: {  	s3 =	rddreg [dreg:$0x2];
	[bflag:$0x3] =	sbarrier.arrive $0xFFFF;
	s2 =	simm.s32 @!p0 $0x1C02  }
0x291: {  	[timem:s3], [sflag:s2] =	dma.local @!p0 [hbm:s0], s1  }
0x292: {  	s0 =	simm.s32 @!p0 $0x2  }
0x293: {  	_ =	swait.ge @!p0 [sflag:s0], s1  }
0x294: {  	s1 =	ssub.s32 @!p0 $0x0, s1;
	[sflag:s0] =	ssyncset.done @!p0 $0x0  }
0x295: {  	[sflag:s0] =	ssyncadd.s32 @!p0 s1  }
0x296: {  	[bflag:$0x3] =	sbarrier.arrive $0xFFFF  }
0x297: {  	_ =	shalt  }

</sc_bundles>
